<compile_context>
chip_gen: v7x
topology: tpu7x:2x2x1
jax: 0.10.2.dev20260603
libtpu: 0.0.44.dev20260713+nightly
codegen_flags: <defaults>
</compile_context>

<pallas_src>
import functools

import jax
import jax.numpy as jnp
from jax import lax
from jax.experimental import pallas as pl
from jax.experimental.pallas import tpu as pltpu
from jax.experimental.pallas import tpu_sc as plsc

F32 = jnp.float32

NN = 10000
NE = 320000
NC = 2
NS = 16
NW = NC * NS
LANES = 16

EPT = NE // NW

B1 = 100
NB1 = EPT // B1
B2 = 80
NB2 = EPT // B2
G2 = B2 // LANES

CH = 200
NCH = NN // CH
JCH = -(-NCH // NS)


@functools.lru_cache(maxsize=1)
def _sc_mesh():
    return plsc.VectorSubcoreMesh(
        core_axis_name="c", subcore_axis_name="s",
        num_cores=NC, num_subcores=NS)


def _tc1_body(x_ref, ws_ref, wd_ref, os_ref, od_ref):
    xb = x_ref[...]
    os_ref[...] = jnp.dot(xb, ws_ref[...], preferred_element_type=F32)
    od_ref[...] = jnp.dot(xb, wd_ref[...], preferred_element_type=F32)


def _tc1(x, wsrc, wdst):
    return pl.pallas_call(
        _tc1_body,
        grid=(5,),
        in_specs=[
            pl.BlockSpec((2000, 128), lambda i: (i, 0)),
            pl.BlockSpec((128, 80), lambda i: (0, 0)),
            pl.BlockSpec((128, 16), lambda i: (0, 0)),
        ],
        out_specs=[
            pl.BlockSpec((2000, 80), lambda i: (i, 0)),
            pl.BlockSpec((2000, 16), lambda i: (i, 0)),
        ],
        out_shape=[
            jax.ShapeDtypeStruct((NN, 80), F32),
            jax.ShapeDtypeStruct((NN, 16), F32),
        ],
    )(x, wsrc, wdst)


def _sc1_body(src_hbm, dst_hbm, tsrc_hbm, tdst_hbm, out_hbm,
              src_v, dst_v, gbuf0, gbuf1, dbuf0, dbuf1, sbuf0, sbuf1,
              zbuf, nb0, nb1, nb2, nb3, nb4, acc, gs0, gs1, ds0, ds1, ss0, ss1):
    c = lax.axis_index("c")
    s = lax.axis_index("s")
    lane = lax.iota(jnp.int32, LANES)
    zeros16 = jnp.zeros((LANES,), F32)
    selbase = lane >> 3
    sel = [selbase + 2 * j for j in range(4)]
    nbufs = [nb0, nb1, nb2, nb3, nb4]

    def _zrow(i, carry):
        for j in range(5):
            zbuf[i, pl.ds(16 * j, LANES)] = zeros16
        return carry
    lax.fori_loop(0, CH, _zrow, 0)
    for j in range(JCH):
        k = s + NS * j
        @pl.when(k < NCH)
        def _():
            pltpu.sync_copy(zbuf, acc.at[pl.ds(k * CH, CH)])

    w = c * NS + s
    pltpu.sync_copy(src_hbm.at[w], src_v)
    pltpu.sync_copy(dst_hbm.at[w], dst_v)

    plsc.subcore_barrier()

    def g_start(b, gb, db, gsem, dsem):
        pltpu.make_async_copy(tsrc_hbm.at[src_v.at[b]], gb, gsem).start()
        pltpu.make_async_copy(tdst_hbm.at[dst_v.at[b]], db, dsem).start()

    def g_wait(b, gb, db, gsem, dsem):
        pltpu.make_async_copy(tsrc_hbm.at[src_v.at[b]], gb, gsem).wait()
        pltpu.make_async_copy(tdst_hbm.at[dst_v.at[b]], db, dsem).wait()

    def s_start(b, sb, ssem):
        pltpu.make_async_copy(sb, acc.at[dst_v.at[b]], ssem).start(add=True)

    def s_wait(b, sb, ssem):
        pltpu.make_async_copy(sb, acc.at[dst_v.at[b]], ssem).wait()

    def compute(gb, db, sb):
        def _e4(t, ecarry):
            for u in range(5):
                i = 5 * t + u
                nb = nbufs[u]
                av = gb[i, pl.ds(64, LANES)]
                dv = db[i, pl.ds(0, LANES)]
                e = av + dv
                e = jnp.maximum(e, 0.2 * e)
                num = jnp.exp(e)
                nb[...] = num
                for j in range(4):
                    nj = plsc.load_gather(nb, [sel[j]])
                    sb[i, pl.ds(16 * j, LANES)] = gb[i, pl.ds(16 * j, LANES)] * nj
                sb[i, pl.ds(64, LANES)] = num
            return ecarry
        lax.fori_loop(0, B1 // 5, _e4, 0)

    g_start(0, gbuf0, dbuf0, gs0, ds0)

    def _blk2(t, carry):
        b0 = 2 * t
        b1v = b0 + 1
        g_start(b1v, gbuf1, dbuf1, gs1, ds1)
        g_wait(b0, gbuf0, dbuf0, gs0, ds0)
        @pl.when(t > 0)
        def _():
            s_wait(b0 - 2, sbuf0, ss0)
        compute(gbuf0, dbuf0, sbuf0)
        s_start(b0, sbuf0, ss0)
        @pl.when(b0 + 2 < NB1)
        def _():
            g_start(b0 + 2, gbuf0, dbuf0, gs0, ds0)
        g_wait(b1v, gbuf1, dbuf1, gs1, ds1)
        @pl.when(t > 0)
        def _():
            s_wait(b1v - 2, sbuf1, ss1)
        compute(gbuf1, dbuf1, sbuf1)
        s_start(b1v, sbuf1, ss1)
        return carry
    lax.fori_loop(0, NB1 // 2, _blk2, 0)
    s_wait(NB1 - 2, sbuf0, ss0)
    s_wait(NB1 - 1, sbuf1, ss1)

    plsc.subcore_barrier()
    for j in range(JCH):
        k = s + NS * j
        @pl.when(k < NCH)
        def _():
            pltpu.sync_copy(acc.at[pl.ds(k * CH, CH)], out_hbm.at[c, k])


def _sc1(src3d, dst3d, tsrc, tdst):
    fn = pl.kernel(
        _sc1_body,
        out_type=jax.ShapeDtypeStruct((NC, NCH, CH, 80), F32),
        mesh=_sc_mesh(),
        compiler_params=pltpu.CompilerParams(needs_layout_passes=False, use_tc_tiling_on_sc=False),
        scratch_types=[
            pltpu.VMEM((NB1, B1), jnp.int32),
            pltpu.VMEM((NB1, B1), jnp.int32),
            pltpu.VMEM((B1, 80), F32),
            pltpu.VMEM((B1, 80), F32),
            pltpu.VMEM((B1, 16), F32),
            pltpu.VMEM((B1, 16), F32),
            pltpu.VMEM((B1, 80), F32),
            pltpu.VMEM((B1, 80), F32),
            pltpu.VMEM((CH, 80), F32),
            pltpu.VMEM((LANES,), F32),
            pltpu.VMEM((LANES,), F32),
            pltpu.VMEM((LANES,), F32),
            pltpu.VMEM((LANES,), F32),
            pltpu.VMEM((LANES,), F32),
            pltpu.VMEM_SHARED((NN, 80), F32),
            pltpu.SemaphoreType.DMA,
            pltpu.SemaphoreType.DMA,
            pltpu.SemaphoreType.DMA,
            pltpu.SemaphoreType.DMA,
            pltpu.SemaphoreType.DMA,
            pltpu.SemaphoreType.DMA,
        ],
    )
    return fn(src3d, dst3d, tsrc, tdst)


def _tc2_body(p0_ref, p1_ref, ts_ref, td_ref, e88_ref, mmean_ref,
              m2s_ref, m2d_ref, b1_ref, os_ref, od_ref):
    P = p0_ref[...] + p1_ref[...]
    tsb = ts_ref[...]
    h = tsb[:, 0:64]
    a_s = tsb[:, 64:72]
    a_d = td_ref[...][:, 0:8]
    e = a_s + a_d
    e = jnp.maximum(e, 0.2 * e)
    ns = jnp.exp(e)
    e88 = e88_ref[...]
    nse = jnp.dot(ns, e88, preferred_element_type=F32)
    w = P[:, 0:64] + nse * h
    den = P[:, 64:72] + ns
    dene = jnp.dot(den, e88, preferred_element_type=F32)
    out1 = jnp.dot(w / dene, mmean_ref[...], preferred_element_type=F32)
    out1 = out1 + b1_ref[...]
    x2 = jnp.where(out1 > 0, out1, jnp.exp(jnp.minimum(out1, 0.0)) - 1.0)
    os_ref[...] = jnp.dot(x2, m2s_ref[...], preferred_element_type=F32)
    od_ref[...] = jnp.dot(x2, m2d_ref[...], preferred_element_type=F32)


def _tc2(p0, p1, tsrc, tdst, e88, mmean, m2s, m2d, b1r):
    return pl.pallas_call(
        _tc2_body,
        grid=(5,),
        in_specs=[
            pl.BlockSpec((2000, 80), lambda i: (i, 0)),
            pl.BlockSpec((2000, 80), lambda i: (i, 0)),
            pl.BlockSpec((2000, 80), lambda i: (i, 0)),
            pl.BlockSpec((2000, 16), lambda i: (i, 0)),
            pl.BlockSpec((8, 64), lambda i: (0, 0)),
            pl.BlockSpec((64, 8), lambda i: (0, 0)),
            pl.BlockSpec((8, 8), lambda i: (0, 0)),
            pl.BlockSpec((8, 8), lambda i: (0, 0)),
            pl.BlockSpec((1, 8), lambda i: (0, 0)),
        ],
        out_specs=[
            pl.BlockSpec((2000, 8), lambda i: (i, 0)),
            pl.BlockSpec((2000, 8), lambda i: (i, 0)),
        ],
        out_shape=[
            jax.ShapeDtypeStruct((NN, 8), F32),
            jax.ShapeDtypeStruct((NN, 8), F32),
        ],
    )(p0, p1, tsrc, tdst, e88, mmean, m2s, m2d, b1r)


def _sc2_body(src_hbm, dst_hbm, t2_hbm, ad2_hbm, z_hbm, out_hbm,
              src_v, dst_v, t2_v, ad2_v, sbuf0, sbuf1, acc, ss0, ss1):
    c = lax.axis_index("c")
    s = lax.axis_index("s")
    lane = lax.iota(jnp.int32, LANES)
    full7 = lane * 0 + 7

    for j in range(JCH):
        k = s + NS * j
        @pl.when(k < NCH)
        def _():
            pltpu.sync_copy(z_hbm, acc.at[pl.ds(k * CH, CH)])

    w = c * NS + s
    pltpu.sync_copy(src_hbm.at[w], src_v)
    pltpu.sync_copy(dst_hbm.at[w], dst_v)
    pltpu.sync_copy(t2_hbm, t2_v)
    pltpu.sync_copy(ad2_hbm, ad2_v)

    plsc.subcore_barrier()

    def compute(b, sb):
        def _group(k, gcarry):
            s16 = src_v[b, pl.ds(k * LANES, LANES)]
            d16 = dst_v[b, pl.ds(k * LANES, LANES)]
            asv = plsc.load_gather(t2_v, [s16, full7])
            adv = plsc.load_gather(ad2_v, [d16])
            e = asv + adv
            e = jnp.maximum(e, 0.2 * e)
            num = jnp.exp(e)
            eidx = k * LANES + lane
            for j in range(7):
                colj = plsc.load_gather(t2_v, [s16, lane * 0 + j]) * num
                plsc.store_scatter(sb, [eidx, lane * 0 + j], colj)
            plsc.store_scatter(sb, [eidx, full7], num)
            return gcarry
        lax.fori_loop(0, G2, _group, 0)

    def s_start(b, sb, ssem):
        pltpu.make_async_copy(sb, acc.at[dst_v.at[b]], ssem).start(add=True)

    def s_wait(b, sb, ssem):
        pltpu.make_async_copy(sb, acc.at[dst_v.at[b]], ssem).wait()

    def _blk2(t, carry):
        b0 = 2 * t
        b1v = b0 + 1
        @pl.when(t > 0)
        def _():
            s_wait(b0 - 2, sbuf0, ss0)
        compute(b0, sbuf0)
        s_start(b0, sbuf0, ss0)
        @pl.when(t > 0)
        def _():
            s_wait(b1v - 2, sbuf1, ss1)
        compute(b1v, sbuf1)
        s_start(b1v, sbuf1, ss1)
        return carry
    lax.fori_loop(0, NB2 // 2, _blk2, 0)
    s_wait(NB2 - 3, sbuf0, ss0)
    compute(NB2 - 1, sbuf0)
    s_start(NB2 - 1, sbuf0, ss0)
    s_wait(NB2 - 1, sbuf0, ss0)
    s_wait(NB2 - 2, sbuf1, ss1)

    plsc.subcore_barrier()
    for j in range(JCH):
        k = s + NS * j
        @pl.when(k < NCH)
        def _():
            pltpu.sync_copy(acc.at[pl.ds(k * CH, CH)], out_hbm.at[c, k])


def _sc2(src3d, dst3d, t2, ad2, z2):
    fn = pl.kernel(
        _sc2_body,
        out_type=jax.ShapeDtypeStruct((NC, NCH, CH, 8), F32),
        mesh=_sc_mesh(),
        compiler_params=pltpu.CompilerParams(needs_layout_passes=False, use_tc_tiling_on_sc=False),
        scratch_types=[
            pltpu.VMEM((NB2, B2), jnp.int32),
            pltpu.VMEM((NB2, B2), jnp.int32),
            pltpu.VMEM((NN, 8), F32),
            pltpu.VMEM((NN,), F32),
            pltpu.VMEM((B2, 8), F32),
            pltpu.VMEM((B2, 8), F32),
            pltpu.VMEM_SHARED((NN, 8), F32),
            pltpu.SemaphoreType.DMA,
            pltpu.SemaphoreType.DMA,
        ],
    )
    return fn(src3d, dst3d, t2, ad2, z2)


def _tc3_body(q0_ref, q1_ref, ts_ref, td_ref, b2_ref, o_ref):
    Q = q0_ref[...] + q1_ref[...]
    t = ts_ref[...]
    h2 = t[:, 0:7]
    a_s = t[:, 7:8]
    a_d = td_ref[...][:, 0:1]
    e = a_s + a_d
    e = jnp.maximum(e, 0.2 * e)
    n = jnp.exp(e)
    w = Q[:, 0:7] + n * h2
    den = Q[:, 7:8] + n
    o = w / den + b2_ref[...]
    m = jnp.max(o, axis=1, keepdims=True)
    z = o - m
    o_ref[...] = z - jnp.log(jnp.sum(jnp.exp(z), axis=1, keepdims=True))


def _tc3(q0, q1, t2s, t2d, b2r):
    return pl.pallas_call(
        _tc3_body,
        grid=(5,),
        in_specs=[
            pl.BlockSpec((2000, 8), lambda i: (i, 0)),
            pl.BlockSpec((2000, 8), lambda i: (i, 0)),
            pl.BlockSpec((2000, 8), lambda i: (i, 0)),
            pl.BlockSpec((2000, 8), lambda i: (i, 0)),
            pl.BlockSpec((1, 7), lambda i: (0, 0)),
        ],
        out_specs=pl.BlockSpec((2000, 7), lambda i: (i, 0)),
        out_shape=jax.ShapeDtypeStruct((NN, 7), F32),
    )(q0, q1, t2s, t2d, b2r)


def kernel(x, edge_index, W1, a_src1, a_dst1, b1, W2, a_src2, a_dst2, b2):
    src = edge_index[0].astype(jnp.int32)
    dst = edge_index[1].astype(jnp.int32)

    eye8 = jnp.eye(8, dtype=F32)
    A1s = (a_src1.reshape(8, 8)[:, :, None] * eye8[:, None, :]).reshape(64, 8)
    A1d = (a_dst1.reshape(8, 8)[:, :, None] * eye8[:, None, :]).reshape(64, 8)
    wsrc = jnp.concatenate([W1, W1 @ A1s, jnp.zeros((128, 8), F32)], axis=1)
    wdst = jnp.concatenate([W1 @ A1d, jnp.zeros((128, 8), F32)], axis=1)
    e88 = jnp.kron(eye8, jnp.ones((1, 8), F32))
    mmean = jnp.kron(jnp.ones((8, 1), F32), eye8) / 8.0
    as2v = a_src2.reshape(7)
    ad2v = a_dst2.reshape(7)
    m2s = jnp.concatenate([W2, (W2 @ as2v)[:, None]], axis=1)
    m2d = jnp.concatenate([(W2 @ ad2v)[:, None], jnp.zeros((8, 7), F32)],
                          axis=1)
    b1r = b1.reshape(1, 8)
    b2r = b2.reshape(1, 7)

    z2 = jnp.zeros((CH, 8), F32)
    src_r1 = src.reshape(NW, NB1, B1)
    dst_r1 = dst.reshape(NW, NB1, B1)
    src_r2 = src.reshape(NW, NB2, B2)
    dst_r2 = dst.reshape(NW, NB2, B2)

    tsrc, tdst = _tc1(x, wsrc, wdst)
    pacc = _sc1(src_r1, dst_r1, tsrc, tdst).reshape(NC, NN, 80)
    t2s, t2d = _tc2(pacc[0], pacc[1], tsrc, tdst, e88, mmean, m2s, m2d, b1r)
    ad2 = t2d[:, 0]
    qacc = _sc2(src_r2, dst_r2, t2s, ad2, z2).reshape(NC, NN, 8)
    return _tc3(qacc[0], qacc[1], t2s, t2d, b2r)

# --- scband reference (transcript-rebuilt; emitter-appended) ---
"""Pipeline reference for scband-gat-cora-14740327760225 (READ-ONLY COPY).

The authoritative reference and input builder live on the scoring server;
editing this copy changes nothing except your own understanding.
"""

import jax, jax.numpy as jnp
import numpy as np

N_NODES = 10000
N_EDGES = 320000
D_FEAT = 128
HID = 8
CLS = 7
H1 = 8
H2 = 1


def setup_inputs(seed: int = 0) -> dict:
    key = jax.random.key(seed)
    ks = jax.random.split(key, 12)
    x = jax.random.normal(ks[0], (N_NODES, D_FEAT), dtype=jnp.float32)
    edge_index = jax.random.randint(ks[1], (2, N_EDGES), 0, N_NODES)
    W1 = jax.random.normal(ks[2], (D_FEAT, H1 * HID), dtype=jnp.float32) * (1.0 / np.sqrt(D_FEAT))
    a_src1 = jax.random.normal(ks[3], (1, H1, HID), dtype=jnp.float32) * 0.1
    a_dst1 = jax.random.normal(ks[4], (1, H1, HID), dtype=jnp.float32) * 0.1
    b1 = jnp.zeros((HID,), dtype=jnp.float32)
    W2 = jax.random.normal(ks[5], (HID, H2 * CLS), dtype=jnp.float32) * (1.0 / np.sqrt(HID))
    a_src2 = jax.random.normal(ks[6], (1, H2, CLS), dtype=jnp.float32) * 0.1
    a_dst2 = jax.random.normal(ks[7], (1, H2, CLS), dtype=jnp.float32) * 0.1
    b2 = jnp.zeros((CLS,), dtype=jnp.float32)
    return {"x": x, "edge_index": edge_index, "W1": W1, "a_src1": a_src1, "a_dst1": a_dst1, "b1": b1, "W2": W2, "a_src2": a_src2, "a_dst2": a_dst2, "b2": b2}


def gat_conv(x, edge_index, W, att_src, att_dst, bias, heads, out_ch):
    # Faithful PyG GATConv with add_self_loops=True, concat=False (head-mean), eval mode (no dropout).
    N = x.shape[0]
    loop = jnp.arange(N, dtype=edge_index.dtype)
    src = jnp.concatenate([edge_index[0], loop])
    dst = jnp.concatenate([edge_index[1], loop])
    h = (x @ W).reshape(N, heads, out_ch)
    a_s = jnp.sum(h * att_src, axis=-1)  # [N, heads]
    a_d = jnp.sum(h * att_dst, axis=-1)  # [N, heads]
    e = a_s[src] + a_d[dst]              # [E, heads]
    e = jax.nn.leaky_relu(e, negative_slope=0.2)
    e_max = jax.ops.segment_max(e, dst, num_segments=N)
    e_max = jnp.where(jnp.isfinite(e_max), e_max, 0.0)
    e_max = jax.lax.stop_gradient(e_max)
    num = jnp.exp(e - e_max[dst])
    den = jax.ops.segment_sum(num, dst, num_segments=N)
    alpha = num / (den[dst] + 1e-16)     # softmax over incoming edges per dst
    msg = h[src] * alpha[:, :, None]     # [E, heads, out_ch]
    out = jax.ops.segment_sum(msg, dst, num_segments=N)
    out = out.mean(axis=1)               # concat=False -> average heads
    return out + bias


def reference(x, edge_index, W1, a_src1, a_dst1, b1, W2, a_src2, a_dst2, b2):
    h = gat_conv(x, edge_index, W1, a_src1, a_dst1, b1, H1, HID)
    h = jax.nn.elu(h)
    h = gat_conv(h, edge_index, W2, a_src2, a_dst2, b2, H2, CLS)
    return jax.nn.log_softmax(h, axis=-1)

if __name__ == "__main__":
    import jax
    _d = setup_inputs()
    print(jax.jit(kernel)(*tuple(_d.values())))

</pallas_src>

<mosaic_0001>
#map = affine_map<(d0, d1) -> (0, 0, 0)>
#map1 = affine_map<(d0, d1) -> (0, 0)>
#map2 = affine_map<(d0, d1) -> (0, 0, 0, 0)>
module attributes {stable_mosaic.version = 14 : i64} {
  func.func @_sc1_body(%arg0: i32, %arg1: i32, %arg2: memref<32x100x100xi32, #tpu.memory_space<hbm>>, %arg3: memref<32x100x100xi32, #tpu.memory_space<hbm>>, %arg4: memref<10000x80xf32, #tpu.memory_space<hbm>>, %arg5: memref<10000x16xf32, #tpu.memory_space<hbm>>, %arg6: memref<2x50x200x80xf32, #tpu.memory_space<hbm>>, %arg7: memref<100x100xi32, #tpu.memory_space<vmem>>, %arg8: memref<100x100xi32, #tpu.memory_space<vmem>>, %arg9: memref<100x80xf32, #tpu.memory_space<vmem>>, %arg10: memref<100x80xf32, #tpu.memory_space<vmem>>, %arg11: memref<100x16xf32, #tpu.memory_space<vmem>>, %arg12: memref<100x16xf32, #tpu.memory_space<vmem>>, %arg13: memref<100x80xf32, #tpu.memory_space<vmem>>, %arg14: memref<100x80xf32, #tpu.memory_space<vmem>>, %arg15: memref<200x80xf32, #tpu.memory_space<vmem>>, %arg16: memref<16xf32, #tpu.memory_space<vmem>>, %arg17: memref<16xf32, #tpu.memory_space<vmem>>, %arg18: memref<16xf32, #tpu.memory_space<vmem>>, %arg19: memref<16xf32, #tpu.memory_space<vmem>>, %arg20: memref<16xf32, #tpu.memory_space<vmem>>, %arg21: memref<10000x80xf32, #tpu.memory_space<vmem_shared>>, %arg22: memref<!tpu.dma_semaphore, #tpu.memory_space<semaphore_mem>>, %arg23: memref<!tpu.dma_semaphore, #tpu.memory_space<semaphore_mem>>, %arg24: memref<!tpu.dma_semaphore, #tpu.memory_space<semaphore_mem>>, %arg25: memref<!tpu.dma_semaphore, #tpu.memory_space<semaphore_mem>>, %arg26: memref<!tpu.dma_semaphore, #tpu.memory_space<semaphore_mem>>, %arg27: memref<!tpu.dma_semaphore, #tpu.memory_space<semaphore_mem>>) attributes {dimension_semantics = [#tpu.dimension_semantics<core_parallel>, #tpu.dimension_semantics<subcore_parallel>], iteration_bounds = array<i64: 2, 16>, scalar_prefetch = 0 : i64, scratch_operands = 21 : i64, tpu.core_type = #tpu.core_type<sc_vector_subcore>, window_params = [{transform_indices = #map}, {transform_indices = #map}, {transform_indices = #map1}, {transform_indices = #map1}, {transform_indices = #map2}]} {
    %iota3A = tpu.iota {dimensions = array<i32: 0>} : vector<16xi32>
    %broadcast_in_dim3A = arith.constant 0.000000e+00 : f32
    %broadcast_in_dim3A_0 = vector.broadcast %broadcast_in_dim3A : f32 to vector<16xf32>
    %shift_right_arithmetic3A = arith.constant 3 : i32
    %shift_right_arithmetic3A_1 = vector.broadcast %shift_right_arithmetic3A : i32 to vector<16xi32>
    %shift_right_arithmetic3A_2 = arith.shrsi %iota3A, %shift_right_arithmetic3A_1 : vector<16xi32>
    %add3A = arith.constant 0 : i32
    %add3A_3 = vector.broadcast %add3A : i32 to vector<16xi32>
    %add3A_4 = arith.addi %shift_right_arithmetic3A_2, %add3A_3 : vector<16xi32>
    %add3A_5 = arith.constant 2 : i32
    %add3A_6 = vector.broadcast %add3A_5 : i32 to vector<16xi32>
    %add3A_7 = arith.addi %shift_right_arithmetic3A_2, %add3A_6 : vector<16xi32>
    %add3A_8 = arith.constant 4 : i32
    %add3A_9 = vector.broadcast %add3A_8 : i32 to vector<16xi32>
    %add3A_10 = arith.addi %shift_right_arithmetic3A_2, %add3A_9 : vector<16xi32>
    %add3A_11 = arith.constant 6 : i32
    %add3A_12 = vector.broadcast %add3A_11 : i32 to vector<16xi32>
    %add3A_13 = arith.addi %shift_right_arithmetic3A_2, %add3A_12 : vector<16xi32>
    %scan3A = arith.constant 0 : i32
    %scan3A_14 = arith.constant 0 : i32
    %scan3A_15 = arith.constant 200 : i32
    %scan3A_16 = arith.addi %scan3A_14, %scan3A_15 : i32
    %scan3A_17 = arith.constant 1 : i32
    scf.for %scan3A_107 = %scan3A_14 to %scan3A_16 step %scan3A_17  : i32 {
      %swap3A = arith.index_cast %scan3A_107 : i32 to index
      %swap3A_108 = arith.constant 0 : index
      %swap3A_109 = tpu.vector_load %arg15[%swap3A, %swap3A_108] {strides = array<i32>} : memref<200x80xf32, #tpu.memory_space<vmem>>, vector<16xf32>,
      tpu.vector_store %arg15[%swap3A, %swap3A_108], %broadcast_in_dim3A_0 {strides = array<i32>} : memref<200x80xf32, #tpu.memory_space<vmem>>, vector<16xf32>,
      %swap3A_110 = arith.index_cast %scan3A_107 : i32 to index
      %swap3A_111 = arith.constant 16 : index
      %swap3A_112 = tpu.vector_load %arg15[%swap3A_110, %swap3A_111] {strides = array<i32>} : memref<200x80xf32, #tpu.memory_space<vmem>>, vector<16xf32>,
      tpu.vector_store %arg15[%swap3A_110, %swap3A_111], %broadcast_in_dim3A_0 {strides = array<i32>} : memref<200x80xf32, #tpu.memory_space<vmem>>, vector<16xf32>,
      %swap3A_113 = arith.index_cast %scan3A_107 : i32 to index
      %swap3A_114 = arith.constant 32 : index
      %swap3A_115 = tpu.vector_load %arg15[%swap3A_113, %swap3A_114] {strides = array<i32>} : memref<200x80xf32, #tpu.memory_space<vmem>>, vector<16xf32>,
      tpu.vector_store %arg15[%swap3A_113, %swap3A_114], %broadcast_in_dim3A_0 {strides = array<i32>} : memref<200x80xf32, #tpu.memory_space<vmem>>, vector<16xf32>,
      %swap3A_116 = arith.index_cast %scan3A_107 : i32 to index
      %swap3A_117 = arith.constant 48 : index
      %swap3A_118 = tpu.vector_load %arg15[%swap3A_116, %swap3A_117] {strides = array<i32>} : memref<200x80xf32, #tpu.memory_space<vmem>>, vector<16xf32>,
      tpu.vector_store %arg15[%swap3A_116, %swap3A_117], %broadcast_in_dim3A_0 {strides = array<i32>} : memref<200x80xf32, #tpu.memory_space<vmem>>, vector<16xf32>,
      %swap3A_119 = arith.index_cast %scan3A_107 : i32 to index
      %swap3A_120 = arith.constant 64 : index
      %swap3A_121 = tpu.vector_load %arg15[%swap3A_119, %swap3A_120] {strides = array<i32>} : memref<200x80xf32, #tpu.memory_space<vmem>>, vector<16xf32>,
      tpu.vector_store %arg15[%swap3A_119, %swap3A_120], %broadcast_in_dim3A_0 {strides = array<i32>} : memref<200x80xf32, #tpu.memory_space<vmem>>, vector<16xf32>,
    }
    %scan3A_18 = arith.constant 200 : i32
    %add3A_19 = arith.constant 0 : i32
    %add3A_20 = arith.addi %arg1, %add3A_19 : i32
    %lt3A = arith.constant 50 : i32
    %lt3A_21 = arith.cmpi slt, %add3A_20, %lt3A : i32
    %convert_element_type3A = arith.extui %lt3A_21 : i1 to i32
    %cond3A = arith.constant 0 : i32
    %cond3A_22 = arith.cmpi ne, %convert_element_type3A, %cond3A : i32
    scf.if %cond3A_22 {
      %mul3A_107 = arith.constant 200 : i32
      %mul3A_108 = arith.muli %add3A_20, %mul3A_107 : i32
      "tpu.region"() ({
        %run_scoped3A = tpu.sem_alloc : memref<!tpu.dma_semaphore, #tpu.memory_space<semaphore_mem>>
        %dma_start3A_109 = arith.constant 0 : i32
        %dma_start3A_110 = tpu.memref_slice %arg21[%mul3A_108, %dma_start3A_109] : memref<10000x80xf32, #tpu.memory_space<vmem_shared>> -> memref<200x80xf32, #tpu.memory_space<vmem_shared>>
        %dma_start3A_111 = arith.constant 0 : i32
        %dma_start3A_112 = tpu.memref_slice %arg21[%mul3A_108, %dma_start3A_111] : memref<10000x80xf32, #tpu.memory_space<vmem_shared>> -> memref<200x80xf32, #tpu.memory_space<vmem_shared>>
        tpu.enqueue_dma source(%arg15 : memref<200x80xf32, #tpu.memory_space<vmem>>) target(%dma_start3A_112 : memref<200x80xf32, #tpu.memory_space<vmem_shared>>) target_semaphore(%run_scoped3A : memref<!tpu.dma_semaphore, #tpu.memory_space<semaphore_mem>>)
        %dma_wait3A_113 = arith.constant 0 : i32
        %dma_wait3A_114 = tpu.memref_slice %arg21[%mul3A_108, %dma_wait3A_113] : memref<10000x80xf32, #tpu.memory_space<vmem_shared>> -> memref<200x80xf32, #tpu.memory_space<vmem_shared>>
        %dma_wait3A_115 = arith.constant 0 : i32
        %dma_wait3A_116 = tpu.memref_slice %arg21[%mul3A_108, %dma_wait3A_115] : memref<10000x80xf32, #tpu.memory_space<vmem_shared>> -> memref<200x80xf32, #tpu.memory_space<vmem_shared>>
        tpu.wait_dma2 semaphore(%run_scoped3A : memref<!tpu.dma_semaphore, #tpu.memory_space<semaphore_mem>>) src(%arg15 : memref<200x80xf32, #tpu.memory_space<vmem>>) dst(%dma_wait3A_116 : memref<200x80xf32, #tpu.memory_space<vmem_shared>>)
        tpu.yield
      }) : () -> ()
    } else {
    }
    %add3A_23 = arith.constant 16 : i32
    %add3A_24 = arith.addi %arg1, %add3A_23 : i32
    %lt3A_25 = arith.constant 50 : i32
    %lt3A_26 = arith.cmpi slt, %add3A_24, %lt3A_25 : i32
    %convert_element_type3A_27 = arith.extui %lt3A_26 : i1 to i32
    %cond3A_28 = arith.constant 0 : i32
    %cond3A_29 = arith.cmpi ne, %convert_element_type3A_27, %cond3A_28 : i32
    scf.if %cond3A_29 {
      %mul3A_107 = arith.constant 200 : i32
      %mul3A_108 = arith.muli %add3A_24, %mul3A_107 : i32
      "tpu.region"() ({
        %run_scoped3A = tpu.sem_alloc : memref<!tpu.dma_semaphore, #tpu.memory_space<semaphore_mem>>
        %dma_start3A_109 = arith.constant 0 : i32
        %dma_start3A_110 = tpu.memref_slice %arg21[%mul3A_108, %dma_start3A_109] : memref<10000x80xf32, #tpu.memory_space<vmem_shared>> -> memref<200x80xf32, #tpu.memory_space<vmem_shared>>
        %dma_start3A_111 = arith.constant 0 : i32
        %dma_start3A_112 = tpu.memref_slice %arg21[%mul3A_108, %dma_start3A_111] : memref<10000x80xf32, #tpu.memory_space<vmem_shared>> -> memref<200x80xf32, #tpu.memory_space<vmem_shared>>
        tpu.enqueue_dma source(%arg15 : memref<200x80xf32, #tpu.memory_space<vmem>>) target(%dma_start3A_112 : memref<200x80xf32, #tpu.memory_space<vmem_shared>>) target_semaphore(%run_scoped3A : memref<!tpu.dma_semaphore, #tpu.memory_space<semaphore_mem>>)
        %dma_wait3A_113 = arith.constant 0 : i32
        %dma_wait3A_114 = tpu.memref_slice %arg21[%mul3A_108, %dma_wait3A_113] : memref<10000x80xf32, #tpu.memory_space<vmem_shared>> -> memref<200x80xf32, #tpu.memory_space<vmem_shared>>
        %dma_wait3A_115 = arith.constant 0 : i32
        %dma_wait3A_116 = tpu.memref_slice %arg21[%mul3A_108, %dma_wait3A_115] : memref<10000x80xf32, #tpu.memory_space<vmem_shared>> -> memref<200x80xf32, #tpu.memory_space<vmem_shared>>
        tpu.wait_dma2 semaphore(%run_scoped3A : memref<!tpu.dma_semaphore, #tpu.memory_space<semaphore_mem>>) src(%arg15 : memref<200x80xf32, #tpu.memory_space<vmem>>) dst(%dma_wait3A_116 : memref<200x80xf32, #tpu.memory_space<vmem_shared>>)
        tpu.yield
      }) : () -> ()
    } else {
    }
    %add3A_30 = arith.constant 32 : i32
    %add3A_31 = arith.addi %arg1, %add3A_30 : i32
    %lt3A_32 = arith.constant 50 : i32
    %lt3A_33 = arith.cmpi slt, %add3A_31, %lt3A_32 : i32
    %convert_element_type3A_34 = arith.extui %lt3A_33 : i1 to i32
    %cond3A_35 = arith.constant 0 : i32
    %cond3A_36 = arith.cmpi ne, %convert_element_type3A_34, %cond3A_35 : i32
    scf.if %cond3A_36 {
      %mul3A_107 = arith.constant 200 : i32
      %mul3A_108 = arith.muli %add3A_31, %mul3A_107 : i32
      "tpu.region"() ({
        %run_scoped3A = tpu.sem_alloc : memref<!tpu.dma_semaphore, #tpu.memory_space<semaphore_mem>>
        %dma_start3A_109 = arith.constant 0 : i32
        %dma_start3A_110 = tpu.memref_slice %arg21[%mul3A_108, %dma_start3A_109] : memref<10000x80xf32, #tpu.memory_space<vmem_shared>> -> memref<200x80xf32, #tpu.memory_space<vmem_shared>>
        %dma_start3A_111 = arith.constant 0 : i32
        %dma_start3A_112 = tpu.memref_slice %arg21[%mul3A_108, %dma_start3A_111] : memref<10000x80xf32, #tpu.memory_space<vmem_shared>> -> memref<200x80xf32, #tpu.memory_space<vmem_shared>>
        tpu.enqueue_dma source(%arg15 : memref<200x80xf32, #tpu.memory_space<vmem>>) target(%dma_start3A_112 : memref<200x80xf32, #tpu.memory_space<vmem_shared>>) target_semaphore(%run_scoped3A : memref<!tpu.dma_semaphore, #tpu.memory_space<semaphore_mem>>)
        %dma_wait3A_113 = arith.constant 0 : i32
        %dma_wait3A_114 = tpu.memref_slice %arg21[%mul3A_108, %dma_wait3A_113] : memref<10000x80xf32, #tpu.memory_space<vmem_shared>> -> memref<200x80xf32, #tpu.memory_space<vmem_shared>>
        %dma_wait3A_115 = arith.constant 0 : i32
        %dma_wait3A_116 = tpu.memref_slice %arg21[%mul3A_108, %dma_wait3A_115] : memref<10000x80xf32, #tpu.memory_space<vmem_shared>> -> memref<200x80xf32, #tpu.memory_space<vmem_shared>>
        tpu.wait_dma2 semaphore(%run_scoped3A : memref<!tpu.dma_semaphore, #tpu.memory_space<semaphore_mem>>) src(%arg15 : memref<200x80xf32, #tpu.memory_space<vmem>>) dst(%dma_wait3A_116 : memref<200x80xf32, #tpu.memory_space<vmem_shared>>)
        tpu.yield
      }) : () -> ()
    } else {
    }
    %add3A_37 = arith.constant 48 : i32
    %add3A_38 = arith.addi %arg1, %add3A_37 : i32
    %lt3A_39 = arith.constant 50 : i32
    %lt3A_40 = arith.cmpi slt, %add3A_38, %lt3A_39 : i32
    %convert_element_type3A_41 = arith.extui %lt3A_40 : i1 to i32
    %cond3A_42 = arith.constant 0 : i32
    %cond3A_43 = arith.cmpi ne, %convert_element_type3A_41, %cond3A_42 : i32
    scf.if %cond3A_43 {
      %mul3A_107 = arith.constant 200 : i32
      %mul3A_108 = arith.muli %add3A_38, %mul3A_107 : i32
      "tpu.region"() ({
        %run_scoped3A = tpu.sem_alloc : memref<!tpu.dma_semaphore, #tpu.memory_space<semaphore_mem>>
        %dma_start3A_109 = arith.constant 0 : i32
        %dma_start3A_110 = tpu.memref_slice %arg21[%mul3A_108, %dma_start3A_109] : memref<10000x80xf32, #tpu.memory_space<vmem_shared>> -> memref<200x80xf32, #tpu.memory_space<vmem_shared>>
        %dma_start3A_111 = arith.constant 0 : i32
        %dma_start3A_112 = tpu.memref_slice %arg21[%mul3A_108, %dma_start3A_111] : memref<10000x80xf32, #tpu.memory_space<vmem_shared>> -> memref<200x80xf32, #tpu.memory_space<vmem_shared>>
        tpu.enqueue_dma source(%arg15 : memref<200x80xf32, #tpu.memory_space<vmem>>) target(%dma_start3A_112 : memref<200x80xf32, #tpu.memory_space<vmem_shared>>) target_semaphore(%run_scoped3A : memref<!tpu.dma_semaphore, #tpu.memory_space<semaphore_mem>>)
        %dma_wait3A_113 = arith.constant 0 : i32
        %dma_wait3A_114 = tpu.memref_slice %arg21[%mul3A_108, %dma_wait3A_113] : memref<10000x80xf32, #tpu.memory_space<vmem_shared>> -> memref<200x80xf32, #tpu.memory_space<vmem_shared>>
        %dma_wait3A_115 = arith.constant 0 : i32
        %dma_wait3A_116 = tpu.memref_slice %arg21[%mul3A_108, %dma_wait3A_115] : memref<10000x80xf32, #tpu.memory_space<vmem_shared>> -> memref<200x80xf32, #tpu.memory_space<vmem_shared>>
        tpu.wait_dma2 semaphore(%run_scoped3A : memref<!tpu.dma_semaphore, #tpu.memory_space<semaphore_mem>>) src(%arg15 : memref<200x80xf32, #tpu.memory_space<vmem>>) dst(%dma_wait3A_116 : memref<200x80xf32, #tpu.memory_space<vmem_shared>>)
        tpu.yield
      }) : () -> ()
    } else {
    }
    %mul3A = arith.constant 16 : i32
    %mul3A_44 = arith.muli %arg0, %mul3A : i32
    %add3A_45 = arith.addi %mul3A_44, %arg1 : i32
    "tpu.region"() ({
      %run_scoped3A = tpu.sem_alloc : memref<!tpu.dma_semaphore, #tpu.memory_space<semaphore_mem>>
      %dma_start3A_107 = arith.constant 0 : i32
      %dma_start3A_108 = arith.constant 0 : i32
      %dma_start3A_109 = tpu.memref_slice %arg2[%add3A_45, %dma_start3A_107, %dma_start3A_108] : memref<32x100x100xi32, #tpu.memory_space<hbm>> -> memref<1x100x100xi32, #tpu.memory_space<hbm>>
      %dma_start3A_110 = tpu.memref_squeeze %dma_start3A_109 : memref<1x100x100xi32, #tpu.memory_space<hbm>> -> memref<100x100xi32, #tpu.memory_space<hbm>>
      %dma_start3A_111 = arith.constant 0 : i32
      %dma_start3A_112 = arith.constant 0 : i32
      %dma_start3A_113 = tpu.memref_slice %arg2[%add3A_45, %dma_start3A_111, %dma_start3A_112] : memref<32x100x100xi32, #tpu.memory_space<hbm>> -> memref<1x100x100xi32, #tpu.memory_space<hbm>>
      %dma_start3A_114 = tpu.memref_squeeze %dma_start3A_113 : memref<1x100x100xi32, #tpu.memory_space<hbm>> -> memref<100x100xi32, #tpu.memory_space<hbm>>
      tpu.enqueue_dma source(%dma_start3A_114 : memref<100x100xi32, #tpu.memory_space<hbm>>) target(%arg7 : memref<100x100xi32, #tpu.memory_space<vmem>>) target_semaphore(%run_scoped3A : memref<!tpu.dma_semaphore, #tpu.memory_space<semaphore_mem>>)
      %dma_wait3A_115 = arith.constant 0 : i32
      %dma_wait3A_116 = arith.constant 0 : i32
      %dma_wait3A_117 = tpu.memref_slice %arg2[%add3A_45, %dma_wait3A_115, %dma_wait3A_116] : memref<32x100x100xi32, #tpu.memory_space<hbm>> -> memref<1x100x100xi32, #tpu.memory_space<hbm>>
      %dma_wait3A_118 = tpu.memref_squeeze %dma_wait3A_117 : memref<1x100x100xi32, #tpu.memory_space<hbm>> -> memref<100x100xi32, #tpu.memory_space<hbm>>
      %dma_wait3A_119 = arith.constant 0 : i32
      %dma_wait3A_120 = arith.constant 0 : i32
      %dma_wait3A_121 = tpu.memref_slice %arg2[%add3A_45, %dma_wait3A_119, %dma_wait3A_120] : memref<32x100x100xi32, #tpu.memory_space<hbm>> -> memref<1x100x100xi32, #tpu.memory_space<hbm>>
      %dma_wait3A_122 = tpu.memref_squeeze %dma_wait3A_121 : memref<1x100x100xi32, #tpu.memory_space<hbm>> -> memref<100x100xi32, #tpu.memory_space<hbm>>
      tpu.wait_dma2 semaphore(%run_scoped3A : memref<!tpu.dma_semaphore, #tpu.memory_space<semaphore_mem>>) src(%dma_wait3A_122 : memref<100x100xi32, #tpu.memory_space<hbm>>) dst(%arg7 : memref<100x100xi32, #tpu.memory_space<vmem>>)
      tpu.yield
    }) : () -> ()
    "tpu.region"() ({
      %run_scoped3A = tpu.sem_alloc : memref<!tpu.dma_semaphore, #tpu.memory_space<semaphore_mem>>
      %dma_start3A_107 = arith.constant 0 : i32
      %dma_start3A_108 = arith.constant 0 : i32
      %dma_start3A_109 = tpu.memref_slice %arg3[%add3A_45, %dma_start3A_107, %dma_start3A_108] : memref<32x100x100xi32, #tpu.memory_space<hbm>> -> memref<1x100x100xi32, #tpu.memory_space<hbm>>
      %dma_start3A_110 = tpu.memref_squeeze %dma_start3A_109 : memref<1x100x100xi32, #tpu.memory_space<hbm>> -> memref<100x100xi32, #tpu.memory_space<hbm>>
      %dma_start3A_111 = arith.constant 0 : i32
      %dma_start3A_112 = arith.constant 0 : i32
      %dma_start3A_113 = tpu.memref_slice %arg3[%add3A_45, %dma_start3A_111, %dma_start3A_112] : memref<32x100x100xi32, #tpu.memory_space<hbm>> -> memref<1x100x100xi32, #tpu.memory_space<hbm>>
      %dma_start3A_114 = tpu.memref_squeeze %dma_start3A_113 : memref<1x100x100xi32, #tpu.memory_space<hbm>> -> memref<100x100xi32, #tpu.memory_space<hbm>>
      tpu.enqueue_dma source(%dma_start3A_114 : memref<100x100xi32, #tpu.memory_space<hbm>>) target(%arg8 : memref<100x100xi32, #tpu.memory_space<vmem>>) target_semaphore(%run_scoped3A : memref<!tpu.dma_semaphore, #tpu.memory_space<semaphore_mem>>)
      %dma_wait3A_115 = arith.constant 0 : i32
      %dma_wait3A_116 = arith.constant 0 : i32
      %dma_wait3A_117 = tpu.memref_slice %arg3[%add3A_45, %dma_wait3A_115, %dma_wait3A_116] : memref<32x100x100xi32, #tpu.memory_space<hbm>> -> memref<1x100x100xi32, #tpu.memory_space<hbm>>
      %dma_wait3A_118 = tpu.memref_squeeze %dma_wait3A_117 : memref<1x100x100xi32, #tpu.memory_space<hbm>> -> memref<100x100xi32, #tpu.memory_space<hbm>>
      %dma_wait3A_119 = arith.constant 0 : i32
      %dma_wait3A_120 = arith.constant 0 : i32
      %dma_wait3A_121 = tpu.memref_slice %arg3[%add3A_45, %dma_wait3A_119, %dma_wait3A_120] : memref<32x100x100xi32, #tpu.memory_space<hbm>> -> memref<1x100x100xi32, #tpu.memory_space<hbm>>
      %dma_wait3A_122 = tpu.memref_squeeze %dma_wait3A_121 : memref<1x100x100xi32, #tpu.memory_space<hbm>> -> memref<100x100xi32, #tpu.memory_space<hbm>>
      tpu.wait_dma2 semaphore(%run_scoped3A : memref<!tpu.dma_semaphore, #tpu.memory_space<semaphore_mem>>) src(%dma_wait3A_122 : memref<100x100xi32, #tpu.memory_space<hbm>>) dst(%arg8 : memref<100x100xi32, #tpu.memory_space<vmem>>)
      tpu.yield
    }) : () -> ()
    %barrier3A = arith.constant 0 : index
    tpu.barrier barrier_id(%barrier3A)
    %dma_start3A = arith.constant 0 : i32
    %dma_start3A_46 = arith.constant 0 : i32
    %dma_start3A_47 = tpu.memref_slice %arg7[%dma_start3A, %dma_start3A_46] : memref<100x100xi32, #tpu.memory_space<vmem>> -> memref<1x100xi32, #tpu.memory_space<vmem>>
    %dma_start3A_48 = tpu.memref_squeeze %dma_start3A_47 : memref<1x100xi32, #tpu.memory_space<vmem>> -> memref<100xi32, #tpu.memory_space<vmem>>
    %dma_start3A_49 = arith.constant 0 : i32
    %dma_start3A_50 = arith.constant 0 : i32
    %dma_start3A_51 = tpu.memref_slice %arg4[%dma_start3A_49, %dma_start3A_50] : memref<10000x80xf32, #tpu.memory_space<hbm>> -> memref<10000x80xf32, #tpu.memory_space<hbm>>
    tpu.enqueue_indirect_dma source(%dma_start3A_51 : memref<10000x80xf32, #tpu.memory_space<hbm>>) target(%arg9 : memref<100x80xf32, #tpu.memory_space<vmem>>) offsets(%dma_start3A_48 : memref<100xi32, #tpu.memory_space<vmem>>) semaphore(%arg22 : memref<!tpu.dma_semaphore, #tpu.memory_space<semaphore_mem>>)
    %dma_start3A_52 = arith.constant 0 : i32
    %dma_start3A_53 = arith.constant 0 : i32
    %dma_start3A_54 = tpu.memref_slice %arg8[%dma_start3A_52, %dma_start3A_53] : memref<100x100xi32, #tpu.memory_space<vmem>> -> memref<1x100xi32, #tpu.memory_space<vmem>>
    %dma_start3A_55 = tpu.memref_squeeze %dma_start3A_54 : memref<1x100xi32, #tpu.memory_space<vmem>> -> memref<100xi32, #tpu.memory_space<vmem>>
    %dma_start3A_56 = arith.constant 0 : i32
    %dma_start3A_57 = arith.constant 0 : i32
    %dma_start3A_58 = tpu.memref_slice %arg5[%dma_start3A_56, %dma_start3A_57] : memref<10000x16xf32, #tpu.memory_space<hbm>> -> memref<10000x16xf32, #tpu.memory_space<hbm>>
    tpu.enqueue_indirect_dma source(%dma_start3A_58 : memref<10000x16xf32, #tpu.memory_space<hbm>>) target(%arg11 : memref<100x16xf32, #tpu.memory_space<vmem>>) offsets(%dma_start3A_55 : memref<100xi32, #tpu.memory_space<vmem>>) semaphore(%arg24 : memref<!tpu.dma_semaphore, #tpu.memory_space<semaphore_mem>>)
    %scan3A_59 = arith.constant 0 : i32
    %scan3A_60 = arith.constant 0 : i32
    %scan3A_61 = arith.constant 50 : i32
    %scan3A_62 = arith.addi %scan3A_60, %scan3A_61 : i32
    %scan3A_63 = arith.constant 1 : i32
    scf.for %scan3A_107 = %scan3A_60 to %scan3A_62 step %scan3A_63  : i32 {
      %mul3A_108 = arith.constant 2 : i32
      %mul3A_109 = arith.muli %mul3A_108, %scan3A_107 : i32
      %add3A_110 = arith.constant 1 : i32
      %add3A_111 = arith.addi %mul3A_109, %add3A_110 : i32
      %dma_start3A_112 = arith.constant 0 : i32
      %dma_start3A_113 = tpu.memref_slice %arg7[%add3A_111, %dma_start3A_112] : memref<100x100xi32, #tpu.memory_space<vmem>> -> memref<1x100xi32, #tpu.memory_space<vmem>>
      %dma_start3A_114 = tpu.memref_squeeze %dma_start3A_113 : memref<1x100xi32, #tpu.memory_space<vmem>> -> memref<100xi32, #tpu.memory_space<vmem>>
      %dma_start3A_115 = arith.constant 0 : i32
      %dma_start3A_116 = arith.constant 0 : i32
      %dma_start3A_117 = tpu.memref_slice %arg4[%dma_start3A_115, %dma_start3A_116] : memref<10000x80xf32, #tpu.memory_space<hbm>> -> memref<10000x80xf32, #tpu.memory_space<hbm>>
      tpu.enqueue_indirect_dma source(%dma_start3A_117 : memref<10000x80xf32, #tpu.memory_space<hbm>>) target(%arg10 : memref<100x80xf32, #tpu.memory_space<vmem>>) offsets(%dma_start3A_114 : memref<100xi32, #tpu.memory_space<vmem>>) semaphore(%arg23 : memref<!tpu.dma_semaphore, #tpu.memory_space<semaphore_mem>>)
      %dma_start3A_118 = arith.constant 0 : i32
      %dma_start3A_119 = tpu.memref_slice %arg8[%add3A_111, %dma_start3A_118] : memref<100x100xi32, #tpu.memory_space<vmem>> -> memref<1x100xi32, #tpu.memory_space<vmem>>
      %dma_start3A_120 = tpu.memref_squeeze %dma_start3A_119 : memref<1x100xi32, #tpu.memory_space<vmem>> -> memref<100xi32, #tpu.memory_space<vmem>>
      %dma_start3A_121 = arith.constant 0 : i32
      %dma_start3A_122 = arith.constant 0 : i32
      %dma_start3A_123 = tpu.memref_slice %arg5[%dma_start3A_121, %dma_start3A_122] : memref<10000x16xf32, #tpu.memory_space<hbm>> -> memref<10000x16xf32, #tpu.memory_space<hbm>>
      tpu.enqueue_indirect_dma source(%dma_start3A_123 : memref<10000x16xf32, #tpu.memory_space<hbm>>) target(%arg12 : memref<100x16xf32, #tpu.memory_space<vmem>>) offsets(%dma_start3A_120 : memref<100xi32, #tpu.memory_space<vmem>>) semaphore(%arg25 : memref<!tpu.dma_semaphore, #tpu.memory_space<semaphore_mem>>)
      %dma_wait3A_124 = arith.constant 0 : i32
      %dma_wait3A_125 = tpu.memref_slice %arg7[%mul3A_109, %dma_wait3A_124] : memref<100x100xi32, #tpu.memory_space<vmem>> -> memref<1x100xi32, #tpu.memory_space<vmem>>
      %dma_wait3A_126 = tpu.memref_squeeze %dma_wait3A_125 : memref<1x100xi32, #tpu.memory_space<vmem>> -> memref<100xi32, #tpu.memory_space<vmem>>
      %dma_wait3A_127 = arith.constant 0 : i32
      %dma_wait3A_128 = arith.constant 0 : i32
      %dma_wait3A_129 = tpu.memref_slice %arg4[%dma_wait3A_127, %dma_wait3A_128] : memref<10000x80xf32, #tpu.memory_space<hbm>> -> memref<10000x80xf32, #tpu.memory_space<hbm>>
      tpu.wait_indirect_dma semaphore(%arg22 : memref<!tpu.dma_semaphore, #tpu.memory_space<semaphore_mem>>) src(%dma_wait3A_129 : memref<10000x80xf32, #tpu.memory_space<hbm>>) dst(%arg9 : memref<100x80xf32, #tpu.memory_space<vmem>>)
      %dma_wait3A_130 = arith.constant 0 : i32
      %dma_wait3A_131 = tpu.memref_slice %arg8[%mul3A_109, %dma_wait3A_130] : memref<100x100xi32, #tpu.memory_space<vmem>> -> memref<1x100xi32, #tpu.memory_space<vmem>>
      %dma_wait3A_132 = tpu.memref_squeeze %dma_wait3A_131 : memref<1x100xi32, #tpu.memory_space<vmem>> -> memref<100xi32, #tpu.memory_space<vmem>>
      %dma_wait3A_133 = arith.constant 0 : i32
      %dma_wait3A_134 = arith.constant 0 : i32
      %dma_wait3A_135 = tpu.memref_slice %arg5[%dma_wait3A_133, %dma_wait3A_134] : memref<10000x16xf32, #tpu.memory_space<hbm>> -> memref<10000x16xf32, #tpu.memory_space<hbm>>
      tpu.wait_indirect_dma semaphore(%arg24 : memref<!tpu.dma_semaphore, #tpu.memory_space<semaphore_mem>>) src(%dma_wait3A_135 : memref<10000x16xf32, #tpu.memory_space<hbm>>) dst(%arg11 : memref<100x16xf32, #tpu.memory_space<vmem>>)
      %gt3A = arith.constant 0 : i32
      %gt3A_136 = arith.cmpi sgt, %scan3A_107, %gt3A : i32
      %convert_element_type3A_137 = arith.extui %gt3A_136 : i1 to i32
      %cond3A_138 = arith.constant 0 : i32
      %cond3A_139 = arith.cmpi ne, %convert_element_type3A_137, %cond3A_138 : i32
      scf.if %cond3A_139 {
        %sub3A = arith.constant 2 : i32
        %sub3A_188 = arith.subi %mul3A_109, %sub3A : i32
        %dma_wait3A_189 = arith.constant 0 : i32
        %dma_wait3A_190 = tpu.memref_slice %arg8[%sub3A_188, %dma_wait3A_189] : memref<100x100xi32, #tpu.memory_space<vmem>> -> memref<1x100xi32, #tpu.memory_space<vmem>>
        %dma_wait3A_191 = tpu.memref_squeeze %dma_wait3A_190 : memref<1x100xi32, #tpu.memory_space<vmem>> -> memref<100xi32, #tpu.memory_space<vmem>>
        %dma_wait3A_192 = arith.constant 0 : i32
        %dma_wait3A_193 = arith.constant 0 : i32
        %dma_wait3A_194 = tpu.memref_slice %arg21[%dma_wait3A_192, %dma_wait3A_193] : memref<10000x80xf32, #tpu.memory_space<vmem_shared>> -> memref<10000x80xf32, #tpu.memory_space<vmem_shared>>
        tpu.wait_indirect_dma semaphore(%arg26 : memref<!tpu.dma_semaphore, #tpu.memory_space<semaphore_mem>>) src(%arg13 : memref<100x80xf32, #tpu.memory_space<vmem>>) dst(%dma_wait3A_194 : memref<10000x80xf32, #tpu.memory_space<vmem_shared>>)
      } else {
      }
      %scan3A_140 = arith.constant 0 : i32
      %scan3A_141 = arith.constant 0 : i32
      %scan3A_142 = arith.constant 20 : i32
      %scan3A_143 = arith.addi %scan3A_141, %scan3A_142 : i32
      %scan3A_144 = arith.constant 1 : i32
      scf.for %scan3A_188 = %scan3A_141 to %scan3A_143 step %scan3A_144  : i32 {
        %mul3A_189 = arith.constant 5 : i32
        %mul3A_190 = arith.muli %mul3A_189, %scan3A_188 : i32
        %add3A_191 = arith.constant 0 : i32
        %add3A_192 = arith.addi %mul3A_190, %add3A_191 : i32
        %get3A = arith.index_cast %add3A_192 : i32 to index
        %get3A_193 = arith.constant 64 : index
        %get3A_194 = tpu.vector_load %arg9[%get3A, %get3A_193] {strides = array<i32>} : memref<100x80xf32, #tpu.memory_space<vmem>>, vector<16xf32>,
        %get3A_195 = arith.index_cast %add3A_192 : i32 to index
        %get3A_196 = arith.constant 0 : index
        %get3A_197 = tpu.vector_load %arg11[%get3A_195, %get3A_196] {strides = array<i32>} : memref<100x16xf32, #tpu.memory_space<vmem>>, vector<16xf32>,
        %add3A_198 = arith.addf %get3A_194, %get3A_197 : vector<16xf32>
        %mul3A_199 = arith.constant 2.000000e-01 : f32
        %mul3A_200 = vector.broadcast %mul3A_199 : f32 to vector<16xf32>
        %mul3A_201 = arith.mulf %mul3A_200, %add3A_198 : vector<16xf32>
        %max3A = arith.maximumf %add3A_198, %mul3A_201 : vector<16xf32>
        %exp3A = math.exp %max3A : vector<16xf32>
        %swap3A = arith.constant 0 : index
        %swap3A_202 = tpu.vector_load %arg16[%swap3A] {strides = array<i32>} : memref<16xf32, #tpu.memory_space<vmem>>, vector<16xf32>,
        tpu.vector_store %arg16[%swap3A], %exp3A {strides = array<i32>} : memref<16xf32, #tpu.memory_space<vmem>>, vector<16xf32>,
        %gather3A = tpu.vector_load_idx %arg16[%add3A_4] : memref<16xf32, #tpu.memory_space<vmem>>[vector<16xi32>], vector<16xf32>,
        %get3A_203 = arith.index_cast %add3A_192 : i32 to index
        %get3A_204 = arith.constant 0 : index
        %get3A_205 = tpu.vector_load %arg9[%get3A_203, %get3A_204] {strides = array<i32>} : memref<100x80xf32, #tpu.memory_space<vmem>>, vector<16xf32>,
        %mul3A_206 = arith.mulf %get3A_205, %gather3A : vector<16xf32>
        %swap3A_207 = arith.index_cast %add3A_192 : i32 to index
        %swap3A_208 = arith.constant 0 : index
        %swap3A_209 = tpu.vector_load %arg13[%swap3A_207, %swap3A_208] {strides = array<i32>} : memref<100x80xf32, #tpu.memory_space<vmem>>, vector<16xf32>,
        tpu.vector_store %arg13[%swap3A_207, %swap3A_208], %mul3A_206 {strides = array<i32>} : memref<100x80xf32, #tpu.memory_space<vmem>>, vector<16xf32>,
        %gather3A_210 = tpu.vector_load_idx %arg16[%add3A_7] : memref<16xf32, #tpu.memory_space<vmem>>[vector<16xi32>], vector<16xf32>,
        %get3A_211 = arith.index_cast %add3A_192 : i32 to index
        %get3A_212 = arith.constant 16 : index
        %get3A_213 = tpu.vector_load %arg9[%get3A_211, %get3A_212] {strides = array<i32>} : memref<100x80xf32, #tpu.memory_space<vmem>>, vector<16xf32>,
        %mul3A_214 = arith.mulf %get3A_213, %gather3A_210 : vector<16xf32>
        %swap3A_215 = arith.index_cast %add3A_192 : i32 to index
        %swap3A_216 = arith.constant 16 : index
        %swap3A_217 = tpu.vector_load %arg13[%swap3A_215, %swap3A_216] {strides = array<i32>} : memref<100x80xf32, #tpu.memory_space<vmem>>, vector<16xf32>,
        tpu.vector_store %arg13[%swap3A_215, %swap3A_216], %mul3A_214 {strides = array<i32>} : memref<100x80xf32, #tpu.memory_space<vmem>>, vector<16xf32>,
        %gather3A_218 = tpu.vector_load_idx %arg16[%add3A_10] : memref<16xf32, #tpu.memory_space<vmem>>[vector<16xi32>], vector<16xf32>,
        %get3A_219 = arith.index_cast %add3A_192 : i32 to index
        %get3A_220 = arith.constant 32 : index
        %get3A_221 = tpu.vector_load %arg9[%get3A_219, %get3A_220] {strides = array<i32>} : memref<100x80xf32, #tpu.memory_space<vmem>>, vector<16xf32>,
        %mul3A_222 = arith.mulf %get3A_221, %gather3A_218 : vector<16xf32>
        %swap3A_223 = arith.index_cast %add3A_192 : i32 to index
        %swap3A_224 = arith.constant 32 : index
        %swap3A_225 = tpu.vector_load %arg13[%swap3A_223, %swap3A_224] {strides = array<i32>} : memref<100x80xf32, #tpu.memory_space<vmem>>, vector<16xf32>,
        tpu.vector_store %arg13[%swap3A_223, %swap3A_224], %mul3A_222 {strides = array<i32>} : memref<100x80xf32, #tpu.memory_space<vmem>>, vector<16xf32>,
        %gather3A_226 = tpu.vector_load_idx %arg16[%add3A_13] : memref<16xf32, #tpu.memory_space<vmem>>[vector<16xi32>], vector<16xf32>,
        %get3A_227 = arith.index_cast %add3A_192 : i32 to index
        %get3A_228 = arith.constant 48 : index
        %get3A_229 = tpu.vector_load %arg9[%get3A_227, %get3A_228] {strides = array<i32>} : memref<100x80xf32, #tpu.memory_space<vmem>>, vector<16xf32>,
        %mul3A_230 = arith.mulf %get3A_229, %gather3A_226 : vector<16xf32>
        %swap3A_231 = arith.index_cast %add3A_192 : i32 to index
        %swap3A_232 = arith.constant 48 : index
        %swap3A_233 = tpu.vector_load %arg13[%swap3A_231, %swap3A_232] {strides = array<i32>} : memref<100x80xf32, #tpu.memory_space<vmem>>, vector<16xf32>,
        tpu.vector_store %arg13[%swap3A_231, %swap3A_232], %mul3A_230 {strides = array<i32>} : memref<100x80xf32, #tpu.memory_space<vmem>>, vector<16xf32>,
        %swap3A_234 = arith.index_cast %add3A_192 : i32 to index
        %swap3A_235 = arith.constant 64 : index
        %swap3A_236 = tpu.vector_load %arg13[%swap3A_234, %swap3A_235] {strides = array<i32>} : memref<100x80xf32, #tpu.memory_space<vmem>>, vector<16xf32>,
        tpu.vector_store %arg13[%swap3A_234, %swap3A_235], %exp3A {strides = array<i32>} : memref<100x80xf32, #tpu.memory_space<vmem>>, vector<16xf32>,
        %mul3A_237 = arith.constant 5 : i32
        %mul3A_238 = arith.muli %mul3A_237, %scan3A_188 : i32
        %add3A_239 = arith.constant 1 : i32
        %add3A_240 = arith.addi %mul3A_238, %add3A_239 : i32
        %get3A_241 = arith.index_cast %add3A_240 : i32 to index
        %get3A_242 = arith.constant 64 : index
        %get3A_243 = tpu.vector_load %arg9[%get3A_241, %get3A_242] {strides = array<i32>} : memref<100x80xf32, #tpu.memory_space<vmem>>, vector<16xf32>,
        %get3A_244 = arith.index_cast %add3A_240 : i32 to index
        %get3A_245 = arith.constant 0 : index
        %get3A_246 = tpu.vector_load %arg11[%get3A_244, %get3A_245] {strides = array<i32>} : memref<100x16xf32, #tpu.memory_space<vmem>>, vector<16xf32>,
        %add3A_247 = arith.addf %get3A_243, %get3A_246 : vector<16xf32>
        %mul3A_248 = arith.constant 2.000000e-01 : f32
        %mul3A_249 = vector.broadcast %mul3A_248 : f32 to vector<16xf32>
        %mul3A_250 = arith.mulf %mul3A_249, %add3A_247 : vector<16xf32>
        %max3A_251 = arith.maximumf %add3A_247, %mul3A_250 : vector<16xf32>
        %exp3A_252 = math.exp %max3A_251 : vector<16xf32>
        %swap3A_253 = arith.constant 0 : index
        %swap3A_254 = tpu.vector_load %arg17[%swap3A_253] {strides = array<i32>} : memref<16xf32, #tpu.memory_space<vmem>>, vector<16xf32>,
        tpu.vector_store %arg17[%swap3A_253], %exp3A_252 {strides = array<i32>} : memref<16xf32, #tpu.memory_space<vmem>>, vector<16xf32>,
        %gather3A_255 = tpu.vector_load_idx %arg17[%add3A_4] : memref<16xf32, #tpu.memory_space<vmem>>[vector<16xi32>], vector<16xf32>,
        %get3A_256 = arith.index_cast %add3A_240 : i32 to index
        %get3A_257 = arith.constant 0 : index
        %get3A_258 = tpu.vector_load %arg9[%get3A_256, %get3A_257] {strides = array<i32>} : memref<100x80xf32, #tpu.memory_space<vmem>>, vector<16xf32>,
        %mul3A_259 = arith.mulf %get3A_258, %gather3A_255 : vector<16xf32>
        %swap3A_260 = arith.index_cast %add3A_240 : i32 to index
        %swap3A_261 = arith.constant 0 : index
        %swap3A_262 = tpu.vector_load %arg13[%swap3A_260, %swap3A_261] {strides = array<i32>} : memref<100x80xf32, #tpu.memory_space<vmem>>, vector<16xf32>,
        tpu.vector_store %arg13[%swap3A_260, %swap3A_261], %mul3A_259 {strides = array<i32>} : memref<100x80xf32, #tpu.memory_space<vmem>>, vector<16xf32>,
        %gather3A_263 = tpu.vector_load_idx %arg17[%add3A_7] : memref<16xf32, #tpu.memory_space<vmem>>[vector<16xi32>], vector<16xf32>,
        %get3A_264 = arith.index_cast %add3A_240 : i32 to index
        %get3A_265 = arith.constant 16 : index
        %get3A_266 = tpu.vector_load %arg9[%get3A_264, %get3A_265] {strides = array<i32>} : memref<100x80xf32, #tpu.memory_space<vmem>>, vector<16xf32>,
        %mul3A_267 = arith.mulf %get3A_266, %gather3A_263 : vector<16xf32>
        %swap3A_268 = arith.index_cast %add3A_240 : i32 to index
        %swap3A_269 = arith.constant 16 : index
        %swap3A_270 = tpu.vector_load %arg13[%swap3A_268, %swap3A_269] {strides = array<i32>} : memref<100x80xf32, #tpu.memory_space<vmem>>, vector<16xf32>,
        tpu.vector_store %arg13[%swap3A_268, %swap3A_269], %mul3A_267 {strides = array<i32>} : memref<100x80xf32, #tpu.memory_space<vmem>>, vector<16xf32>,
        %gather3A_271 = tpu.vector_load_idx %arg17[%add3A_10] : memref<16xf32, #tpu.memory_space<vmem>>[vector<16xi32>], vector<16xf32>,
        %get3A_272 = arith.index_cast %add3A_240 : i32 to index
        %get3A_273 = arith.constant 32 : index
        %get3A_274 = tpu.vector_load %arg9[%get3A_272, %get3A_273] {strides = array<i32>} : memref<100x80xf32, #tpu.memory_space<vmem>>, vector<16xf32>,
        %mul3A_275 = arith.mulf %get3A_274, %gather3A_271 : vector<16xf32>
        %swap3A_276 = arith.index_cast %add3A_240 : i32 to index
        %swap3A_277 = arith.constant 32 : index
        %swap3A_278 = tpu.vector_load %arg13[%swap3A_276, %swap3A_277] {strides = array<i32>} : memref<100x80xf32, #tpu.memory_space<vmem>>, vector<16xf32>,
        tpu.vector_store %arg13[%swap3A_276, %swap3A_277], %mul3A_275 {strides = array<i32>} : memref<100x80xf32, #tpu.memory_space<vmem>>, vector<16xf32>,
        %gather3A_279 = tpu.vector_load_idx %arg17[%add3A_13] : memref<16xf32, #tpu.memory_space<vmem>>[vector<16xi32>], vector<16xf32>,
        %get3A_280 = arith.index_cast %add3A_240 : i32 to index
        %get3A_281 = arith.constant 48 : index
        %get3A_282 = tpu.vector_load %arg9[%get3A_280, %get3A_281] {strides = array<i32>} : memref<100x80xf32, #tpu.memory_space<vmem>>, vector<16xf32>,
        %mul3A_283 = arith.mulf %get3A_282, %gather3A_279 : vector<16xf32>
        %swap3A_284 = arith.index_cast %add3A_240 : i32 to index
        %swap3A_285 = arith.constant 48 : index
        %swap3A_286 = tpu.vector_load %arg13[%swap3A_284, %swap3A_285] {strides = array<i32>} : memref<100x80xf32, #tpu.memory_space<vmem>>, vector<16xf32>,
        tpu.vector_store %arg13[%swap3A_284, %swap3A_285], %mul3A_283 {strides = array<i32>} : memref<100x80xf32, #tpu.memory_space<vmem>>, vector<16xf32>,
        %swap3A_287 = arith.index_cast %add3A_240 : i32 to index
        %swap3A_288 = arith.constant 64 : index
        %swap3A_289 = tpu.vector_load %arg13[%swap3A_287, %swap3A_288] {strides = array<i32>} : memref<100x80xf32, #tpu.memory_space<vmem>>, vector<16xf32>,
        tpu.vector_store %arg13[%swap3A_287, %swap3A_288], %exp3A_252 {strides = array<i32>} : memref<100x80xf32, #tpu.memory_space<vmem>>, vector<16xf32>,
        %mul3A_290 = arith.constant 5 : i32
        %mul3A_291 = arith.muli %mul3A_290, %scan3A_188 : i32
        %add3A_292 = arith.constant 2 : i32
        %add3A_293 = arith.addi %mul3A_291, %add3A_292 : i32
        %get3A_294 = arith.index_cast %add3A_293 : i32 to index
        %get3A_295 = arith.constant 64 : index
        %get3A_296 = tpu.vector_load %arg9[%get3A_294, %get3A_295] {strides = array<i32>} : memref<100x80xf32, #tpu.memory_space<vmem>>, vector<16xf32>,
        %get3A_297 = arith.index_cast %add3A_293 : i32 to index
        %get3A_298 = arith.constant 0 : index
        %get3A_299 = tpu.vector_load %arg11[%get3A_297, %get3A_298] {strides = array<i32>} : memref<100x16xf32, #tpu.memory_space<vmem>>, vector<16xf32>,
        %add3A_300 = arith.addf %get3A_296, %get3A_299 : vector<16xf32>
        %mul3A_301 = arith.constant 2.000000e-01 : f32
        %mul3A_302 = vector.broadcast %mul3A_301 : f32 to vector<16xf32>
        %mul3A_303 = arith.mulf %mul3A_302, %add3A_300 : vector<16xf32>
        %max3A_304 = arith.maximumf %add3A_300, %mul3A_303 : vector<16xf32>
        %exp3A_305 = math.exp %max3A_304 : vector<16xf32>
        %swap3A_306 = arith.constant 0 : index
        %swap3A_307 = tpu.vector_load %arg18[%swap3A_306] {strides = array<i32>} : memref<16xf32, #tpu.memory_space<vmem>>, vector<16xf32>,
        tpu.vector_store %arg18[%swap3A_306], %exp3A_305 {strides = array<i32>} : memref<16xf32, #tpu.memory_space<vmem>>, vector<16xf32>,
        %gather3A_308 = tpu.vector_load_idx %arg18[%add3A_4] : memref<16xf32, #tpu.memory_space<vmem>>[vector<16xi32>], vector<16xf32>,
        %get3A_309 = arith.index_cast %add3A_293 : i32 to index
        %get3A_310 = arith.constant 0 : index
        %get3A_311 = tpu.vector_load %arg9[%get3A_309, %get3A_310] {strides = array<i32>} : memref<100x80xf32, #tpu.memory_space<vmem>>, vector<16xf32>,
        %mul3A_312 = arith.mulf %get3A_311, %gather3A_308 : vector<16xf32>
        %swap3A_313 = arith.index_cast %add3A_293 : i32 to index
        %swap3A_314 = arith.constant 0 : index
        %swap3A_315 = tpu.vector_load %arg13[%swap3A_313, %swap3A_314] {strides = array<i32>} : memref<100x80xf32, #tpu.memory_space<vmem>>, vector<16xf32>,
        tpu.vector_store %arg13[%swap3A_313, %swap3A_314], %mul3A_312 {strides = array<i32>} : memref<100x80xf32, #tpu.memory_space<vmem>>, vector<16xf32>,
        %gather3A_316 = tpu.vector_load_idx %arg18[%add3A_7] : memref<16xf32, #tpu.memory_space<vmem>>[vector<16xi32>], vector<16xf32>,
        %get3A_317 = arith.index_cast %add3A_293 : i32 to index
        %get3A_318 = arith.constant 16 : index
        %get3A_319 = tpu.vector_load %arg9[%get3A_317, %get3A_318] {strides = array<i32>} : memref<100x80xf32, #tpu.memory_space<vmem>>, vector<16xf32>,
        %mul3A_320 = arith.mulf %get3A_319, %gather3A_316 : vector<16xf32>
        %swap3A_321 = arith.index_cast %add3A_293 : i32 to index
        %swap3A_322 = arith.constant 16 : index
        %swap3A_323 = tpu.vector_load %arg13[%swap3A_321, %swap3A_322] {strides = array<i32>} : memref<100x80xf32, #tpu.memory_space<vmem>>, vector<16xf32>,
        tpu.vector_store %arg13[%swap3A_321, %swap3A_322], %mul3A_320 {strides = array<i32>} : memref<100x80xf32, #tpu.memory_space<vmem>>, vector<16xf32>,
        %gather3A_324 = tpu.vector_load_idx %arg18[%add3A_10] : memref<16xf32, #tpu.memory_space<vmem>>[vector<16xi32>], vector<16xf32>,
        %get3A_325 = arith.index_cast %add3A_293 : i32 to index
        %get3A_326 = arith.constant 32 : index
        %get3A_327 = tpu.vector_load %arg9[%get3A_325, %get3A_326] {strides = array<i32>} : memref<100x80xf32, #tpu.memory_space<vmem>>, vector<16xf32>,
        %mul3A_328 = arith.mulf %get3A_327, %gather3A_324 : vector<16xf32>
        %swap3A_329 = arith.index_cast %add3A_293 : i32 to index
        %swap3A_330 = arith.constant 32 : index
        %swap3A_331 = tpu.vector_load %arg13[%swap3A_329, %swap3A_330] {strides = array<i32>} : memref<100x80xf32, #tpu.memory_space<vmem>>, vector<16xf32>,
        tpu.vector_store %arg13[%swap3A_329, %swap3A_330], %mul3A_328 {strides = array<i32>} : memref<100x80xf32, #tpu.memory_space<vmem>>, vector<16xf32>,
        %gather3A_332 = tpu.vector_load_idx %arg18[%add3A_13] : memref<16xf32, #tpu.memory_space<vmem>>[vector<16xi32>], vector<16xf32>,
        %get3A_333 = arith.index_cast %add3A_293 : i32 to index
        %get3A_334 = arith.constant 48 : index
        %get3A_335 = tpu.vector_load %arg9[%get3A_333, %get3A_334] {strides = array<i32>} : memref<100x80xf32, #tpu.memory_space<vmem>>, vector<16xf32>,
        %mul3A_336 = arith.mulf %get3A_335, %gather3A_332 : vector<16xf32>
        %swap3A_337 = arith.index_cast %add3A_293 : i32 to index
        %swap3A_338 = arith.constant 48 : index
        %swap3A_339 = tpu.vector_load %arg13[%swap3A_337, %swap3A_338] {strides = array<i32>} : memref<100x80xf32, #tpu.memory_space<vmem>>, vector<16xf32>,
        tpu.vector_store %arg13[%swap3A_337, %swap3A_338], %mul3A_336 {strides = array<i32>} : memref<100x80xf32, #tpu.memory_space<vmem>>, vector<16xf32>,
        %swap3A_340 = arith.index_cast %add3A_293 : i32 to index
        %swap3A_341 = arith.constant 64 : index
        %swap3A_342 = tpu.vector_load %arg13[%swap3A_340, %swap3A_341] {strides = array<i32>} : memref<100x80xf32, #tpu.memory_space<vmem>>, vector<16xf32>,
        tpu.vector_store %arg13[%swap3A_340, %swap3A_341], %exp3A_305 {strides = array<i32>} : memref<100x80xf32, #tpu.memory_space<vmem>>, vector<16xf32>,
        %mul3A_343 = arith.constant 5 : i32
        %mul3A_344 = arith.muli %mul3A_343, %scan3A_188 : i32
        %add3A_345 = arith.constant 3 : i32
        %add3A_346 = arith.addi %mul3A_344, %add3A_345 : i32
        %get3A_347 = arith.index_cast %add3A_346 : i32 to index
        %get3A_348 = arith.constant 64 : index
        %get3A_349 = tpu.vector_load %arg9[%get3A_347, %get3A_348] {strides = array<i32>} : memref<100x80xf32, #tpu.memory_space<vmem>>, vector<16xf32>,
        %get3A_350 = arith.index_cast %add3A_346 : i32 to index
        %get3A_351 = arith.constant 0 : index
        %get3A_352 = tpu.vector_load %arg11[%get3A_350, %get3A_351] {strides = array<i32>} : memref<100x16xf32, #tpu.memory_space<vmem>>, vector<16xf32>,
        %add3A_353 = arith.addf %get3A_349, %get3A_352 : vector<16xf32>
        %mul3A_354 = arith.constant 2.000000e-01 : f32
        %mul3A_355 = vector.broadcast %mul3A_354 : f32 to vector<16xf32>
        %mul3A_356 = arith.mulf %mul3A_355, %add3A_353 : vector<16xf32>
        %max3A_357 = arith.maximumf %add3A_353, %mul3A_356 : vector<16xf32>
        %exp3A_358 = math.exp %max3A_357 : vector<16xf32>
        %swap3A_359 = arith.constant 0 : index
        %swap3A_360 = tpu.vector_load %arg19[%swap3A_359] {strides = array<i32>} : memref<16xf32, #tpu.memory_space<vmem>>, vector<16xf32>,
        tpu.vector_store %arg19[%swap3A_359], %exp3A_358 {strides = array<i32>} : memref<16xf32, #tpu.memory_space<vmem>>, vector<16xf32>,
        %gather3A_361 = tpu.vector_load_idx %arg19[%add3A_4] : memref<16xf32, #tpu.memory_space<vmem>>[vector<16xi32>], vector<16xf32>,
        %get3A_362 = arith.index_cast %add3A_346 : i32 to index
        %get3A_363 = arith.constant 0 : index
        %get3A_364 = tpu.vector_load %arg9[%get3A_362, %get3A_363] {strides = array<i32>} : memref<100x80xf32, #tpu.memory_space<vmem>>, vector<16xf32>,
        %mul3A_365 = arith.mulf %get3A_364, %gather3A_361 : vector<16xf32>
        %swap3A_366 = arith.index_cast %add3A_346 : i32 to index
        %swap3A_367 = arith.constant 0 : index
        %swap3A_368 = tpu.vector_load %arg13[%swap3A_366, %swap3A_367] {strides = array<i32>} : memref<100x80xf32, #tpu.memory_space<vmem>>, vector<16xf32>,
        tpu.vector_store %arg13[%swap3A_366, %swap3A_367], %mul3A_365 {strides = array<i32>} : memref<100x80xf32, #tpu.memory_space<vmem>>, vector<16xf32>,
        %gather3A_369 = tpu.vector_load_idx %arg19[%add3A_7] : memref<16xf32, #tpu.memory_space<vmem>>[vector<16xi32>], vector<16xf32>,
        %get3A_370 = arith.index_cast %add3A_346 : i32 to index
        %get3A_371 = arith.constant 16 : index
        %get3A_372 = tpu.vector_load %arg9[%get3A_370, %get3A_371] {strides = array<i32>} : memref<100x80xf32, #tpu.memory_space<vmem>>, vector<16xf32>,
        %mul3A_373 = arith.mulf %get3A_372, %gather3A_369 : vector<16xf32>
        %swap3A_374 = arith.index_cast %add3A_346 : i32 to index
        %swap3A_375 = arith.constant 16 : index
        %swap3A_376 = tpu.vector_load %arg13[%swap3A_374, %swap3A_375] {strides = array<i32>} : memref<100x80xf32, #tpu.memory_space<vmem>>, vector<16xf32>,
        tpu.vector_store %arg13[%swap3A_374, %swap3A_375], %mul3A_373 {strides = array<i32>} : memref<100x80xf32, #tpu.memory_space<vmem>>, vector<16xf32>,
        %gather3A_377 = tpu.vector_load_idx %arg19[%add3A_10] : memref<16xf32, #tpu.memory_space<vmem>>[vector<16xi32>], vector<16xf32>,
        %get3A_378 = arith.index_cast %add3A_346 : i32 to index
        %get3A_379 = arith.constant 32 : index
        %get3A_380 = tpu.vector_load %arg9[%get3A_378, %get3A_379] {strides = array<i32>} : memref<100x80xf32, #tpu.memory_space<vmem>>, vector<16xf32>,
        %mul3A_381 = arith.mulf %get3A_380, %gather3A_377 : vector<16xf32>
        %swap3A_382 = arith.index_cast %add3A_346 : i32 to index
        %swap3A_383 = arith.constant 32 : index
        %swap3A_384 = tpu.vector_load %arg13[%swap3A_382, %swap3A_383] {strides = array<i32>} : memref<100x80xf32, #tpu.memory_space<vmem>>, vector<16xf32>,
        tpu.vector_store %arg13[%swap3A_382, %swap3A_383], %mul3A_381 {strides = array<i32>} : memref<100x80xf32, #tpu.memory_space<vmem>>, vector<16xf32>,
        %gather3A_385 = tpu.vector_load_idx %arg19[%add3A_13] : memref<16xf32, #tpu.memory_space<vmem>>[vector<16xi32>], vector<16xf32>,
        %get3A_386 = arith.index_cast %add3A_346 : i32 to index
        %get3A_387 = arith.constant 48 : index
        %get3A_388 = tpu.vector_load %arg9[%get3A_386, %get3A_387] {strides = array<i32>} : memref<100x80xf32, #tpu.memory_space<vmem>>, vector<16xf32>,
        %mul3A_389 = arith.mulf %get3A_388, %gather3A_385 : vector<16xf32>
        %swap3A_390 = arith.index_cast %add3A_346 : i32 to index
        %swap3A_391 = arith.constant 48 : index
        %swap3A_392 = tpu.vector_load %arg13[%swap3A_390, %swap3A_391] {strides = array<i32>} : memref<100x80xf32, #tpu.memory_space<vmem>>, vector<16xf32>,
        tpu.vector_store %arg13[%swap3A_390, %swap3A_391], %mul3A_389 {strides = array<i32>} : memref<100x80xf32, #tpu.memory_space<vmem>>, vector<16xf32>,
        %swap3A_393 = arith.index_cast %add3A_346 : i32 to index
        %swap3A_394 = arith.constant 64 : index
        %swap3A_395 = tpu.vector_load %arg13[%swap3A_393, %swap3A_394] {strides = array<i32>} : memref<100x80xf32, #tpu.memory_space<vmem>>, vector<16xf32>,
        tpu.vector_store %arg13[%swap3A_393, %swap3A_394], %exp3A_358 {strides = array<i32>} : memref<100x80xf32, #tpu.memory_space<vmem>>, vector<16xf32>,
        %mul3A_396 = arith.constant 5 : i32
        %mul3A_397 = arith.muli %mul3A_396, %scan3A_188 : i32
        %add3A_398 = arith.constant 4 : i32
        %add3A_399 = arith.addi %mul3A_397, %add3A_398 : i32
        %get3A_400 = arith.index_cast %add3A_399 : i32 to index
        %get3A_401 = arith.constant 64 : index
        %get3A_402 = tpu.vector_load %arg9[%get3A_400, %get3A_401] {strides = array<i32>} : memref<100x80xf32, #tpu.memory_space<vmem>>, vector<16xf32>,
        %get3A_403 = arith.index_cast %add3A_399 : i32 to index
        %get3A_404 = arith.constant 0 : index
        %get3A_405 = tpu.vector_load %arg11[%get3A_403, %get3A_404] {strides = array<i32>} : memref<100x16xf32, #tpu.memory_space<vmem>>, vector<16xf32>,
        %add3A_406 = arith.addf %get3A_402, %get3A_405 : vector<16xf32>
        %mul3A_407 = arith.constant 2.000000e-01 : f32
        %mul3A_408 = vector.broadcast %mul3A_407 : f32 to vector<16xf32>
        %mul3A_409 = arith.mulf %mul3A_408, %add3A_406 : vector<16xf32>
        %max3A_410 = arith.maximumf %add3A_406, %mul3A_409 : vector<16xf32>
        %exp3A_411 = math.exp %max3A_410 : vector<16xf32>
        %swap3A_412 = arith.constant 0 : index
        %swap3A_413 = tpu.vector_load %arg20[%swap3A_412] {strides = array<i32>} : memref<16xf32, #tpu.memory_space<vmem>>, vector<16xf32>,
        tpu.vector_store %arg20[%swap3A_412], %exp3A_411 {strides = array<i32>} : memref<16xf32, #tpu.memory_space<vmem>>, vector<16xf32>,
        %gather3A_414 = tpu.vector_load_idx %arg20[%add3A_4] : memref<16xf32, #tpu.memory_space<vmem>>[vector<16xi32>], vector<16xf32>,
        %get3A_415 = arith.index_cast %add3A_399 : i32 to index
        %get3A_416 = arith.constant 0 : index
        %get3A_417 = tpu.vector_load %arg9[%get3A_415, %get3A_416] {strides = array<i32>} : memref<100x80xf32, #tpu.memory_space<vmem>>, vector<16xf32>,
        %mul3A_418 = arith.mulf %get3A_417, %gather3A_414 : vector<16xf32>
        %swap3A_419 = arith.index_cast %add3A_399 : i32 to index
        %swap3A_420 = arith.constant 0 : index
        %swap3A_421 = tpu.vector_load %arg13[%swap3A_419, %swap3A_420] {strides = array<i32>} : memref<100x80xf32, #tpu.memory_space<vmem>>, vector<16xf32>,
        tpu.vector_store %arg13[%swap3A_419, %swap3A_420], %mul3A_418 {strides = array<i32>} : memref<100x80xf32, #tpu.memory_space<vmem>>, vector<16xf32>,
        %gather3A_422 = tpu.vector_load_idx %arg20[%add3A_7] : memref<16xf32, #tpu.memory_space<vmem>>[vector<16xi32>], vector<16xf32>,
        %get3A_423 = arith.index_cast %add3A_399 : i32 to index
        %get3A_424 = arith.constant 16 : index
        %get3A_425 = tpu.vector_load %arg9[%get3A_423, %get3A_424] {strides = array<i32>} : memref<100x80xf32, #tpu.memory_space<vmem>>, vector<16xf32>,
        %mul3A_426 = arith.mulf %get3A_425, %gather3A_422 : vector<16xf32>
        %swap3A_427 = arith.index_cast %add3A_399 : i32 to index
        %swap3A_428 = arith.constant 16 : index
        %swap3A_429 = tpu.vector_load %arg13[%swap3A_427, %swap3A_428] {strides = array<i32>} : memref<100x80xf32, #tpu.memory_space<vmem>>, vector<16xf32>,
        tpu.vector_store %arg13[%swap3A_427, %swap3A_428], %mul3A_426 {strides = array<i32>} : memref<100x80xf32, #tpu.memory_space<vmem>>, vector<16xf32>,
        %gather3A_430 = tpu.vector_load_idx %arg20[%add3A_10] : memref<16xf32, #tpu.memory_space<vmem>>[vector<16xi32>], vector<16xf32>,
        %get3A_431 = arith.index_cast %add3A_399 : i32 to index
        %get3A_432 = arith.constant 32 : index
        %get3A_433 = tpu.vector_load %arg9[%get3A_431, %get3A_432] {strides = array<i32>} : memref<100x80xf32, #tpu.memory_space<vmem>>, vector<16xf32>,
        %mul3A_434 = arith.mulf %get3A_433, %gather3A_430 : vector<16xf32>
        %swap3A_435 = arith.index_cast %add3A_399 : i32 to index
        %swap3A_436 = arith.constant 32 : index
        %swap3A_437 = tpu.vector_load %arg13[%swap3A_435, %swap3A_436] {strides = array<i32>} : memref<100x80xf32, #tpu.memory_space<vmem>>, vector<16xf32>,
        tpu.vector_store %arg13[%swap3A_435, %swap3A_436], %mul3A_434 {strides = array<i32>} : memref<100x80xf32, #tpu.memory_space<vmem>>, vector<16xf32>,
        %gather3A_438 = tpu.vector_load_idx %arg20[%add3A_13] : memref<16xf32, #tpu.memory_space<vmem>>[vector<16xi32>], vector<16xf32>,
        %get3A_439 = arith.index_cast %add3A_399 : i32 to index
        %get3A_440 = arith.constant 48 : index
        %get3A_441 = tpu.vector_load %arg9[%get3A_439, %get3A_440] {strides = array<i32>} : memref<100x80xf32, #tpu.memory_space<vmem>>, vector<16xf32>,
        %mul3A_442 = arith.mulf %get3A_441, %gather3A_438 : vector<16xf32>
        %swap3A_443 = arith.index_cast %add3A_399 : i32 to index
        %swap3A_444 = arith.constant 48 : index
        %swap3A_445 = tpu.vector_load %arg13[%swap3A_443, %swap3A_444] {strides = array<i32>} : memref<100x80xf32, #tpu.memory_space<vmem>>, vector<16xf32>,
        tpu.vector_store %arg13[%swap3A_443, %swap3A_444], %mul3A_442 {strides = array<i32>} : memref<100x80xf32, #tpu.memory_space<vmem>>, vector<16xf32>,
        %swap3A_446 = arith.index_cast %add3A_399 : i32 to index
        %swap3A_447 = arith.constant 64 : index
        %swap3A_448 = tpu.vector_load %arg13[%swap3A_446, %swap3A_447] {strides = array<i32>} : memref<100x80xf32, #tpu.memory_space<vmem>>, vector<16xf32>,
        tpu.vector_store %arg13[%swap3A_446, %swap3A_447], %exp3A_411 {strides = array<i32>} : memref<100x80xf32, #tpu.memory_space<vmem>>, vector<16xf32>,
      }
      %scan3A_145 = arith.constant 20 : i32
      %dma_start3A_146 = arith.constant 0 : i32
      %dma_start3A_147 = tpu.memref_slice %arg8[%mul3A_109, %dma_start3A_146] : memref<100x100xi32, #tpu.memory_space<vmem>> -> memref<1x100xi32, #tpu.memory_space<vmem>>
      %dma_start3A_148 = tpu.memref_squeeze %dma_start3A_147 : memref<1x100xi32, #tpu.memory_space<vmem>> -> memref<100xi32, #tpu.memory_space<vmem>>
      %dma_start3A_149 = arith.constant 0 : i32
      %dma_start3A_150 = arith.constant 0 : i32
      %dma_start3A_151 = tpu.memref_slice %arg21[%dma_start3A_149, %dma_start3A_150] : memref<10000x80xf32, #tpu.memory_space<vmem_shared>> -> memref<10000x80xf32, #tpu.memory_space<vmem_shared>>
      tpu.enqueue_indirect_dma source(%arg13 : memref<100x80xf32, #tpu.memory_space<vmem>>) target(%dma_start3A_151 : memref<10000x80xf32, #tpu.memory_space<vmem_shared>>) offsets(%dma_start3A_148 : memref<100xi32, #tpu.memory_space<vmem>>) semaphore(%arg26 : memref<!tpu.dma_semaphore, #tpu.memory_space<semaphore_mem>>) {add = true}
      %add3A_152 = arith.constant 2 : i32
      %add3A_153 = arith.addi %mul3A_109, %add3A_152 : i32
      %lt3A_154 = arith.constant 100 : i32
      %lt3A_155 = arith.cmpi slt, %add3A_153, %lt3A_154 : i32
      %convert_element_type3A_156 = arith.extui %lt3A_155 : i1 to i32
      %cond3A_157 = arith.constant 0 : i32
      %cond3A_158 = arith.cmpi ne, %convert_element_type3A_156, %cond3A_157 : i32
      scf.if %cond3A_158 {
        %add3A_188 = arith.constant 2 : i32
        %add3A_189 = arith.addi %mul3A_109, %add3A_188 : i32
        %dma_start3A_190 = arith.constant 0 : i32
        %dma_start3A_191 = tpu.memref_slice %arg7[%add3A_189, %dma_start3A_190] : memref<100x100xi32, #tpu.memory_space<vmem>> -> memref<1x100xi32, #tpu.memory_space<vmem>>
        %dma_start3A_192 = tpu.memref_squeeze %dma_start3A_191 : memref<1x100xi32, #tpu.memory_space<vmem>> -> memref<100xi32, #tpu.memory_space<vmem>>
        %dma_start3A_193 = arith.constant 0 : i32
        %dma_start3A_194 = arith.constant 0 : i32
        %dma_start3A_195 = tpu.memref_slice %arg4[%dma_start3A_193, %dma_start3A_194] : memref<10000x80xf32, #tpu.memory_space<hbm>> -> memref<10000x80xf32, #tpu.memory_space<hbm>>
        tpu.enqueue_indirect_dma source(%dma_start3A_195 : memref<10000x80xf32, #tpu.memory_space<hbm>>) target(%arg9 : memref<100x80xf32, #tpu.memory_space<vmem>>) offsets(%dma_start3A_192 : memref<100xi32, #tpu.memory_space<vmem>>) semaphore(%arg22 : memref<!tpu.dma_semaphore, #tpu.memory_space<semaphore_mem>>)
        %dma_start3A_196 = arith.constant 0 : i32
        %dma_start3A_197 = tpu.memref_slice %arg8[%add3A_189, %dma_start3A_196] : memref<100x100xi32, #tpu.memory_space<vmem>> -> memref<1x100xi32, #tpu.memory_space<vmem>>
        %dma_start3A_198 = tpu.memref_squeeze %dma_start3A_197 : memref<1x100xi32, #tpu.memory_space<vmem>> -> memref<100xi32, #tpu.memory_space<vmem>>
        %dma_start3A_199 = arith.constant 0 : i32
        %dma_start3A_200 = arith.constant 0 : i32
        %dma_start3A_201 = tpu.memref_slice %arg5[%dma_start3A_199, %dma_start3A_200] : memref<10000x16xf32, #tpu.memory_space<hbm>> -> memref<10000x16xf32, #tpu.memory_space<hbm>>
        tpu.enqueue_indirect_dma source(%dma_start3A_201 : memref<10000x16xf32, #tpu.memory_space<hbm>>) target(%arg11 : memref<100x16xf32, #tpu.memory_space<vmem>>) offsets(%dma_start3A_198 : memref<100xi32, #tpu.memory_space<vmem>>) semaphore(%arg24 : memref<!tpu.dma_semaphore, #tpu.memory_space<semaphore_mem>>)
      } else {
      }
      %dma_wait3A_159 = arith.constant 0 : i32
      %dma_wait3A_160 = tpu.memref_slice %arg7[%add3A_111, %dma_wait3A_159] : memref<100x100xi32, #tpu.memory_space<vmem>> -> memref<1x100xi32, #tpu.memory_space<vmem>>
      %dma_wait3A_161 = tpu.memref_squeeze %dma_wait3A_160 : memref<1x100xi32, #tpu.memory_space<vmem>> -> memref<100xi32, #tpu.memory_space<vmem>>
      %dma_wait3A_162 = arith.constant 0 : i32
      %dma_wait3A_163 = arith.constant 0 : i32
      %dma_wait3A_164 = tpu.memref_slice %arg4[%dma_wait3A_162, %dma_wait3A_163] : memref<10000x80xf32, #tpu.memory_space<hbm>> -> memref<10000x80xf32, #tpu.memory_space<hbm>>
      tpu.wait_indirect_dma semaphore(%arg23 : memref<!tpu.dma_semaphore, #tpu.memory_space<semaphore_mem>>) src(%dma_wait3A_164 : memref<10000x80xf32, #tpu.memory_space<hbm>>) dst(%arg10 : memref<100x80xf32, #tpu.memory_space<vmem>>)
      %dma_wait3A_165 = arith.constant 0 : i32
      %dma_wait3A_166 = tpu.memref_slice %arg8[%add3A_111, %dma_wait3A_165] : memref<100x100xi32, #tpu.memory_space<vmem>> -> memref<1x100xi32, #tpu.memory_space<vmem>>
      %dma_wait3A_167 = tpu.memref_squeeze %dma_wait3A_166 : memref<1x100xi32, #tpu.memory_space<vmem>> -> memref<100xi32, #tpu.memory_space<vmem>>
      %dma_wait3A_168 = arith.constant 0 : i32
      %dma_wait3A_169 = arith.constant 0 : i32
      %dma_wait3A_170 = tpu.memref_slice %arg5[%dma_wait3A_168, %dma_wait3A_169] : memref<10000x16xf32, #tpu.memory_space<hbm>> -> memref<10000x16xf32, #tpu.memory_space<hbm>>
      tpu.wait_indirect_dma semaphore(%arg25 : memref<!tpu.dma_semaphore, #tpu.memory_space<semaphore_mem>>) src(%dma_wait3A_170 : memref<10000x16xf32, #tpu.memory_space<hbm>>) dst(%arg12 : memref<100x16xf32, #tpu.memory_space<vmem>>)
      %gt3A_171 = arith.constant 0 : i32
      %gt3A_172 = arith.cmpi sgt, %scan3A_107, %gt3A_171 : i32
      %convert_element_type3A_173 = arith.extui %gt3A_172 : i1 to i32
      %cond3A_174 = arith.constant 0 : i32
      %cond3A_175 = arith.cmpi ne, %convert_element_type3A_173, %cond3A_174 : i32
      scf.if %cond3A_175 {
        %sub3A = arith.constant 2 : i32
        %sub3A_188 = arith.subi %add3A_111, %sub3A : i32
        %dma_wait3A_189 = arith.constant 0 : i32
        %dma_wait3A_190 = tpu.memref_slice %arg8[%sub3A_188, %dma_wait3A_189] : memref<100x100xi32, #tpu.memory_space<vmem>> -> memref<1x100xi32, #tpu.memory_space<vmem>>
        %dma_wait3A_191 = tpu.memref_squeeze %dma_wait3A_190 : memref<1x100xi32, #tpu.memory_space<vmem>> -> memref<100xi32, #tpu.memory_space<vmem>>
        %dma_wait3A_192 = arith.constant 0 : i32
        %dma_wait3A_193 = arith.constant 0 : i32
        %dma_wait3A_194 = tpu.memref_slice %arg21[%dma_wait3A_192, %dma_wait3A_193] : memref<10000x80xf32, #tpu.memory_space<vmem_shared>> -> memref<10000x80xf32, #tpu.memory_space<vmem_shared>>
        tpu.wait_indirect_dma semaphore(%arg27 : memref<!tpu.dma_semaphore, #tpu.memory_space<semaphore_mem>>) src(%arg14 : memref<100x80xf32, #tpu.memory_space<vmem>>) dst(%dma_wait3A_194 : memref<10000x80xf32, #tpu.memory_space<vmem_shared>>)
      } else {
      }
      %scan3A_176 = arith.constant 0 : i32
      %scan3A_177 = arith.constant 0 : i32
      %scan3A_178 = arith.constant 20 : i32
      %scan3A_179 = arith.addi %scan3A_177, %scan3A_178 : i32
      %scan3A_180 = arith.constant 1 : i32
      scf.for %scan3A_188 = %scan3A_177 to %scan3A_179 step %scan3A_180  : i32 {
        %mul3A_189 = arith.constant 5 : i32
        %mul3A_190 = arith.muli %mul3A_189, %scan3A_188 : i32
        %add3A_191 = arith.constant 0 : i32
        %add3A_192 = arith.addi %mul3A_190, %add3A_191 : i32
        %get3A = arith.index_cast %add3A_192 : i32 to index
        %get3A_193 = arith.constant 64 : index
        %get3A_194 = tpu.vector_load %arg10[%get3A, %get3A_193] {strides = array<i32>} : memref<100x80xf32, #tpu.memory_space<vmem>>, vector<16xf32>,
        %get3A_195 = arith.index_cast %add3A_192 : i32 to index
        %get3A_196 = arith.constant 0 : index
        %get3A_197 = tpu.vector_load %arg12[%get3A_195, %get3A_196] {strides = array<i32>} : memref<100x16xf32, #tpu.memory_space<vmem>>, vector<16xf32>,
        %add3A_198 = arith.addf %get3A_194, %get3A_197 : vector<16xf32>
        %mul3A_199 = arith.constant 2.000000e-01 : f32
        %mul3A_200 = vector.broadcast %mul3A_199 : f32 to vector<16xf32>
        %mul3A_201 = arith.mulf %mul3A_200, %add3A_198 : vector<16xf32>
        %max3A = arith.maximumf %add3A_198, %mul3A_201 : vector<16xf32>
        %exp3A = math.exp %max3A : vector<16xf32>
        %swap3A = arith.constant 0 : index
        %swap3A_202 = tpu.vector_load %arg16[%swap3A] {strides = array<i32>} : memref<16xf32, #tpu.memory_space<vmem>>, vector<16xf32>,
        tpu.vector_store %arg16[%swap3A], %exp3A {strides = array<i32>} : memref<16xf32, #tpu.memory_space<vmem>>, vector<16xf32>,
        %gather3A = tpu.vector_load_idx %arg16[%add3A_4] : memref<16xf32, #tpu.memory_space<vmem>>[vector<16xi32>], vector<16xf32>,
        %get3A_203 = arith.index_cast %add3A_192 : i32 to index
        %get3A_204 = arith.constant 0 : index
        %get3A_205 = tpu.vector_load %arg10[%get3A_203, %get3A_204] {strides = array<i32>} : memref<100x80xf32, #tpu.memory_space<vmem>>, vector<16xf32>,
        %mul3A_206 = arith.mulf %get3A_205, %gather3A : vector<16xf32>
        %swap3A_207 = arith.index_cast %add3A_192 : i32 to index
        %swap3A_208 = arith.constant 0 : index
        %swap3A_209 = tpu.vector_load %arg14[%swap3A_207, %swap3A_208] {strides = array<i32>} : memref<100x80xf32, #tpu.memory_space<vmem>>, vector<16xf32>,
        tpu.vector_store %arg14[%swap3A_207, %swap3A_208], %mul3A_206 {strides = array<i32>} : memref<100x80xf32, #tpu.memory_space<vmem>>, vector<16xf32>,
        %gather3A_210 = tpu.vector_load_idx %arg16[%add3A_7] : memref<16xf32, #tpu.memory_space<vmem>>[vector<16xi32>], vector<16xf32>,
        %get3A_211 = arith.index_cast %add3A_192 : i32 to index
        %get3A_212 = arith.constant 16 : index
        %get3A_213 = tpu.vector_load %arg10[%get3A_211, %get3A_212] {strides = array<i32>} : memref<100x80xf32, #tpu.memory_space<vmem>>, vector<16xf32>,
        %mul3A_214 = arith.mulf %get3A_213, %gather3A_210 : vector<16xf32>
        %swap3A_215 = arith.index_cast %add3A_192 : i32 to index
        %swap3A_216 = arith.constant 16 : index
        %swap3A_217 = tpu.vector_load %arg14[%swap3A_215, %swap3A_216] {strides = array<i32>} : memref<100x80xf32, #tpu.memory_space<vmem>>, vector<16xf32>,
        tpu.vector_store %arg14[%swap3A_215, %swap3A_216], %mul3A_214 {strides = array<i32>} : memref<100x80xf32, #tpu.memory_space<vmem>>, vector<16xf32>,
        %gather3A_218 = tpu.vector_load_idx %arg16[%add3A_10] : memref<16xf32, #tpu.memory_space<vmem>>[vector<16xi32>], vector<16xf32>,
        %get3A_219 = arith.index_cast %add3A_192 : i32 to index
        %get3A_220 = arith.constant 32 : index
        %get3A_221 = tpu.vector_load %arg10[%get3A_219, %get3A_220] {strides = array<i32>} : memref<100x80xf32, #tpu.memory_space<vmem>>, vector<16xf32>,
        %mul3A_222 = arith.mulf %get3A_221, %gather3A_218 : vector<16xf32>
        %swap3A_223 = arith.index_cast %add3A_192 : i32 to index
        %swap3A_224 = arith.constant 32 : index
        %swap3A_225 = tpu.vector_load %arg14[%swap3A_223, %swap3A_224] {strides = array<i32>} : memref<100x80xf32, #tpu.memory_space<vmem>>, vector<16xf32>,
        tpu.vector_store %arg14[%swap3A_223, %swap3A_224], %mul3A_222 {strides = array<i32>} : memref<100x80xf32, #tpu.memory_space<vmem>>, vector<16xf32>,
        %gather3A_226 = tpu.vector_load_idx %arg16[%add3A_13] : memref<16xf32, #tpu.memory_space<vmem>>[vector<16xi32>], vector<16xf32>,
        %get3A_227 = arith.index_cast %add3A_192 : i32 to index
        %get3A_228 = arith.constant 48 : index
        %get3A_229 = tpu.vector_load %arg10[%get3A_227, %get3A_228] {strides = array<i32>} : memref<100x80xf32, #tpu.memory_space<vmem>>, vector<16xf32>,
        %mul3A_230 = arith.mulf %get3A_229, %gather3A_226 : vector<16xf32>
        %swap3A_231 = arith.index_cast %add3A_192 : i32 to index
        %swap3A_232 = arith.constant 48 : index
        %swap3A_233 = tpu.vector_load %arg14[%swap3A_231, %swap3A_232] {strides = array<i32>} : memref<100x80xf32, #tpu.memory_space<vmem>>, vector<16xf32>,
        tpu.vector_store %arg14[%swap3A_231, %swap3A_232], %mul3A_230 {strides = array<i32>} : memref<100x80xf32, #tpu.memory_space<vmem>>, vector<16xf32>,
        %swap3A_234 = arith.index_cast %add3A_192 : i32 to index
        %swap3A_235 = arith.constant 64 : index
        %swap3A_236 = tpu.vector_load %arg14[%swap3A_234, %swap3A_235] {strides = array<i32>} : memref<100x80xf32, #tpu.memory_space<vmem>>, vector<16xf32>,
        tpu.vector_store %arg14[%swap3A_234, %swap3A_235], %exp3A {strides = array<i32>} : memref<100x80xf32, #tpu.memory_space<vmem>>, vector<16xf32>,
        %mul3A_237 = arith.constant 5 : i32
        %mul3A_238 = arith.muli %mul3A_237, %scan3A_188 : i32
        %add3A_239 = arith.constant 1 : i32
        %add3A_240 = arith.addi %mul3A_238, %add3A_239 : i32
        %get3A_241 = arith.index_cast %add3A_240 : i32 to index
        %get3A_242 = arith.constant 64 : index
        %get3A_243 = tpu.vector_load %arg10[%get3A_241, %get3A_242] {strides = array<i32>} : memref<100x80xf32, #tpu.memory_space<vmem>>, vector<16xf32>,
        %get3A_244 = arith.index_cast %add3A_240 : i32 to index
        %get3A_245 = arith.constant 0 : index
        %get3A_246 = tpu.vector_load %arg12[%get3A_244, %get3A_245] {strides = array<i32>} : memref<100x16xf32, #tpu.memory_space<vmem>>, vector<16xf32>,
        %add3A_247 = arith.addf %get3A_243, %get3A_246 : vector<16xf32>
        %mul3A_248 = arith.constant 2.000000e-01 : f32
        %mul3A_249 = vector.broadcast %mul3A_248 : f32 to vector<16xf32>
        %mul3A_250 = arith.mulf %mul3A_249, %add3A_247 : vector<16xf32>
        %max3A_251 = arith.maximumf %add3A_247, %mul3A_250 : vector<16xf32>
        %exp3A_252 = math.exp %max3A_251 : vector<16xf32>
        %swap3A_253 = arith.constant 0 : index
        %swap3A_254 = tpu.vector_load %arg17[%swap3A_253] {strides = array<i32>} : memref<16xf32, #tpu.memory_space<vmem>>, vector<16xf32>,
        tpu.vector_store %arg17[%swap3A_253], %exp3A_252 {strides = array<i32>} : memref<16xf32, #tpu.memory_space<vmem>>, vector<16xf32>,
        %gather3A_255 = tpu.vector_load_idx %arg17[%add3A_4] : memref<16xf32, #tpu.memory_space<vmem>>[vector<16xi32>], vector<16xf32>,
        %get3A_256 = arith.index_cast %add3A_240 : i32 to index
        %get3A_257 = arith.constant 0 : index
        %get3A_258 = tpu.vector_load %arg10[%get3A_256, %get3A_257] {strides = array<i32>} : memref<100x80xf32, #tpu.memory_space<vmem>>, vector<16xf32>,
        %mul3A_259 = arith.mulf %get3A_258, %gather3A_255 : vector<16xf32>
        %swap3A_260 = arith.index_cast %add3A_240 : i32 to index
        %swap3A_261 = arith.constant 0 : index
        %swap3A_262 = tpu.vector_load %arg14[%swap3A_260, %swap3A_261] {strides = array<i32>} : memref<100x80xf32, #tpu.memory_space<vmem>>, vector<16xf32>,
        tpu.vector_store %arg14[%swap3A_260, %swap3A_261], %mul3A_259 {strides = array<i32>} : memref<100x80xf32, #tpu.memory_space<vmem>>, vector<16xf32>,
        %gather3A_263 = tpu.vector_load_idx %arg17[%add3A_7] : memref<16xf32, #tpu.memory_space<vmem>>[vector<16xi32>], vector<16xf32>,
        %get3A_264 = arith.index_cast %add3A_240 : i32 to index
        %get3A_265 = arith.constant 16 : index
        %get3A_266 = tpu.vector_load %arg10[%get3A_264, %get3A_265] {strides = array<i32>} : memref<100x80xf32, #tpu.memory_space<vmem>>, vector<16xf32>,
        %mul3A_267 = arith.mulf %get3A_266, %gather3A_263 : vector<16xf32>
        %swap3A_268 = arith.index_cast %add3A_240 : i32 to index
        %swap3A_269 = arith.constant 16 : index
        %swap3A_270 = tpu.vector_load %arg14[%swap3A_268, %swap3A_269] {strides = array<i32>} : memref<100x80xf32, #tpu.memory_space<vmem>>, vector<16xf32>,
        tpu.vector_store %arg14[%swap3A_268, %swap3A_269], %mul3A_267 {strides = array<i32>} : memref<100x80xf32, #tpu.memory_space<vmem>>, vector<16xf32>,
        %gather3A_271 = tpu.vector_load_idx %arg17[%add3A_10] : memref<16xf32, #tpu.memory_space<vmem>>[vector<16xi32>], vector<16xf32>,
        %get3A_272 = arith.index_cast %add3A_240 : i32 to index
        %get3A_273 = arith.constant 32 : index
        %get3A_274 = tpu.vector_load %arg10[%get3A_272, %get3A_273] {strides = array<i32>} : memref<100x80xf32, #tpu.memory_space<vmem>>, vector<16xf32>,
        %mul3A_275 = arith.mulf %get3A_274, %gather3A_271 : vector<16xf32>
        %swap3A_276 = arith.index_cast %add3A_240 : i32 to index
        %swap3A_277 = arith.constant 32 : index
        %swap3A_278 = tpu.vector_load %arg14[%swap3A_276, %swap3A_277] {strides = array<i32>} : memref<100x80xf32, #tpu.memory_space<vmem>>, vector<16xf32>,
        tpu.vector_store %arg14[%swap3A_276, %swap3A_277], %mul3A_275 {strides = array<i32>} : memref<100x80xf32, #tpu.memory_space<vmem>>, vector<16xf32>,
        %gather3A_279 = tpu.vector_load_idx %arg17[%add3A_13] : memref<16xf32, #tpu.memory_space<vmem>>[vector<16xi32>], vector<16xf32>,
        %get3A_280 = arith.index_cast %add3A_240 : i32 to index
        %get3A_281 = arith.constant 48 : index
        %get3A_282 = tpu.vector_load %arg10[%get3A_280, %get3A_281] {strides = array<i32>} : memref<100x80xf32, #tpu.memory_space<vmem>>, vector<16xf32>,
        %mul3A_283 = arith.mulf %get3A_282, %gather3A_279 : vector<16xf32>
        %swap3A_284 = arith.index_cast %add3A_240 : i32 to index
        %swap3A_285 = arith.constant 48 : index
        %swap3A_286 = tpu.vector_load %arg14[%swap3A_284, %swap3A_285] {strides = array<i32>} : memref<100x80xf32, #tpu.memory_space<vmem>>, vector<16xf32>,
        tpu.vector_store %arg14[%swap3A_284, %swap3A_285], %mul3A_283 {strides = array<i32>} : memref<100x80xf32, #tpu.memory_space<vmem>>, vector<16xf32>,
        %swap3A_287 = arith.index_cast %add3A_240 : i32 to index
        %swap3A_288 = arith.constant 64 : index
        %swap3A_289 = tpu.vector_load %arg14[%swap3A_287, %swap3A_288] {strides = array<i32>} : memref<100x80xf32, #tpu.memory_space<vmem>>, vector<16xf32>,
        tpu.vector_store %arg14[%swap3A_287, %swap3A_288], %exp3A_252 {strides = array<i32>} : memref<100x80xf32, #tpu.memory_space<vmem>>, vector<16xf32>,
        %mul3A_290 = arith.constant 5 : i32
        %mul3A_291 = arith.muli %mul3A_290, %scan3A_188 : i32
        %add3A_292 = arith.constant 2 : i32
        %add3A_293 = arith.addi %mul3A_291, %add3A_292 : i32
        %get3A_294 = arith.index_cast %add3A_293 : i32 to index
        %get3A_295 = arith.constant 64 : index
        %get3A_296 = tpu.vector_load %arg10[%get3A_294, %get3A_295] {strides = array<i32>} : memref<100x80xf32, #tpu.memory_space<vmem>>, vector<16xf32>,
        %get3A_297 = arith.index_cast %add3A_293 : i32 to index
        %get3A_298 = arith.constant 0 : index
        %get3A_299 = tpu.vector_load %arg12[%get3A_297, %get3A_298] {strides = array<i32>} : memref<100x16xf32, #tpu.memory_space<vmem>>, vector<16xf32>,
        %add3A_300 = arith.addf %get3A_296, %get3A_299 : vector<16xf32>
        %mul3A_301 = arith.constant 2.000000e-01 : f32
        %mul3A_302 = vector.broadcast %mul3A_301 : f32 to vector<16xf32>
        %mul3A_303 = arith.mulf %mul3A_302, %add3A_300 : vector<16xf32>
        %max3A_304 = arith.maximumf %add3A_300, %mul3A_303 : vector<16xf32>
        %exp3A_305 = math.exp %max3A_304 : vector<16xf32>
        %swap3A_306 = arith.constant 0 : index
        %swap3A_307 = tpu.vector_load %arg18[%swap3A_306] {strides = array<i32>} : memref<16xf32, #tpu.memory_space<vmem>>, vector<16xf32>,
        tpu.vector_store %arg18[%swap3A_306], %exp3A_305 {strides = array<i32>} : memref<16xf32, #tpu.memory_space<vmem>>, vector<16xf32>,
        %gather3A_308 = tpu.vector_load_idx %arg18[%add3A_4] : memref<16xf32, #tpu.memory_space<vmem>>[vector<16xi32>], vector<16xf32>,
        %get3A_309 = arith.index_cast %add3A_293 : i32 to index
        %get3A_310 = arith.constant 0 : index
        %get3A_311 = tpu.vector_load %arg10[%get3A_309, %get3A_310] {strides = array<i32>} : memref<100x80xf32, #tpu.memory_space<vmem>>, vector<16xf32>,
        %mul3A_312 = arith.mulf %get3A_311, %gather3A_308 : vector<16xf32>
        %swap3A_313 = arith.index_cast %add3A_293 : i32 to index
        %swap3A_314 = arith.constant 0 : index
        %swap3A_315 = tpu.vector_load %arg14[%swap3A_313, %swap3A_314] {strides = array<i32>} : memref<100x80xf32, #tpu.memory_space<vmem>>, vector<16xf32>,
        tpu.vector_store %arg14[%swap3A_313, %swap3A_314], %mul3A_312 {strides = array<i32>} : memref<100x80xf32, #tpu.memory_space<vmem>>, vector<16xf32>,
        %gather3A_316 = tpu.vector_load_idx %arg18[%add3A_7] : memref<16xf32, #tpu.memory_space<vmem>>[vector<16xi32>], vector<16xf32>,
        %get3A_317 = arith.index_cast %add3A_293 : i32 to index
        %get3A_318 = arith.constant 16 : index
        %get3A_319 = tpu.vector_load %arg10[%get3A_317, %get3A_318] {strides = array<i32>} : memref<100x80xf32, #tpu.memory_space<vmem>>, vector<16xf32>,
        %mul3A_320 = arith.mulf %get3A_319, %gather3A_316 : vector<16xf32>
        %swap3A_321 = arith.index_cast %add3A_293 : i32 to index
        %swap3A_322 = arith.constant 16 : index
        %swap3A_323 = tpu.vector_load %arg14[%swap3A_321, %swap3A_322] {strides = array<i32>} : memref<100x80xf32, #tpu.memory_space<vmem>>, vector<16xf32>,
        tpu.vector_store %arg14[%swap3A_321, %swap3A_322], %mul3A_320 {strides = array<i32>} : memref<100x80xf32, #tpu.memory_space<vmem>>, vector<16xf32>,
        %gather3A_324 = tpu.vector_load_idx %arg18[%add3A_10] : memref<16xf32, #tpu.memory_space<vmem>>[vector<16xi32>], vector<16xf32>,
        %get3A_325 = arith.index_cast %add3A_293 : i32 to index
        %get3A_326 = arith.constant 32 : index
        %get3A_327 = tpu.vector_load %arg10[%get3A_325, %get3A_326] {strides = array<i32>} : memref<100x80xf32, #tpu.memory_space<vmem>>, vector<16xf32>,
        %mul3A_328 = arith.mulf %get3A_327, %gather3A_324 : vector<16xf32>
        %swap3A_329 = arith.index_cast %add3A_293 : i32 to index
        %swap3A_330 = arith.constant 32 : index
        %swap3A_331 = tpu.vector_load %arg14[%swap3A_329, %swap3A_330] {strides = array<i32>} : memref<100x80xf32, #tpu.memory_space<vmem>>, vector<16xf32>,
        tpu.vector_store %arg14[%swap3A_329, %swap3A_330], %mul3A_328 {strides = array<i32>} : memref<100x80xf32, #tpu.memory_space<vmem>>, vector<16xf32>,
        %gather3A_332 = tpu.vector_load_idx %arg18[%add3A_13] : memref<16xf32, #tpu.memory_space<vmem>>[vector<16xi32>], vector<16xf32>,
        %get3A_333 = arith.index_cast %add3A_293 : i32 to index
        %get3A_334 = arith.constant 48 : index
        %get3A_335 = tpu.vector_load %arg10[%get3A_333, %get3A_334] {strides = array<i32>} : memref<100x80xf32, #tpu.memory_space<vmem>>, vector<16xf32>,
        %mul3A_336 = arith.mulf %get3A_335, %gather3A_332 : vector<16xf32>
        %swap3A_337 = arith.index_cast %add3A_293 : i32 to index
        %swap3A_338 = arith.constant 48 : index
        %swap3A_339 = tpu.vector_load %arg14[%swap3A_337, %swap3A_338] {strides = array<i32>} : memref<100x80xf32, #tpu.memory_space<vmem>>, vector<16xf32>,
        tpu.vector_store %arg14[%swap3A_337, %swap3A_338], %mul3A_336 {strides = array<i32>} : memref<100x80xf32, #tpu.memory_space<vmem>>, vector<16xf32>,
        %swap3A_340 = arith.index_cast %add3A_293 : i32 to index
        %swap3A_341 = arith.constant 64 : index
        %swap3A_342 = tpu.vector_load %arg14[%swap3A_340, %swap3A_341] {strides = array<i32>} : memref<100x80xf32, #tpu.memory_space<vmem>>, vector<16xf32>,
        tpu.vector_store %arg14[%swap3A_340, %swap3A_341], %exp3A_305 {strides = array<i32>} : memref<100x80xf32, #tpu.memory_space<vmem>>, vector<16xf32>,
        %mul3A_343 = arith.constant 5 : i32
        %mul3A_344 = arith.muli %mul3A_343, %scan3A_188 : i32
        %add3A_345 = arith.constant 3 : i32
        %add3A_346 = arith.addi %mul3A_344, %add3A_345 : i32
        %get3A_347 = arith.index_cast %add3A_346 : i32 to index
        %get3A_348 = arith.constant 64 : index
        %get3A_349 = tpu.vector_load %arg10[%get3A_347, %get3A_348] {strides = array<i32>} : memref<100x80xf32, #tpu.memory_space<vmem>>, vector<16xf32>,
        %get3A_350 = arith.index_cast %add3A_346 : i32 to index
        %get3A_351 = arith.constant 0 : index
        %get3A_352 = tpu.vector_load %arg12[%get3A_350, %get3A_351] {strides = array<i32>} : memref<100x16xf32, #tpu.memory_space<vmem>>, vector<16xf32>,
        %add3A_353 = arith.addf %get3A_349, %get3A_352 : vector<16xf32>
        %mul3A_354 = arith.constant 2.000000e-01 : f32
        %mul3A_355 = vector.broadcast %mul3A_354 : f32 to vector<16xf32>
        %mul3A_356 = arith.mulf %mul3A_355, %add3A_353 : vector<16xf32>
        %max3A_357 = arith.maximumf %add3A_353, %mul3A_356 : vector<16xf32>
        %exp3A_358 = math.exp %max3A_357 : vector<16xf32>
        %swap3A_359 = arith.constant 0 : index
        %swap3A_360 = tpu.vector_load %arg19[%swap3A_359] {strides = array<i32>} : memref<16xf32, #tpu.memory_space<vmem>>, vector<16xf32>,
        tpu.vector_store %arg19[%swap3A_359], %exp3A_358 {strides = array<i32>} : memref<16xf32, #tpu.memory_space<vmem>>, vector<16xf32>,
        %gather3A_361 = tpu.vector_load_idx %arg19[%add3A_4] : memref<16xf32, #tpu.memory_space<vmem>>[vector<16xi32>], vector<16xf32>,
        %get3A_362 = arith.index_cast %add3A_346 : i32 to index
        %get3A_363 = arith.constant 0 : index
        %get3A_364 = tpu.vector_load %arg10[%get3A_362, %get3A_363] {strides = array<i32>} : memref<100x80xf32, #tpu.memory_space<vmem>>, vector<16xf32>,
        %mul3A_365 = arith.mulf %get3A_364, %gather3A_361 : vector<16xf32>
        %swap3A_366 = arith.index_cast %add3A_346 : i32 to index
        %swap3A_367 = arith.constant 0 : index
        %swap3A_368 = tpu.vector_load %arg14[%swap3A_366, %swap3A_367] {strides = array<i32>} : memref<100x80xf32, #tpu.memory_space<vmem>>, vector<16xf32>,
        tpu.vector_store %arg14[%swap3A_366, %swap3A_367], %mul3A_365 {strides = array<i32>} : memref<100x80xf32, #tpu.memory_space<vmem>>, vector<16xf32>,
        %gather3A_369 = tpu.vector_load_idx %arg19[%add3A_7] : memref<16xf32, #tpu.memory_space<vmem>>[vector<16xi32>], vector<16xf32>,
        %get3A_370 = arith.index_cast %add3A_346 : i32 to index
        %get3A_371 = arith.constant 16 : index
        %get3A_372 = tpu.vector_load %arg10[%get3A_370, %get3A_371] {strides = array<i32>} : memref<100x80xf32, #tpu.memory_space<vmem>>, vector<16xf32>,
        %mul3A_373 = arith.mulf %get3A_372, %gather3A_369 : vector<16xf32>
        %swap3A_374 = arith.index_cast %add3A_346 : i32 to index
        %swap3A_375 = arith.constant 16 : index
        %swap3A_376 = tpu.vector_load %arg14[%swap3A_374, %swap3A_375] {strides = array<i32>} : memref<100x80xf32, #tpu.memory_space<vmem>>, vector<16xf32>,
        tpu.vector_store %arg14[%swap3A_374, %swap3A_375], %mul3A_373 {strides = array<i32>} : memref<100x80xf32, #tpu.memory_space<vmem>>, vector<16xf32>,
        %gather3A_377 = tpu.vector_load_idx %arg19[%add3A_10] : memref<16xf32, #tpu.memory_space<vmem>>[vector<16xi32>], vector<16xf32>,
        %get3A_378 = arith.index_cast %add3A_346 : i32 to index
        %get3A_379 = arith.constant 32 : index
        %get3A_380 = tpu.vector_load %arg10[%get3A_378, %get3A_379] {strides = array<i32>} : memref<100x80xf32, #tpu.memory_space<vmem>>, vector<16xf32>,
        %mul3A_381 = arith.mulf %get3A_380, %gather3A_377 : vector<16xf32>
        %swap3A_382 = arith.index_cast %add3A_346 : i32 to index
        %swap3A_383 = arith.constant 32 : index
        %swap3A_384 = tpu.vector_load %arg14[%swap3A_382, %swap3A_383] {strides = array<i32>} : memref<100x80xf32, #tpu.memory_space<vmem>>, vector<16xf32>,
        tpu.vector_store %arg14[%swap3A_382, %swap3A_383], %mul3A_381 {strides = array<i32>} : memref<100x80xf32, #tpu.memory_space<vmem>>, vector<16xf32>,
        %gather3A_385 = tpu.vector_load_idx %arg19[%add3A_13] : memref<16xf32, #tpu.memory_space<vmem>>[vector<16xi32>], vector<16xf32>,
        %get3A_386 = arith.index_cast %add3A_346 : i32 to index
        %get3A_387 = arith.constant 48 : index
        %get3A_388 = tpu.vector_load %arg10[%get3A_386, %get3A_387] {strides = array<i32>} : memref<100x80xf32, #tpu.memory_space<vmem>>, vector<16xf32>,
        %mul3A_389 = arith.mulf %get3A_388, %gather3A_385 : vector<16xf32>
        %swap3A_390 = arith.index_cast %add3A_346 : i32 to index
        %swap3A_391 = arith.constant 48 : index
        %swap3A_392 = tpu.vector_load %arg14[%swap3A_390, %swap3A_391] {strides = array<i32>} : memref<100x80xf32, #tpu.memory_space<vmem>>, vector<16xf32>,
        tpu.vector_store %arg14[%swap3A_390, %swap3A_391], %mul3A_389 {strides = array<i32>} : memref<100x80xf32, #tpu.memory_space<vmem>>, vector<16xf32>,
        %swap3A_393 = arith.index_cast %add3A_346 : i32 to index
        %swap3A_394 = arith.constant 64 : index
        %swap3A_395 = tpu.vector_load %arg14[%swap3A_393, %swap3A_394] {strides = array<i32>} : memref<100x80xf32, #tpu.memory_space<vmem>>, vector<16xf32>,
        tpu.vector_store %arg14[%swap3A_393, %swap3A_394], %exp3A_358 {strides = array<i32>} : memref<100x80xf32, #tpu.memory_space<vmem>>, vector<16xf32>,
        %mul3A_396 = arith.constant 5 : i32
        %mul3A_397 = arith.muli %mul3A_396, %scan3A_188 : i32
        %add3A_398 = arith.constant 4 : i32
        %add3A_399 = arith.addi %mul3A_397, %add3A_398 : i32
        %get3A_400 = arith.index_cast %add3A_399 : i32 to index
        %get3A_401 = arith.constant 64 : index
        %get3A_402 = tpu.vector_load %arg10[%get3A_400, %get3A_401] {strides = array<i32>} : memref<100x80xf32, #tpu.memory_space<vmem>>, vector<16xf32>,
        %get3A_403 = arith.index_cast %add3A_399 : i32 to index
        %get3A_404 = arith.constant 0 : index
        %get3A_405 = tpu.vector_load %arg12[%get3A_403, %get3A_404] {strides = array<i32>} : memref<100x16xf32, #tpu.memory_space<vmem>>, vector<16xf32>,
        %add3A_406 = arith.addf %get3A_402, %get3A_405 : vector<16xf32>
        %mul3A_407 = arith.constant 2.000000e-01 : f32
        %mul3A_408 = vector.broadcast %mul3A_407 : f32 to vector<16xf32>
        %mul3A_409 = arith.mulf %mul3A_408, %add3A_406 : vector<16xf32>
        %max3A_410 = arith.maximumf %add3A_406, %mul3A_409 : vector<16xf32>
        %exp3A_411 = math.exp %max3A_410 : vector<16xf32>
        %swap3A_412 = arith.constant 0 : index
        %swap3A_413 = tpu.vector_load %arg20[%swap3A_412] {strides = array<i32>} : memref<16xf32, #tpu.memory_space<vmem>>, vector<16xf32>,
        tpu.vector_store %arg20[%swap3A_412], %exp3A_411 {strides = array<i32>} : memref<16xf32, #tpu.memory_space<vmem>>, vector<16xf32>,
        %gather3A_414 = tpu.vector_load_idx %arg20[%add3A_4] : memref<16xf32, #tpu.memory_space<vmem>>[vector<16xi32>], vector<16xf32>,
        %get3A_415 = arith.index_cast %add3A_399 : i32 to index
        %get3A_416 = arith.constant 0 : index
        %get3A_417 = tpu.vector_load %arg10[%get3A_415, %get3A_416] {strides = array<i32>} : memref<100x80xf32, #tpu.memory_space<vmem>>, vector<16xf32>,
        %mul3A_418 = arith.mulf %get3A_417, %gather3A_414 : vector<16xf32>
        %swap3A_419 = arith.index_cast %add3A_399 : i32 to index
        %swap3A_420 = arith.constant 0 : index
        %swap3A_421 = tpu.vector_load %arg14[%swap3A_419, %swap3A_420] {strides = array<i32>} : memref<100x80xf32, #tpu.memory_space<vmem>>, vector<16xf32>,
        tpu.vector_store %arg14[%swap3A_419, %swap3A_420], %mul3A_418 {strides = array<i32>} : memref<100x80xf32, #tpu.memory_space<vmem>>, vector<16xf32>,
        %gather3A_422 = tpu.vector_load_idx %arg20[%add3A_7] : memref<16xf32, #tpu.memory_space<vmem>>[vector<16xi32>], vector<16xf32>,
        %get3A_423 = arith.index_cast %add3A_399 : i32 to index
        %get3A_424 = arith.constant 16 : index
        %get3A_425 = tpu.vector_load %arg10[%get3A_423, %get3A_424] {strides = array<i32>} : memref<100x80xf32, #tpu.memory_space<vmem>>, vector<16xf32>,
        %mul3A_426 = arith.mulf %get3A_425, %gather3A_422 : vector<16xf32>
        %swap3A_427 = arith.index_cast %add3A_399 : i32 to index
        %swap3A_428 = arith.constant 16 : index
        %swap3A_429 = tpu.vector_load %arg14[%swap3A_427, %swap3A_428] {strides = array<i32>} : memref<100x80xf32, #tpu.memory_space<vmem>>, vector<16xf32>,
        tpu.vector_store %arg14[%swap3A_427, %swap3A_428], %mul3A_426 {strides = array<i32>} : memref<100x80xf32, #tpu.memory_space<vmem>>, vector<16xf32>,
        %gather3A_430 = tpu.vector_load_idx %arg20[%add3A_10] : memref<16xf32, #tpu.memory_space<vmem>>[vector<16xi32>], vector<16xf32>,
        %get3A_431 = arith.index_cast %add3A_399 : i32 to index
        %get3A_432 = arith.constant 32 : index
        %get3A_433 = tpu.vector_load %arg10[%get3A_431, %get3A_432] {strides = array<i32>} : memref<100x80xf32, #tpu.memory_space<vmem>>, vector<16xf32>,
        %mul3A_434 = arith.mulf %get3A_433, %gather3A_430 : vector<16xf32>
        %swap3A_435 = arith.index_cast %add3A_399 : i32 to index
        %swap3A_436 = arith.constant 32 : index
        %swap3A_437 = tpu.vector_load %arg14[%swap3A_435, %swap3A_436] {strides = array<i32>} : memref<100x80xf32, #tpu.memory_space<vmem>>, vector<16xf32>,
        tpu.vector_store %arg14[%swap3A_435, %swap3A_436], %mul3A_434 {strides = array<i32>} : memref<100x80xf32, #tpu.memory_space<vmem>>, vector<16xf32>,
        %gather3A_438 = tpu.vector_load_idx %arg20[%add3A_13] : memref<16xf32, #tpu.memory_space<vmem>>[vector<16xi32>], vector<16xf32>,
        %get3A_439 = arith.index_cast %add3A_399 : i32 to index
        %get3A_440 = arith.constant 48 : index
        %get3A_441 = tpu.vector_load %arg10[%get3A_439, %get3A_440] {strides = array<i32>} : memref<100x80xf32, #tpu.memory_space<vmem>>, vector<16xf32>,
        %mul3A_442 = arith.mulf %get3A_441, %gather3A_438 : vector<16xf32>
        %swap3A_443 = arith.index_cast %add3A_399 : i32 to index
        %swap3A_444 = arith.constant 48 : index
        %swap3A_445 = tpu.vector_load %arg14[%swap3A_443, %swap3A_444] {strides = array<i32>} : memref<100x80xf32, #tpu.memory_space<vmem>>, vector<16xf32>,
        tpu.vector_store %arg14[%swap3A_443, %swap3A_444], %mul3A_442 {strides = array<i32>} : memref<100x80xf32, #tpu.memory_space<vmem>>, vector<16xf32>,
        %swap3A_446 = arith.index_cast %add3A_399 : i32 to index
        %swap3A_447 = arith.constant 64 : index
        %swap3A_448 = tpu.vector_load %arg14[%swap3A_446, %swap3A_447] {strides = array<i32>} : memref<100x80xf32, #tpu.memory_space<vmem>>, vector<16xf32>,
        tpu.vector_store %arg14[%swap3A_446, %swap3A_447], %exp3A_411 {strides = array<i32>} : memref<100x80xf32, #tpu.memory_space<vmem>>, vector<16xf32>,
      }
      %scan3A_181 = arith.constant 20 : i32
      %dma_start3A_182 = arith.constant 0 : i32
      %dma_start3A_183 = tpu.memref_slice %arg8[%add3A_111, %dma_start3A_182] : memref<100x100xi32, #tpu.memory_space<vmem>> -> memref<1x100xi32, #tpu.memory_space<vmem>>
      %dma_start3A_184 = tpu.memref_squeeze %dma_start3A_183 : memref<1x100xi32, #tpu.memory_space<vmem>> -> memref<100xi32, #tpu.memory_space<vmem>>
      %dma_start3A_185 = arith.constant 0 : i32
      %dma_start3A_186 = arith.constant 0 : i32
      %dma_start3A_187 = tpu.memref_slice %arg21[%dma_start3A_185, %dma_start3A_186] : memref<10000x80xf32, #tpu.memory_space<vmem_shared>> -> memref<10000x80xf32, #tpu.memory_space<vmem_shared>>
      tpu.enqueue_indirect_dma source(%arg14 : memref<100x80xf32, #tpu.memory_space<vmem>>) target(%dma_start3A_187 : memref<10000x80xf32, #tpu.memory_space<vmem_shared>>) offsets(%dma_start3A_184 : memref<100xi32, #tpu.memory_space<vmem>>) semaphore(%arg27 : memref<!tpu.dma_semaphore, #tpu.memory_space<semaphore_mem>>) {add = true}
    }
    %scan3A_64 = arith.constant 50 : i32
    %dma_wait3A = arith.constant 98 : i32
    %dma_wait3A_65 = arith.constant 0 : i32
    %dma_wait3A_66 = tpu.memref_slice %arg8[%dma_wait3A, %dma_wait3A_65] : memref<100x100xi32, #tpu.memory_space<vmem>> -> memref<1x100xi32, #tpu.memory_space<vmem>>
    %dma_wait3A_67 = tpu.memref_squeeze %dma_wait3A_66 : memref<1x100xi32, #tpu.memory_space<vmem>> -> memref<100xi32, #tpu.memory_space<vmem>>
    %dma_wait3A_68 = arith.constant 0 : i32
    %dma_wait3A_69 = arith.constant 0 : i32
    %dma_wait3A_70 = tpu.memref_slice %arg21[%dma_wait3A_68, %dma_wait3A_69] : memref<10000x80xf32, #tpu.memory_space<vmem_shared>> -> memref<10000x80xf32, #tpu.memory_space<vmem_shared>>
    tpu.wait_indirect_dma semaphore(%arg26 : memref<!tpu.dma_semaphore, #tpu.memory_space<semaphore_mem>>) src(%arg13 : memref<100x80xf32, #tpu.memory_space<vmem>>) dst(%dma_wait3A_70 : memref<10000x80xf32, #tpu.memory_space<vmem_shared>>)
    %dma_wait3A_71 = arith.constant 99 : i32
    %dma_wait3A_72 = arith.constant 0 : i32
    %dma_wait3A_73 = tpu.memref_slice %arg8[%dma_wait3A_71, %dma_wait3A_72] : memref<100x100xi32, #tpu.memory_space<vmem>> -> memref<1x100xi32, #tpu.memory_space<vmem>>
    %dma_wait3A_74 = tpu.memref_squeeze %dma_wait3A_73 : memref<1x100xi32, #tpu.memory_space<vmem>> -> memref<100xi32, #tpu.memory_space<vmem>>
    %dma_wait3A_75 = arith.constant 0 : i32
    %dma_wait3A_76 = arith.constant 0 : i32
    %dma_wait3A_77 = tpu.memref_slice %arg21[%dma_wait3A_75, %dma_wait3A_76] : memref<10000x80xf32, #tpu.memory_space<vmem_shared>> -> memref<10000x80xf32, #tpu.memory_space<vmem_shared>>
    tpu.wait_indirect_dma semaphore(%arg27 : memref<!tpu.dma_semaphore, #tpu.memory_space<semaphore_mem>>) src(%arg14 : memref<100x80xf32, #tpu.memory_space<vmem>>) dst(%dma_wait3A_77 : memref<10000x80xf32, #tpu.memory_space<vmem_shared>>)
    %barrier3A_78 = arith.constant 0 : index
    tpu.barrier barrier_id(%barrier3A_78)
    %add3A_79 = arith.constant 0 : i32
    %add3A_80 = arith.addi %arg1, %add3A_79 : i32
    %lt3A_81 = arith.constant 50 : i32
    %lt3A_82 = arith.cmpi slt, %add3A_80, %lt3A_81 : i32
    %convert_element_type3A_83 = arith.extui %lt3A_82 : i1 to i32
    %cond3A_84 = arith.constant 0 : i32
    %cond3A_85 = arith.cmpi ne, %convert_element_type3A_83, %cond3A_84 : i32
    scf.if %cond3A_85 {
      %mul3A_107 = arith.constant 200 : i32
      %mul3A_108 = arith.muli %add3A_80, %mul3A_107 : i32
      "tpu.region"() ({
        %run_scoped3A = tpu.sem_alloc : memref<!tpu.dma_semaphore, #tpu.memory_space<semaphore_mem>>
        %dma_start3A_109 = arith.constant 0 : i32
        %dma_start3A_110 = arith.constant 0 : i32
        %dma_start3A_111 = tpu.memref_slice %arg6[%arg0, %add3A_80, %dma_start3A_109, %dma_start3A_110] : memref<2x50x200x80xf32, #tpu.memory_space<hbm>> -> memref<1x1x200x80xf32, #tpu.memory_space<hbm>>
        %dma_start3A_112 = tpu.memref_squeeze %dma_start3A_111 : memref<1x1x200x80xf32, #tpu.memory_space<hbm>> -> memref<200x80xf32, #tpu.memory_space<hbm>>
        %dma_start3A_113 = arith.constant 0 : i32
        %dma_start3A_114 = tpu.memref_slice %arg21[%mul3A_108, %dma_start3A_113] : memref<10000x80xf32, #tpu.memory_space<vmem_shared>> -> memref<200x80xf32, #tpu.memory_space<vmem_shared>>
        tpu.enqueue_dma source(%dma_start3A_114 : memref<200x80xf32, #tpu.memory_space<vmem_shared>>) target(%dma_start3A_112 : memref<200x80xf32, #tpu.memory_space<hbm>>) target_semaphore(%run_scoped3A : memref<!tpu.dma_semaphore, #tpu.memory_space<semaphore_mem>>)
        %dma_wait3A_115 = arith.constant 0 : i32
        %dma_wait3A_116 = arith.constant 0 : i32
        %dma_wait3A_117 = tpu.memref_slice %arg6[%arg0, %add3A_80, %dma_wait3A_115, %dma_wait3A_116] : memref<2x50x200x80xf32, #tpu.memory_space<hbm>> -> memref<1x1x200x80xf32, #tpu.memory_space<hbm>>
        %dma_wait3A_118 = tpu.memref_squeeze %dma_wait3A_117 : memref<1x1x200x80xf32, #tpu.memory_space<hbm>> -> memref<200x80xf32, #tpu.memory_space<hbm>>
        %dma_wait3A_119 = arith.constant 0 : i32
        %dma_wait3A_120 = tpu.memref_slice %arg21[%mul3A_108, %dma_wait3A_119] : memref<10000x80xf32, #tpu.memory_space<vmem_shared>> -> memref<200x80xf32, #tpu.memory_space<vmem_shared>>
        tpu.wait_dma2 semaphore(%run_scoped3A : memref<!tpu.dma_semaphore, #tpu.memory_space<semaphore_mem>>) src(%dma_wait3A_120 : memref<200x80xf32, #tpu.memory_space<vmem_shared>>) dst(%dma_wait3A_118 : memref<200x80xf32, #tpu.memory_space<hbm>>)
        tpu.yield
      }) : () -> ()
    } else {
    }
    %add3A_86 = arith.constant 16 : i32
    %add3A_87 = arith.addi %arg1, %add3A_86 : i32
    %lt3A_88 = arith.constant 50 : i32
    %lt3A_89 = arith.cmpi slt, %add3A_87, %lt3A_88 : i32
    %convert_element_type3A_90 = arith.extui %lt3A_89 : i1 to i32
    %cond3A_91 = arith.constant 0 : i32
    %cond3A_92 = arith.cmpi ne, %convert_element_type3A_90, %cond3A_91 : i32
    scf.if %cond3A_92 {
      %mul3A_107 = arith.constant 200 : i32
      %mul3A_108 = arith.muli %add3A_87, %mul3A_107 : i32
      "tpu.region"() ({
        %run_scoped3A = tpu.sem_alloc : memref<!tpu.dma_semaphore, #tpu.memory_space<semaphore_mem>>
        %dma_start3A_109 = arith.constant 0 : i32
        %dma_start3A_110 = arith.constant 0 : i32
        %dma_start3A_111 = tpu.memref_slice %arg6[%arg0, %add3A_87, %dma_start3A_109, %dma_start3A_110] : memref<2x50x200x80xf32, #tpu.memory_space<hbm>> -> memref<1x1x200x80xf32, #tpu.memory_space<hbm>>
        %dma_start3A_112 = tpu.memref_squeeze %dma_start3A_111 : memref<1x1x200x80xf32, #tpu.memory_space<hbm>> -> memref<200x80xf32, #tpu.memory_space<hbm>>
        %dma_start3A_113 = arith.constant 0 : i32
        %dma_start3A_114 = tpu.memref_slice %arg21[%mul3A_108, %dma_start3A_113] : memref<10000x80xf32, #tpu.memory_space<vmem_shared>> -> memref<200x80xf32, #tpu.memory_space<vmem_shared>>
        tpu.enqueue_dma source(%dma_start3A_114 : memref<200x80xf32, #tpu.memory_space<vmem_shared>>) target(%dma_start3A_112 : memref<200x80xf32, #tpu.memory_space<hbm>>) target_semaphore(%run_scoped3A : memref<!tpu.dma_semaphore, #tpu.memory_space<semaphore_mem>>)
        %dma_wait3A_115 = arith.constant 0 : i32
        %dma_wait3A_116 = arith.constant 0 : i32
        %dma_wait3A_117 = tpu.memref_slice %arg6[%arg0, %add3A_87, %dma_wait3A_115, %dma_wait3A_116] : memref<2x50x200x80xf32, #tpu.memory_space<hbm>> -> memref<1x1x200x80xf32, #tpu.memory_space<hbm>>
        %dma_wait3A_118 = tpu.memref_squeeze %dma_wait3A_117 : memref<1x1x200x80xf32, #tpu.memory_space<hbm>> -> memref<200x80xf32, #tpu.memory_space<hbm>>
        %dma_wait3A_119 = arith.constant 0 : i32
        %dma_wait3A_120 = tpu.memref_slice %arg21[%mul3A_108, %dma_wait3A_119] : memref<10000x80xf32, #tpu.memory_space<vmem_shared>> -> memref<200x80xf32, #tpu.memory_space<vmem_shared>>
        tpu.wait_dma2 semaphore(%run_scoped3A : memref<!tpu.dma_semaphore, #tpu.memory_space<semaphore_mem>>) src(%dma_wait3A_120 : memref<200x80xf32, #tpu.memory_space<vmem_shared>>) dst(%dma_wait3A_118 : memref<200x80xf32, #tpu.memory_space<hbm>>)
        tpu.yield
      }) : () -> ()
    } else {
    }
    %add3A_93 = arith.constant 32 : i32
    %add3A_94 = arith.addi %arg1, %add3A_93 : i32
    %lt3A_95 = arith.constant 50 : i32
    %lt3A_96 = arith.cmpi slt, %add3A_94, %lt3A_95 : i32
    %convert_element_type3A_97 = arith.extui %lt3A_96 : i1 to i32
    %cond3A_98 = arith.constant 0 : i32
    %cond3A_99 = arith.cmpi ne, %convert_element_type3A_97, %cond3A_98 : i32
    scf.if %cond3A_99 {
      %mul3A_107 = arith.constant 200 : i32
      %mul3A_108 = arith.muli %add3A_94, %mul3A_107 : i32
      "tpu.region"() ({
        %run_scoped3A = tpu.sem_alloc : memref<!tpu.dma_semaphore, #tpu.memory_space<semaphore_mem>>
        %dma_start3A_109 = arith.constant 0 : i32
        %dma_start3A_110 = arith.constant 0 : i32
        %dma_start3A_111 = tpu.memref_slice %arg6[%arg0, %add3A_94, %dma_start3A_109, %dma_start3A_110] : memref<2x50x200x80xf32, #tpu.memory_space<hbm>> -> memref<1x1x200x80xf32, #tpu.memory_space<hbm>>
        %dma_start3A_112 = tpu.memref_squeeze %dma_start3A_111 : memref<1x1x200x80xf32, #tpu.memory_space<hbm>> -> memref<200x80xf32, #tpu.memory_space<hbm>>
        %dma_start3A_113 = arith.constant 0 : i32
        %dma_start3A_114 = tpu.memref_slice %arg21[%mul3A_108, %dma_start3A_113] : memref<10000x80xf32, #tpu.memory_space<vmem_shared>> -> memref<200x80xf32, #tpu.memory_space<vmem_shared>>
        tpu.enqueue_dma source(%dma_start3A_114 : memref<200x80xf32, #tpu.memory_space<vmem_shared>>) target(%dma_start3A_112 : memref<200x80xf32, #tpu.memory_space<hbm>>) target_semaphore(%run_scoped3A : memref<!tpu.dma_semaphore, #tpu.memory_space<semaphore_mem>>)
        %dma_wait3A_115 = arith.constant 0 : i32
        %dma_wait3A_116 = arith.constant 0 : i32
        %dma_wait3A_117 = tpu.memref_slice %arg6[%arg0, %add3A_94, %dma_wait3A_115, %dma_wait3A_116] : memref<2x50x200x80xf32, #tpu.memory_space<hbm>> -> memref<1x1x200x80xf32, #tpu.memory_space<hbm>>
        %dma_wait3A_118 = tpu.memref_squeeze %dma_wait3A_117 : memref<1x1x200x80xf32, #tpu.memory_space<hbm>> -> memref<200x80xf32, #tpu.memory_space<hbm>>
        %dma_wait3A_119 = arith.constant 0 : i32
        %dma_wait3A_120 = tpu.memref_slice %arg21[%mul3A_108, %dma_wait3A_119] : memref<10000x80xf32, #tpu.memory_space<vmem_shared>> -> memref<200x80xf32, #tpu.memory_space<vmem_shared>>
        tpu.wait_dma2 semaphore(%run_scoped3A : memref<!tpu.dma_semaphore, #tpu.memory_space<semaphore_mem>>) src(%dma_wait3A_120 : memref<200x80xf32, #tpu.memory_space<vmem_shared>>) dst(%dma_wait3A_118 : memref<200x80xf32, #tpu.memory_space<hbm>>)
        tpu.yield
      }) : () -> ()
    } else {
    }
    %add3A_100 = arith.constant 48 : i32
    %add3A_101 = arith.addi %arg1, %add3A_100 : i32
    %lt3A_102 = arith.constant 50 : i32
    %lt3A_103 = arith.cmpi slt, %add3A_101, %lt3A_102 : i32
    %convert_element_type3A_104 = arith.extui %lt3A_103 : i1 to i32
    %cond3A_105 = arith.constant 0 : i32
    %cond3A_106 = arith.cmpi ne, %convert_element_type3A_104, %cond3A_105 : i32
    scf.if %cond3A_106 {
      %mul3A_107 = arith.constant 200 : i32
      %mul3A_108 = arith.muli %add3A_101, %mul3A_107 : i32
      "tpu.region"() ({
        %run_scoped3A = tpu.sem_alloc : memref<!tpu.dma_semaphore, #tpu.memory_space<semaphore_mem>>
        %dma_start3A_109 = arith.constant 0 : i32
        %dma_start3A_110 = arith.constant 0 : i32
        %dma_start3A_111 = tpu.memref_slice %arg6[%arg0, %add3A_101, %dma_start3A_109, %dma_start3A_110] : memref<2x50x200x80xf32, #tpu.memory_space<hbm>> -> memref<1x1x200x80xf32, #tpu.memory_space<hbm>>
        %dma_start3A_112 = tpu.memref_squeeze %dma_start3A_111 : memref<1x1x200x80xf32, #tpu.memory_space<hbm>> -> memref<200x80xf32, #tpu.memory_space<hbm>>
        %dma_start3A_113 = arith.constant 0 : i32
        %dma_start3A_114 = tpu.memref_slice %arg21[%mul3A_108, %dma_start3A_113] : memref<10000x80xf32, #tpu.memory_space<vmem_shared>> -> memref<200x80xf32, #tpu.memory_space<vmem_shared>>
        tpu.enqueue_dma source(%dma_start3A_114 : memref<200x80xf32, #tpu.memory_space<vmem_shared>>) target(%dma_start3A_112 : memref<200x80xf32, #tpu.memory_space<hbm>>) target_semaphore(%run_scoped3A : memref<!tpu.dma_semaphore, #tpu.memory_space<semaphore_mem>>)
        %dma_wait3A_115 = arith.constant 0 : i32
        %dma_wait3A_116 = arith.constant 0 : i32
        %dma_wait3A_117 = tpu.memref_slice %arg6[%arg0, %add3A_101, %dma_wait3A_115, %dma_wait3A_116] : memref<2x50x200x80xf32, #tpu.memory_space<hbm>> -> memref<1x1x200x80xf32, #tpu.memory_space<hbm>>
        %dma_wait3A_118 = tpu.memref_squeeze %dma_wait3A_117 : memref<1x1x200x80xf32, #tpu.memory_space<hbm>> -> memref<200x80xf32, #tpu.memory_space<hbm>>
        %dma_wait3A_119 = arith.constant 0 : i32
        %dma_wait3A_120 = tpu.memref_slice %arg21[%mul3A_108, %dma_wait3A_119] : memref<10000x80xf32, #tpu.memory_space<vmem_shared>> -> memref<200x80xf32, #tpu.memory_space<vmem_shared>>
        tpu.wait_dma2 semaphore(%run_scoped3A : memref<!tpu.dma_semaphore, #tpu.memory_space<semaphore_mem>>) src(%dma_wait3A_120 : memref<200x80xf32, #tpu.memory_space<vmem_shared>>) dst(%dma_wait3A_118 : memref<200x80xf32, #tpu.memory_space<hbm>>)
        tpu.yield
      }) : () -> ()
    } else {
    }
    return
  }
}

#map = affine_map<(d0, d1) -> (0, 0, 0)>
#map1 = affine_map<(d0, d1) -> (0, 0)>
#map2 = affine_map<(d0, d1) -> (0)>
#map3 = affine_map<(d0, d1) -> (0, 0, 0, 0)>
module attributes {stable_mosaic.version = 14 : i64} {
  func.func @_sc2_body(%arg0: i32, %arg1: i32, %arg2: memref<32x125x80xi32, #tpu.memory_space<hbm>>, %arg3: memref<32x125x80xi32, #tpu.memory_space<hbm>>, %arg4: memref<10000x8xf32, #tpu.memory_space<hbm>>, %arg5: memref<10000xf32, #tpu.memory_space<hbm>>, %arg6: memref<200x8xf32, #tpu.memory_space<hbm>>, %arg7: memref<2x50x200x8xf32, #tpu.memory_space<hbm>>, %arg8: memref<125x80xi32, #tpu.memory_space<vmem>>, %arg9: memref<125x80xi32, #tpu.memory_space<vmem>>, %arg10: memref<10000x8xf32, #tpu.memory_space<vmem>>, %arg11: memref<10000xf32, #tpu.memory_space<vmem>>, %arg12: memref<80x8xf32, #tpu.memory_space<vmem>>, %arg13: memref<80x8xf32, #tpu.memory_space<vmem>>, %arg14: memref<10000x8xf32, #tpu.memory_space<vmem_shared>>, %arg15: memref<!tpu.dma_semaphore, #tpu.memory_space<semaphore_mem>>, %arg16: memref<!tpu.dma_semaphore, #tpu.memory_space<semaphore_mem>>) attributes {dimension_semantics = [#tpu.dimension_semantics<core_parallel>, #tpu.dimension_semantics<subcore_parallel>], iteration_bounds = array<i64: 2, 16>, scalar_prefetch = 0 : i64, scratch_operands = 9 : i64, tpu.core_type = #tpu.core_type<sc_vector_subcore>, window_params = [{transform_indices = #map}, {transform_indices = #map}, {transform_indices = #map1}, {transform_indices = #map2}, {transform_indices = #map1}, {transform_indices = #map3}]} {
    %iota3A = tpu.iota {dimensions = array<i32: 0>} : vector<16xi32>
    %mul3A = arith.constant 0 : i32
    %mul3A_0 = vector.broadcast %mul3A : i32 to vector<16xi32>
    %mul3A_1 = arith.muli %iota3A, %mul3A_0 : vector<16xi32>
    %add3A = arith.constant 7 : i32
    %add3A_2 = vector.broadcast %add3A : i32 to vector<16xi32>
    %add3A_3 = arith.addi %mul3A_1, %add3A_2 : vector<16xi32>
    %add3A_4 = arith.constant 0 : i32
    %add3A_5 = arith.addi %arg1, %add3A_4 : i32
    %lt3A = arith.constant 50 : i32
    %lt3A_6 = arith.cmpi slt, %add3A_5, %lt3A : i32
    %convert_element_type3A = arith.extui %lt3A_6 : i1 to i32
    %cond3A = arith.constant 0 : i32
    %cond3A_7 = arith.cmpi ne, %convert_element_type3A, %cond3A : i32
    scf.if %cond3A_7 {
      %mul3A_98 = arith.constant 200 : i32
      %mul3A_99 = arith.muli %add3A_5, %mul3A_98 : i32
      "tpu.region"() ({
        %run_scoped3A = tpu.sem_alloc : memref<!tpu.dma_semaphore, #tpu.memory_space<semaphore_mem>>
        %dma_start3A_100 = arith.constant 0 : i32
        %dma_start3A_101 = tpu.memref_slice %arg14[%mul3A_99, %dma_start3A_100] : memref<10000x8xf32, #tpu.memory_space<vmem_shared>> -> memref<200x8xf32, #tpu.memory_space<vmem_shared>>
        tpu.enqueue_dma source(%arg6 : memref<200x8xf32, #tpu.memory_space<hbm>>) target(%dma_start3A_101 : memref<200x8xf32, #tpu.memory_space<vmem_shared>>) target_semaphore(%run_scoped3A : memref<!tpu.dma_semaphore, #tpu.memory_space<semaphore_mem>>)
        %dma_wait3A_102 = arith.constant 0 : i32
        %dma_wait3A_103 = tpu.memref_slice %arg14[%mul3A_99, %dma_wait3A_102] : memref<10000x8xf32, #tpu.memory_space<vmem_shared>> -> memref<200x8xf32, #tpu.memory_space<vmem_shared>>
        tpu.wait_dma2 semaphore(%run_scoped3A : memref<!tpu.dma_semaphore, #tpu.memory_space<semaphore_mem>>) src(%arg6 : memref<200x8xf32, #tpu.memory_space<hbm>>) dst(%dma_wait3A_103 : memref<200x8xf32, #tpu.memory_space<vmem_shared>>)
        tpu.yield
      }) : () -> ()
    } else {
    }
    %add3A_8 = arith.constant 16 : i32
    %add3A_9 = arith.addi %arg1, %add3A_8 : i32
    %lt3A_10 = arith.constant 50 : i32
    %lt3A_11 = arith.cmpi slt, %add3A_9, %lt3A_10 : i32
    %convert_element_type3A_12 = arith.extui %lt3A_11 : i1 to i32
    %cond3A_13 = arith.constant 0 : i32
    %cond3A_14 = arith.cmpi ne, %convert_element_type3A_12, %cond3A_13 : i32
    scf.if %cond3A_14 {
      %mul3A_98 = arith.constant 200 : i32
      %mul3A_99 = arith.muli %add3A_9, %mul3A_98 : i32
      "tpu.region"() ({
        %run_scoped3A = tpu.sem_alloc : memref<!tpu.dma_semaphore, #tpu.memory_space<semaphore_mem>>
        %dma_start3A_100 = arith.constant 0 : i32
        %dma_start3A_101 = tpu.memref_slice %arg14[%mul3A_99, %dma_start3A_100] : memref<10000x8xf32, #tpu.memory_space<vmem_shared>> -> memref<200x8xf32, #tpu.memory_space<vmem_shared>>
        tpu.enqueue_dma source(%arg6 : memref<200x8xf32, #tpu.memory_space<hbm>>) target(%dma_start3A_101 : memref<200x8xf32, #tpu.memory_space<vmem_shared>>) target_semaphore(%run_scoped3A : memref<!tpu.dma_semaphore, #tpu.memory_space<semaphore_mem>>)
        %dma_wait3A_102 = arith.constant 0 : i32
        %dma_wait3A_103 = tpu.memref_slice %arg14[%mul3A_99, %dma_wait3A_102] : memref<10000x8xf32, #tpu.memory_space<vmem_shared>> -> memref<200x8xf32, #tpu.memory_space<vmem_shared>>
        tpu.wait_dma2 semaphore(%run_scoped3A : memref<!tpu.dma_semaphore, #tpu.memory_space<semaphore_mem>>) src(%arg6 : memref<200x8xf32, #tpu.memory_space<hbm>>) dst(%dma_wait3A_103 : memref<200x8xf32, #tpu.memory_space<vmem_shared>>)
        tpu.yield
      }) : () -> ()
    } else {
    }
    %add3A_15 = arith.constant 32 : i32
    %add3A_16 = arith.addi %arg1, %add3A_15 : i32
    %lt3A_17 = arith.constant 50 : i32
    %lt3A_18 = arith.cmpi slt, %add3A_16, %lt3A_17 : i32
    %convert_element_type3A_19 = arith.extui %lt3A_18 : i1 to i32
    %cond3A_20 = arith.constant 0 : i32
    %cond3A_21 = arith.cmpi ne, %convert_element_type3A_19, %cond3A_20 : i32
    scf.if %cond3A_21 {
      %mul3A_98 = arith.constant 200 : i32
      %mul3A_99 = arith.muli %add3A_16, %mul3A_98 : i32
      "tpu.region"() ({
        %run_scoped3A = tpu.sem_alloc : memref<!tpu.dma_semaphore, #tpu.memory_space<semaphore_mem>>
        %dma_start3A_100 = arith.constant 0 : i32
        %dma_start3A_101 = tpu.memref_slice %arg14[%mul3A_99, %dma_start3A_100] : memref<10000x8xf32, #tpu.memory_space<vmem_shared>> -> memref<200x8xf32, #tpu.memory_space<vmem_shared>>
        tpu.enqueue_dma source(%arg6 : memref<200x8xf32, #tpu.memory_space<hbm>>) target(%dma_start3A_101 : memref<200x8xf32, #tpu.memory_space<vmem_shared>>) target_semaphore(%run_scoped3A : memref<!tpu.dma_semaphore, #tpu.memory_space<semaphore_mem>>)
        %dma_wait3A_102 = arith.constant 0 : i32
        %dma_wait3A_103 = tpu.memref_slice %arg14[%mul3A_99, %dma_wait3A_102] : memref<10000x8xf32, #tpu.memory_space<vmem_shared>> -> memref<200x8xf32, #tpu.memory_space<vmem_shared>>
        tpu.wait_dma2 semaphore(%run_scoped3A : memref<!tpu.dma_semaphore, #tpu.memory_space<semaphore_mem>>) src(%arg6 : memref<200x8xf32, #tpu.memory_space<hbm>>) dst(%dma_wait3A_103 : memref<200x8xf32, #tpu.memory_space<vmem_shared>>)
        tpu.yield
      }) : () -> ()
    } else {
    }
    %add3A_22 = arith.constant 48 : i32
    %add3A_23 = arith.addi %arg1, %add3A_22 : i32
    %lt3A_24 = arith.constant 50 : i32
    %lt3A_25 = arith.cmpi slt, %add3A_23, %lt3A_24 : i32
    %convert_element_type3A_26 = arith.extui %lt3A_25 : i1 to i32
    %cond3A_27 = arith.constant 0 : i32
    %cond3A_28 = arith.cmpi ne, %convert_element_type3A_26, %cond3A_27 : i32
    scf.if %cond3A_28 {
      %mul3A_98 = arith.constant 200 : i32
      %mul3A_99 = arith.muli %add3A_23, %mul3A_98 : i32
      "tpu.region"() ({
        %run_scoped3A = tpu.sem_alloc : memref<!tpu.dma_semaphore, #tpu.memory_space<semaphore_mem>>
        %dma_start3A_100 = arith.constant 0 : i32
        %dma_start3A_101 = tpu.memref_slice %arg14[%mul3A_99, %dma_start3A_100] : memref<10000x8xf32, #tpu.memory_space<vmem_shared>> -> memref<200x8xf32, #tpu.memory_space<vmem_shared>>
        tpu.enqueue_dma source(%arg6 : memref<200x8xf32, #tpu.memory_space<hbm>>) target(%dma_start3A_101 : memref<200x8xf32, #tpu.memory_space<vmem_shared>>) target_semaphore(%run_scoped3A : memref<!tpu.dma_semaphore, #tpu.memory_space<semaphore_mem>>)
        %dma_wait3A_102 = arith.constant 0 : i32
        %dma_wait3A_103 = tpu.memref_slice %arg14[%mul3A_99, %dma_wait3A_102] : memref<10000x8xf32, #tpu.memory_space<vmem_shared>> -> memref<200x8xf32, #tpu.memory_space<vmem_shared>>
        tpu.wait_dma2 semaphore(%run_scoped3A : memref<!tpu.dma_semaphore, #tpu.memory_space<semaphore_mem>>) src(%arg6 : memref<200x8xf32, #tpu.memory_space<hbm>>) dst(%dma_wait3A_103 : memref<200x8xf32, #tpu.memory_space<vmem_shared>>)
        tpu.yield
      }) : () -> ()
    } else {
    }
    %mul3A_29 = arith.constant 16 : i32
    %mul3A_30 = arith.muli %arg0, %mul3A_29 : i32
    %add3A_31 = arith.addi %mul3A_30, %arg1 : i32
    "tpu.region"() ({
      %run_scoped3A = tpu.sem_alloc : memref<!tpu.dma_semaphore, #tpu.memory_space<semaphore_mem>>
      %dma_start3A_98 = arith.constant 0 : i32
      %dma_start3A_99 = arith.constant 0 : i32
      %dma_start3A_100 = tpu.memref_slice %arg2[%add3A_31, %dma_start3A_98, %dma_start3A_99] : memref<32x125x80xi32, #tpu.memory_space<hbm>> -> memref<1x125x80xi32, #tpu.memory_space<hbm>>
      %dma_start3A_101 = tpu.memref_squeeze %dma_start3A_100 : memref<1x125x80xi32, #tpu.memory_space<hbm>> -> memref<125x80xi32, #tpu.memory_space<hbm>>
      %dma_start3A_102 = arith.constant 0 : i32
      %dma_start3A_103 = arith.constant 0 : i32
      %dma_start3A_104 = tpu.memref_slice %arg2[%add3A_31, %dma_start3A_102, %dma_start3A_103] : memref<32x125x80xi32, #tpu.memory_space<hbm>> -> memref<1x125x80xi32, #tpu.memory_space<hbm>>
      %dma_start3A_105 = tpu.memref_squeeze %dma_start3A_104 : memref<1x125x80xi32, #tpu.memory_space<hbm>> -> memref<125x80xi32, #tpu.memory_space<hbm>>
      tpu.enqueue_dma source(%dma_start3A_105 : memref<125x80xi32, #tpu.memory_space<hbm>>) target(%arg8 : memref<125x80xi32, #tpu.memory_space<vmem>>) target_semaphore(%run_scoped3A : memref<!tpu.dma_semaphore, #tpu.memory_space<semaphore_mem>>)
      %dma_wait3A_106 = arith.constant 0 : i32
      %dma_wait3A_107 = arith.constant 0 : i32
      %dma_wait3A_108 = tpu.memref_slice %arg2[%add3A_31, %dma_wait3A_106, %dma_wait3A_107] : memref<32x125x80xi32, #tpu.memory_space<hbm>> -> memref<1x125x80xi32, #tpu.memory_space<hbm>>
      %dma_wait3A_109 = tpu.memref_squeeze %dma_wait3A_108 : memref<1x125x80xi32, #tpu.memory_space<hbm>> -> memref<125x80xi32, #tpu.memory_space<hbm>>
      %dma_wait3A_110 = arith.constant 0 : i32
      %dma_wait3A_111 = arith.constant 0 : i32
      %dma_wait3A_112 = tpu.memref_slice %arg2[%add3A_31, %dma_wait3A_110, %dma_wait3A_111] : memref<32x125x80xi32, #tpu.memory_space<hbm>> -> memref<1x125x80xi32, #tpu.memory_space<hbm>>
      %dma_wait3A_113 = tpu.memref_squeeze %dma_wait3A_112 : memref<1x125x80xi32, #tpu.memory_space<hbm>> -> memref<125x80xi32, #tpu.memory_space<hbm>>
      tpu.wait_dma2 semaphore(%run_scoped3A : memref<!tpu.dma_semaphore, #tpu.memory_space<semaphore_mem>>) src(%dma_wait3A_113 : memref<125x80xi32, #tpu.memory_space<hbm>>) dst(%arg8 : memref<125x80xi32, #tpu.memory_space<vmem>>)
      tpu.yield
    }) : () -> ()
    "tpu.region"() ({
      %run_scoped3A = tpu.sem_alloc : memref<!tpu.dma_semaphore, #tpu.memory_space<semaphore_mem>>
      %dma_start3A_98 = arith.constant 0 : i32
      %dma_start3A_99 = arith.constant 0 : i32
      %dma_start3A_100 = tpu.memref_slice %arg3[%add3A_31, %dma_start3A_98, %dma_start3A_99] : memref<32x125x80xi32, #tpu.memory_space<hbm>> -> memref<1x125x80xi32, #tpu.memory_space<hbm>>
      %dma_start3A_101 = tpu.memref_squeeze %dma_start3A_100 : memref<1x125x80xi32, #tpu.memory_space<hbm>> -> memref<125x80xi32, #tpu.memory_space<hbm>>
      %dma_start3A_102 = arith.constant 0 : i32
      %dma_start3A_103 = arith.constant 0 : i32
      %dma_start3A_104 = tpu.memref_slice %arg3[%add3A_31, %dma_start3A_102, %dma_start3A_103] : memref<32x125x80xi32, #tpu.memory_space<hbm>> -> memref<1x125x80xi32, #tpu.memory_space<hbm>>
      %dma_start3A_105 = tpu.memref_squeeze %dma_start3A_104 : memref<1x125x80xi32, #tpu.memory_space<hbm>> -> memref<125x80xi32, #tpu.memory_space<hbm>>
      tpu.enqueue_dma source(%dma_start3A_105 : memref<125x80xi32, #tpu.memory_space<hbm>>) target(%arg9 : memref<125x80xi32, #tpu.memory_space<vmem>>) target_semaphore(%run_scoped3A : memref<!tpu.dma_semaphore, #tpu.memory_space<semaphore_mem>>)
      %dma_wait3A_106 = arith.constant 0 : i32
      %dma_wait3A_107 = arith.constant 0 : i32
      %dma_wait3A_108 = tpu.memref_slice %arg3[%add3A_31, %dma_wait3A_106, %dma_wait3A_107] : memref<32x125x80xi32, #tpu.memory_space<hbm>> -> memref<1x125x80xi32, #tpu.memory_space<hbm>>
      %dma_wait3A_109 = tpu.memref_squeeze %dma_wait3A_108 : memref<1x125x80xi32, #tpu.memory_space<hbm>> -> memref<125x80xi32, #tpu.memory_space<hbm>>
      %dma_wait3A_110 = arith.constant 0 : i32
      %dma_wait3A_111 = arith.constant 0 : i32
      %dma_wait3A_112 = tpu.memref_slice %arg3[%add3A_31, %dma_wait3A_110, %dma_wait3A_111] : memref<32x125x80xi32, #tpu.memory_space<hbm>> -> memref<1x125x80xi32, #tpu.memory_space<hbm>>
      %dma_wait3A_113 = tpu.memref_squeeze %dma_wait3A_112 : memref<1x125x80xi32, #tpu.memory_space<hbm>> -> memref<125x80xi32, #tpu.memory_space<hbm>>
      tpu.wait_dma2 semaphore(%run_scoped3A : memref<!tpu.dma_semaphore, #tpu.memory_space<semaphore_mem>>) src(%dma_wait3A_113 : memref<125x80xi32, #tpu.memory_space<hbm>>) dst(%arg9 : memref<125x80xi32, #tpu.memory_space<vmem>>)
      tpu.yield
    }) : () -> ()
    "tpu.region"() ({
      %run_scoped3A = tpu.sem_alloc : memref<!tpu.dma_semaphore, #tpu.memory_space<semaphore_mem>>
      tpu.enqueue_dma source(%arg4 : memref<10000x8xf32, #tpu.memory_space<hbm>>) target(%arg10 : memref<10000x8xf32, #tpu.memory_space<vmem>>) target_semaphore(%run_scoped3A : memref<!tpu.dma_semaphore, #tpu.memory_space<semaphore_mem>>)
      tpu.wait_dma2 semaphore(%run_scoped3A : memref<!tpu.dma_semaphore, #tpu.memory_space<semaphore_mem>>) src(%arg4 : memref<10000x8xf32, #tpu.memory_space<hbm>>) dst(%arg10 : memref<10000x8xf32, #tpu.memory_space<vmem>>)
      tpu.yield
    }) : () -> ()
    "tpu.region"() ({
      %run_scoped3A = tpu.sem_alloc : memref<!tpu.dma_semaphore, #tpu.memory_space<semaphore_mem>>
      tpu.enqueue_dma source(%arg5 : memref<10000xf32, #tpu.memory_space<hbm>>) target(%arg11 : memref<10000xf32, #tpu.memory_space<vmem>>) target_semaphore(%run_scoped3A : memref<!tpu.dma_semaphore, #tpu.memory_space<semaphore_mem>>)
      tpu.wait_dma2 semaphore(%run_scoped3A : memref<!tpu.dma_semaphore, #tpu.memory_space<semaphore_mem>>) src(%arg5 : memref<10000xf32, #tpu.memory_space<hbm>>) dst(%arg11 : memref<10000xf32, #tpu.memory_space<vmem>>)
      tpu.yield
    }) : () -> ()
    %barrier3A = arith.constant 0 : index
    tpu.barrier barrier_id(%barrier3A)
    %scan3A = arith.constant 0 : i32
    %scan3A_32 = arith.constant 0 : i32
    %scan3A_33 = arith.constant 62 : i32
    %scan3A_34 = arith.addi %scan3A_32, %scan3A_33 : i32
    %scan3A_35 = arith.constant 1 : i32
    scf.for %scan3A_98 = %scan3A_32 to %scan3A_34 step %scan3A_35  : i32 {
      %mul3A_99 = arith.constant 2 : i32
      %mul3A_100 = arith.muli %mul3A_99, %scan3A_98 : i32
      %add3A_101 = arith.constant 1 : i32
      %add3A_102 = arith.addi %mul3A_100, %add3A_101 : i32
      %gt3A = arith.constant 0 : i32
      %gt3A_103 = arith.cmpi sgt, %scan3A_98, %gt3A : i32
      %convert_element_type3A_104 = arith.extui %gt3A_103 : i1 to i32
      %cond3A_105 = arith.constant 0 : i32
      %cond3A_106 = arith.cmpi ne, %convert_element_type3A_104, %cond3A_105 : i32
      scf.if %cond3A_106 {
        %sub3A = arith.constant 2 : i32
        %sub3A_136 = arith.subi %mul3A_100, %sub3A : i32
        %dma_wait3A_137 = arith.constant 0 : i32
        %dma_wait3A_138 = tpu.memref_slice %arg9[%sub3A_136, %dma_wait3A_137] : memref<125x80xi32, #tpu.memory_space<vmem>> -> memref<1x80xi32, #tpu.memory_space<vmem>>
        %dma_wait3A_139 = tpu.memref_squeeze %dma_wait3A_138 : memref<1x80xi32, #tpu.memory_space<vmem>> -> memref<80xi32, #tpu.memory_space<vmem>>
        %dma_wait3A_140 = arith.constant 0 : i32
        %dma_wait3A_141 = arith.constant 0 : i32
        %dma_wait3A_142 = tpu.memref_slice %arg14[%dma_wait3A_140, %dma_wait3A_141] : memref<10000x8xf32, #tpu.memory_space<vmem_shared>> -> memref<10000x8xf32, #tpu.memory_space<vmem_shared>>
        tpu.wait_indirect_dma semaphore(%arg15 : memref<!tpu.dma_semaphore, #tpu.memory_space<semaphore_mem>>) src(%arg12 : memref<80x8xf32, #tpu.memory_space<vmem>>) dst(%dma_wait3A_142 : memref<10000x8xf32, #tpu.memory_space<vmem_shared>>)
      } else {
      }
      %scan3A_107 = arith.constant 0 : i32
      %scan3A_108 = arith.constant 0 : i32
      %scan3A_109 = arith.constant 5 : i32
      %scan3A_110 = arith.addi %scan3A_108, %scan3A_109 : i32
      %scan3A_111 = arith.constant 1 : i32
      scf.for %scan3A_136 = %scan3A_108 to %scan3A_110 step %scan3A_111  : i32 {
        %mul3A_137 = arith.constant 16 : i32
        %mul3A_138 = arith.muli %scan3A_136, %mul3A_137 : i32
        %get3A = arith.index_cast %mul3A_100 : i32 to index
        %get3A_139 = arith.index_cast %mul3A_138 : i32 to index
        %get3A_140 = tpu.vector_load %arg8[%get3A, %get3A_139] {strides = array<i32>} : memref<125x80xi32, #tpu.memory_space<vmem>>, vector<16xi32>,
        %mul3A_141 = arith.constant 16 : i32
        %mul3A_142 = arith.muli %scan3A_136, %mul3A_141 : i32
        %get3A_143 = arith.index_cast %mul3A_100 : i32 to index
        %get3A_144 = arith.index_cast %mul3A_142 : i32 to index
        %get3A_145 = tpu.vector_load %arg9[%get3A_143, %get3A_144] {strides = array<i32>} : memref<125x80xi32, #tpu.memory_space<vmem>>, vector<16xi32>,
        %gather3A = tpu.vector_load_idx %arg10[%get3A_140, %add3A_3] : memref<10000x8xf32, #tpu.memory_space<vmem>>[vector<16xi32>, vector<16xi32>], vector<16xf32>,
        %gather3A_146 = tpu.vector_load_idx %arg11[%get3A_145] : memref<10000xf32, #tpu.memory_space<vmem>>[vector<16xi32>], vector<16xf32>,
        %add3A_147 = arith.addf %gather3A, %gather3A_146 : vector<16xf32>
        %mul3A_148 = arith.constant 2.000000e-01 : f32
        %mul3A_149 = vector.broadcast %mul3A_148 : f32 to vector<16xf32>
        %mul3A_150 = arith.mulf %mul3A_149, %add3A_147 : vector<16xf32>
        %max3A = arith.maximumf %add3A_147, %mul3A_150 : vector<16xf32>
        %exp3A = math.exp %max3A : vector<16xf32>
        %mul3A_151 = arith.constant 16 : i32
        %mul3A_152 = arith.muli %scan3A_136, %mul3A_151 : i32
        %add3A_153 = vector.broadcast %mul3A_152 : i32 to vector<16xi32>
        %add3A_154 = arith.addi %add3A_153, %iota3A : vector<16xi32>
        %mul3A_155 = arith.constant 0 : i32
        %mul3A_156 = vector.broadcast %mul3A_155 : i32 to vector<16xi32>
        %mul3A_157 = arith.muli %iota3A, %mul3A_156 : vector<16xi32>
        %add3A_158 = arith.constant 0 : i32
        %add3A_159 = vector.broadcast %add3A_158 : i32 to vector<16xi32>
        %add3A_160 = arith.addi %mul3A_157, %add3A_159 : vector<16xi32>
        %gather3A_161 = tpu.vector_load_idx %arg10[%get3A_140, %add3A_160] : memref<10000x8xf32, #tpu.memory_space<vmem>>[vector<16xi32>, vector<16xi32>], vector<16xf32>,
        %mul3A_162 = arith.mulf %gather3A_161, %exp3A : vector<16xf32>
        %mul3A_163 = arith.constant 0 : i32
        %mul3A_164 = vector.broadcast %mul3A_163 : i32 to vector<16xi32>
        %mul3A_165 = arith.muli %iota3A, %mul3A_164 : vector<16xi32>
        %add3A_166 = arith.constant 0 : i32
        %add3A_167 = vector.broadcast %add3A_166 : i32 to vector<16xi32>
        %add3A_168 = arith.addi %mul3A_165, %add3A_167 : vector<16xi32>
        tpu.vector_store_idx %arg12[%add3A_154, %add3A_168], %mul3A_162 : memref<80x8xf32, #tpu.memory_space<vmem>>[vector<16xi32>, vector<16xi32>], vector<16xf32>,
        %mul3A_169 = arith.constant 0 : i32
        %mul3A_170 = vector.broadcast %mul3A_169 : i32 to vector<16xi32>
        %mul3A_171 = arith.muli %iota3A, %mul3A_170 : vector<16xi32>
        %add3A_172 = arith.constant 1 : i32
        %add3A_173 = vector.broadcast %add3A_172 : i32 to vector<16xi32>
        %add3A_174 = arith.addi %mul3A_171, %add3A_173 : vector<16xi32>
        %gather3A_175 = tpu.vector_load_idx %arg10[%get3A_140, %add3A_174] : memref<10000x8xf32, #tpu.memory_space<vmem>>[vector<16xi32>, vector<16xi32>], vector<16xf32>,
        %mul3A_176 = arith.mulf %gather3A_175, %exp3A : vector<16xf32>
        %mul3A_177 = arith.constant 0 : i32
        %mul3A_178 = vector.broadcast %mul3A_177 : i32 to vector<16xi32>
        %mul3A_179 = arith.muli %iota3A, %mul3A_178 : vector<16xi32>
        %add3A_180 = arith.constant 1 : i32
        %add3A_181 = vector.broadcast %add3A_180 : i32 to vector<16xi32>
        %add3A_182 = arith.addi %mul3A_179, %add3A_181 : vector<16xi32>
        tpu.vector_store_idx %arg12[%add3A_154, %add3A_182], %mul3A_176 : memref<80x8xf32, #tpu.memory_space<vmem>>[vector<16xi32>, vector<16xi32>], vector<16xf32>,
        %mul3A_183 = arith.constant 0 : i32
        %mul3A_184 = vector.broadcast %mul3A_183 : i32 to vector<16xi32>
        %mul3A_185 = arith.muli %iota3A, %mul3A_184 : vector<16xi32>
        %add3A_186 = arith.constant 2 : i32
        %add3A_187 = vector.broadcast %add3A_186 : i32 to vector<16xi32>
        %add3A_188 = arith.addi %mul3A_185, %add3A_187 : vector<16xi32>
        %gather3A_189 = tpu.vector_load_idx %arg10[%get3A_140, %add3A_188] : memref<10000x8xf32, #tpu.memory_space<vmem>>[vector<16xi32>, vector<16xi32>], vector<16xf32>,
        %mul3A_190 = arith.mulf %gather3A_189, %exp3A : vector<16xf32>
        %mul3A_191 = arith.constant 0 : i32
        %mul3A_192 = vector.broadcast %mul3A_191 : i32 to vector<16xi32>
        %mul3A_193 = arith.muli %iota3A, %mul3A_192 : vector<16xi32>
        %add3A_194 = arith.constant 2 : i32
        %add3A_195 = vector.broadcast %add3A_194 : i32 to vector<16xi32>
        %add3A_196 = arith.addi %mul3A_193, %add3A_195 : vector<16xi32>
        tpu.vector_store_idx %arg12[%add3A_154, %add3A_196], %mul3A_190 : memref<80x8xf32, #tpu.memory_space<vmem>>[vector<16xi32>, vector<16xi32>], vector<16xf32>,
        %mul3A_197 = arith.constant 0 : i32
        %mul3A_198 = vector.broadcast %mul3A_197 : i32 to vector<16xi32>
        %mul3A_199 = arith.muli %iota3A, %mul3A_198 : vector<16xi32>
        %add3A_200 = arith.constant 3 : i32
        %add3A_201 = vector.broadcast %add3A_200 : i32 to vector<16xi32>
        %add3A_202 = arith.addi %mul3A_199, %add3A_201 : vector<16xi32>
        %gather3A_203 = tpu.vector_load_idx %arg10[%get3A_140, %add3A_202] : memref<10000x8xf32, #tpu.memory_space<vmem>>[vector<16xi32>, vector<16xi32>], vector<16xf32>,
        %mul3A_204 = arith.mulf %gather3A_203, %exp3A : vector<16xf32>
        %mul3A_205 = arith.constant 0 : i32
        %mul3A_206 = vector.broadcast %mul3A_205 : i32 to vector<16xi32>
        %mul3A_207 = arith.muli %iota3A, %mul3A_206 : vector<16xi32>
        %add3A_208 = arith.constant 3 : i32
        %add3A_209 = vector.broadcast %add3A_208 : i32 to vector<16xi32>
        %add3A_210 = arith.addi %mul3A_207, %add3A_209 : vector<16xi32>
        tpu.vector_store_idx %arg12[%add3A_154, %add3A_210], %mul3A_204 : memref<80x8xf32, #tpu.memory_space<vmem>>[vector<16xi32>, vector<16xi32>], vector<16xf32>,
        %mul3A_211 = arith.constant 0 : i32
        %mul3A_212 = vector.broadcast %mul3A_211 : i32 to vector<16xi32>
        %mul3A_213 = arith.muli %iota3A, %mul3A_212 : vector<16xi32>
        %add3A_214 = arith.constant 4 : i32
        %add3A_215 = vector.broadcast %add3A_214 : i32 to vector<16xi32>
        %add3A_216 = arith.addi %mul3A_213, %add3A_215 : vector<16xi32>
        %gather3A_217 = tpu.vector_load_idx %arg10[%get3A_140, %add3A_216] : memref<10000x8xf32, #tpu.memory_space<vmem>>[vector<16xi32>, vector<16xi32>], vector<16xf32>,
        %mul3A_218 = arith.mulf %gather3A_217, %exp3A : vector<16xf32>
        %mul3A_219 = arith.constant 0 : i32
        %mul3A_220 = vector.broadcast %mul3A_219 : i32 to vector<16xi32>
        %mul3A_221 = arith.muli %iota3A, %mul3A_220 : vector<16xi32>
        %add3A_222 = arith.constant 4 : i32
        %add3A_223 = vector.broadcast %add3A_222 : i32 to vector<16xi32>
        %add3A_224 = arith.addi %mul3A_221, %add3A_223 : vector<16xi32>
        tpu.vector_store_idx %arg12[%add3A_154, %add3A_224], %mul3A_218 : memref<80x8xf32, #tpu.memory_space<vmem>>[vector<16xi32>, vector<16xi32>], vector<16xf32>,
        %mul3A_225 = arith.constant 0 : i32
        %mul3A_226 = vector.broadcast %mul3A_225 : i32 to vector<16xi32>
        %mul3A_227 = arith.muli %iota3A, %mul3A_226 : vector<16xi32>
        %add3A_228 = arith.constant 5 : i32
        %add3A_229 = vector.broadcast %add3A_228 : i32 to vector<16xi32>
        %add3A_230 = arith.addi %mul3A_227, %add3A_229 : vector<16xi32>
        %gather3A_231 = tpu.vector_load_idx %arg10[%get3A_140, %add3A_230] : memref<10000x8xf32, #tpu.memory_space<vmem>>[vector<16xi32>, vector<16xi32>], vector<16xf32>,
        %mul3A_232 = arith.mulf %gather3A_231, %exp3A : vector<16xf32>
        %mul3A_233 = arith.constant 0 : i32
        %mul3A_234 = vector.broadcast %mul3A_233 : i32 to vector<16xi32>
        %mul3A_235 = arith.muli %iota3A, %mul3A_234 : vector<16xi32>
        %add3A_236 = arith.constant 5 : i32
        %add3A_237 = vector.broadcast %add3A_236 : i32 to vector<16xi32>
        %add3A_238 = arith.addi %mul3A_235, %add3A_237 : vector<16xi32>
        tpu.vector_store_idx %arg12[%add3A_154, %add3A_238], %mul3A_232 : memref<80x8xf32, #tpu.memory_space<vmem>>[vector<16xi32>, vector<16xi32>], vector<16xf32>,
        %mul3A_239 = arith.constant 0 : i32
        %mul3A_240 = vector.broadcast %mul3A_239 : i32 to vector<16xi32>
        %mul3A_241 = arith.muli %iota3A, %mul3A_240 : vector<16xi32>
        %add3A_242 = arith.constant 6 : i32
        %add3A_243 = vector.broadcast %add3A_242 : i32 to vector<16xi32>
        %add3A_244 = arith.addi %mul3A_241, %add3A_243 : vector<16xi32>
        %gather3A_245 = tpu.vector_load_idx %arg10[%get3A_140, %add3A_244] : memref<10000x8xf32, #tpu.memory_space<vmem>>[vector<16xi32>, vector<16xi32>], vector<16xf32>,
        %mul3A_246 = arith.mulf %gather3A_245, %exp3A : vector<16xf32>
        %mul3A_247 = arith.constant 0 : i32
        %mul3A_248 = vector.broadcast %mul3A_247 : i32 to vector<16xi32>
        %mul3A_249 = arith.muli %iota3A, %mul3A_248 : vector<16xi32>
        %add3A_250 = arith.constant 6 : i32
        %add3A_251 = vector.broadcast %add3A_250 : i32 to vector<16xi32>
        %add3A_252 = arith.addi %mul3A_249, %add3A_251 : vector<16xi32>
        tpu.vector_store_idx %arg12[%add3A_154, %add3A_252], %mul3A_246 : memref<80x8xf32, #tpu.memory_space<vmem>>[vector<16xi32>, vector<16xi32>], vector<16xf32>,
        tpu.vector_store_idx %arg12[%add3A_154, %add3A_3], %exp3A : memref<80x8xf32, #tpu.memory_space<vmem>>[vector<16xi32>, vector<16xi32>], vector<16xf32>,
      }
      %scan3A_112 = arith.constant 5 : i32
      %dma_start3A_113 = arith.constant 0 : i32
      %dma_start3A_114 = tpu.memref_slice %arg9[%mul3A_100, %dma_start3A_113] : memref<125x80xi32, #tpu.memory_space<vmem>> -> memref<1x80xi32, #tpu.memory_space<vmem>>
      %dma_start3A_115 = tpu.memref_squeeze %dma_start3A_114 : memref<1x80xi32, #tpu.memory_space<vmem>> -> memref<80xi32, #tpu.memory_space<vmem>>
      %dma_start3A_116 = arith.constant 0 : i32
      %dma_start3A_117 = arith.constant 0 : i32
      %dma_start3A_118 = tpu.memref_slice %arg14[%dma_start3A_116, %dma_start3A_117] : memref<10000x8xf32, #tpu.memory_space<vmem_shared>> -> memref<10000x8xf32, #tpu.memory_space<vmem_shared>>
      tpu.enqueue_indirect_dma source(%arg12 : memref<80x8xf32, #tpu.memory_space<vmem>>) target(%dma_start3A_118 : memref<10000x8xf32, #tpu.memory_space<vmem_shared>>) offsets(%dma_start3A_115 : memref<80xi32, #tpu.memory_space<vmem>>) semaphore(%arg15 : memref<!tpu.dma_semaphore, #tpu.memory_space<semaphore_mem>>) {add = true}
      %gt3A_119 = arith.constant 0 : i32
      %gt3A_120 = arith.cmpi sgt, %scan3A_98, %gt3A_119 : i32
      %convert_element_type3A_121 = arith.extui %gt3A_120 : i1 to i32
      %cond3A_122 = arith.constant 0 : i32
      %cond3A_123 = arith.cmpi ne, %convert_element_type3A_121, %cond3A_122 : i32
      scf.if %cond3A_123 {
        %sub3A = arith.constant 2 : i32
        %sub3A_136 = arith.subi %add3A_102, %sub3A : i32
        %dma_wait3A_137 = arith.constant 0 : i32
        %dma_wait3A_138 = tpu.memref_slice %arg9[%sub3A_136, %dma_wait3A_137] : memref<125x80xi32, #tpu.memory_space<vmem>> -> memref<1x80xi32, #tpu.memory_space<vmem>>
        %dma_wait3A_139 = tpu.memref_squeeze %dma_wait3A_138 : memref<1x80xi32, #tpu.memory_space<vmem>> -> memref<80xi32, #tpu.memory_space<vmem>>
        %dma_wait3A_140 = arith.constant 0 : i32
        %dma_wait3A_141 = arith.constant 0 : i32
        %dma_wait3A_142 = tpu.memref_slice %arg14[%dma_wait3A_140, %dma_wait3A_141] : memref<10000x8xf32, #tpu.memory_space<vmem_shared>> -> memref<10000x8xf32, #tpu.memory_space<vmem_shared>>
        tpu.wait_indirect_dma semaphore(%arg16 : memref<!tpu.dma_semaphore, #tpu.memory_space<semaphore_mem>>) src(%arg13 : memref<80x8xf32, #tpu.memory_space<vmem>>) dst(%dma_wait3A_142 : memref<10000x8xf32, #tpu.memory_space<vmem_shared>>)
      } else {
      }
      %scan3A_124 = arith.constant 0 : i32
      %scan3A_125 = arith.constant 0 : i32
      %scan3A_126 = arith.constant 5 : i32
      %scan3A_127 = arith.addi %scan3A_125, %scan3A_126 : i32
      %scan3A_128 = arith.constant 1 : i32
      scf.for %scan3A_136 = %scan3A_125 to %scan3A_127 step %scan3A_128  : i32 {
        %mul3A_137 = arith.constant 16 : i32
        %mul3A_138 = arith.muli %scan3A_136, %mul3A_137 : i32
        %get3A = arith.index_cast %add3A_102 : i32 to index
        %get3A_139 = arith.index_cast %mul3A_138 : i32 to index
        %get3A_140 = tpu.vector_load %arg8[%get3A, %get3A_139] {strides = array<i32>} : memref<125x80xi32, #tpu.memory_space<vmem>>, vector<16xi32>,
        %mul3A_141 = arith.constant 16 : i32
        %mul3A_142 = arith.muli %scan3A_136, %mul3A_141 : i32
        %get3A_143 = arith.index_cast %add3A_102 : i32 to index
        %get3A_144 = arith.index_cast %mul3A_142 : i32 to index
        %get3A_145 = tpu.vector_load %arg9[%get3A_143, %get3A_144] {strides = array<i32>} : memref<125x80xi32, #tpu.memory_space<vmem>>, vector<16xi32>,
        %gather3A = tpu.vector_load_idx %arg10[%get3A_140, %add3A_3] : memref<10000x8xf32, #tpu.memory_space<vmem>>[vector<16xi32>, vector<16xi32>], vector<16xf32>,
        %gather3A_146 = tpu.vector_load_idx %arg11[%get3A_145] : memref<10000xf32, #tpu.memory_space<vmem>>[vector<16xi32>], vector<16xf32>,
        %add3A_147 = arith.addf %gather3A, %gather3A_146 : vector<16xf32>
        %mul3A_148 = arith.constant 2.000000e-01 : f32
        %mul3A_149 = vector.broadcast %mul3A_148 : f32 to vector<16xf32>
        %mul3A_150 = arith.mulf %mul3A_149, %add3A_147 : vector<16xf32>
        %max3A = arith.maximumf %add3A_147, %mul3A_150 : vector<16xf32>
        %exp3A = math.exp %max3A : vector<16xf32>
        %mul3A_151 = arith.constant 16 : i32
        %mul3A_152 = arith.muli %scan3A_136, %mul3A_151 : i32
        %add3A_153 = vector.broadcast %mul3A_152 : i32 to vector<16xi32>
        %add3A_154 = arith.addi %add3A_153, %iota3A : vector<16xi32>
        %mul3A_155 = arith.constant 0 : i32
        %mul3A_156 = vector.broadcast %mul3A_155 : i32 to vector<16xi32>
        %mul3A_157 = arith.muli %iota3A, %mul3A_156 : vector<16xi32>
        %add3A_158 = arith.constant 0 : i32
        %add3A_159 = vector.broadcast %add3A_158 : i32 to vector<16xi32>
        %add3A_160 = arith.addi %mul3A_157, %add3A_159 : vector<16xi32>
        %gather3A_161 = tpu.vector_load_idx %arg10[%get3A_140, %add3A_160] : memref<10000x8xf32, #tpu.memory_space<vmem>>[vector<16xi32>, vector<16xi32>], vector<16xf32>,
        %mul3A_162 = arith.mulf %gather3A_161, %exp3A : vector<16xf32>
        %mul3A_163 = arith.constant 0 : i32
        %mul3A_164 = vector.broadcast %mul3A_163 : i32 to vector<16xi32>
        %mul3A_165 = arith.muli %iota3A, %mul3A_164 : vector<16xi32>
        %add3A_166 = arith.constant 0 : i32
        %add3A_167 = vector.broadcast %add3A_166 : i32 to vector<16xi32>
        %add3A_168 = arith.addi %mul3A_165, %add3A_167 : vector<16xi32>
        tpu.vector_store_idx %arg13[%add3A_154, %add3A_168], %mul3A_162 : memref<80x8xf32, #tpu.memory_space<vmem>>[vector<16xi32>, vector<16xi32>], vector<16xf32>,
        %mul3A_169 = arith.constant 0 : i32
        %mul3A_170 = vector.broadcast %mul3A_169 : i32 to vector<16xi32>
        %mul3A_171 = arith.muli %iota3A, %mul3A_170 : vector<16xi32>
        %add3A_172 = arith.constant 1 : i32
        %add3A_173 = vector.broadcast %add3A_172 : i32 to vector<16xi32>
        %add3A_174 = arith.addi %mul3A_171, %add3A_173 : vector<16xi32>
        %gather3A_175 = tpu.vector_load_idx %arg10[%get3A_140, %add3A_174] : memref<10000x8xf32, #tpu.memory_space<vmem>>[vector<16xi32>, vector<16xi32>], vector<16xf32>,
        %mul3A_176 = arith.mulf %gather3A_175, %exp3A : vector<16xf32>
        %mul3A_177 = arith.constant 0 : i32
        %mul3A_178 = vector.broadcast %mul3A_177 : i32 to vector<16xi32>
        %mul3A_179 = arith.muli %iota3A, %mul3A_178 : vector<16xi32>
        %add3A_180 = arith.constant 1 : i32
        %add3A_181 = vector.broadcast %add3A_180 : i32 to vector<16xi32>
        %add3A_182 = arith.addi %mul3A_179, %add3A_181 : vector<16xi32>
        tpu.vector_store_idx %arg13[%add3A_154, %add3A_182], %mul3A_176 : memref<80x8xf32, #tpu.memory_space<vmem>>[vector<16xi32>, vector<16xi32>], vector<16xf32>,
        %mul3A_183 = arith.constant 0 : i32
        %mul3A_184 = vector.broadcast %mul3A_183 : i32 to vector<16xi32>
        %mul3A_185 = arith.muli %iota3A, %mul3A_184 : vector<16xi32>
        %add3A_186 = arith.constant 2 : i32
        %add3A_187 = vector.broadcast %add3A_186 : i32 to vector<16xi32>
        %add3A_188 = arith.addi %mul3A_185, %add3A_187 : vector<16xi32>
        %gather3A_189 = tpu.vector_load_idx %arg10[%get3A_140, %add3A_188] : memref<10000x8xf32, #tpu.memory_space<vmem>>[vector<16xi32>, vector<16xi32>], vector<16xf32>,
        %mul3A_190 = arith.mulf %gather3A_189, %exp3A : vector<16xf32>
        %mul3A_191 = arith.constant 0 : i32
        %mul3A_192 = vector.broadcast %mul3A_191 : i32 to vector<16xi32>
        %mul3A_193 = arith.muli %iota3A, %mul3A_192 : vector<16xi32>
        %add3A_194 = arith.constant 2 : i32
        %add3A_195 = vector.broadcast %add3A_194 : i32 to vector<16xi32>
        %add3A_196 = arith.addi %mul3A_193, %add3A_195 : vector<16xi32>
        tpu.vector_store_idx %arg13[%add3A_154, %add3A_196], %mul3A_190 : memref<80x8xf32, #tpu.memory_space<vmem>>[vector<16xi32>, vector<16xi32>], vector<16xf32>,
        %mul3A_197 = arith.constant 0 : i32
        %mul3A_198 = vector.broadcast %mul3A_197 : i32 to vector<16xi32>
        %mul3A_199 = arith.muli %iota3A, %mul3A_198 : vector<16xi32>
        %add3A_200 = arith.constant 3 : i32
        %add3A_201 = vector.broadcast %add3A_200 : i32 to vector<16xi32>
        %add3A_202 = arith.addi %mul3A_199, %add3A_201 : vector<16xi32>
        %gather3A_203 = tpu.vector_load_idx %arg10[%get3A_140, %add3A_202] : memref<10000x8xf32, #tpu.memory_space<vmem>>[vector<16xi32>, vector<16xi32>], vector<16xf32>,
        %mul3A_204 = arith.mulf %gather3A_203, %exp3A : vector<16xf32>
        %mul3A_205 = arith.constant 0 : i32
        %mul3A_206 = vector.broadcast %mul3A_205 : i32 to vector<16xi32>
        %mul3A_207 = arith.muli %iota3A, %mul3A_206 : vector<16xi32>
        %add3A_208 = arith.constant 3 : i32
        %add3A_209 = vector.broadcast %add3A_208 : i32 to vector<16xi32>
        %add3A_210 = arith.addi %mul3A_207, %add3A_209 : vector<16xi32>
        tpu.vector_store_idx %arg13[%add3A_154, %add3A_210], %mul3A_204 : memref<80x8xf32, #tpu.memory_space<vmem>>[vector<16xi32>, vector<16xi32>], vector<16xf32>,
        %mul3A_211 = arith.constant 0 : i32
        %mul3A_212 = vector.broadcast %mul3A_211 : i32 to vector<16xi32>
        %mul3A_213 = arith.muli %iota3A, %mul3A_212 : vector<16xi32>
        %add3A_214 = arith.constant 4 : i32
        %add3A_215 = vector.broadcast %add3A_214 : i32 to vector<16xi32>
        %add3A_216 = arith.addi %mul3A_213, %add3A_215 : vector<16xi32>
        %gather3A_217 = tpu.vector_load_idx %arg10[%get3A_140, %add3A_216] : memref<10000x8xf32, #tpu.memory_space<vmem>>[vector<16xi32>, vector<16xi32>], vector<16xf32>,
        %mul3A_218 = arith.mulf %gather3A_217, %exp3A : vector<16xf32>
        %mul3A_219 = arith.constant 0 : i32
        %mul3A_220 = vector.broadcast %mul3A_219 : i32 to vector<16xi32>
        %mul3A_221 = arith.muli %iota3A, %mul3A_220 : vector<16xi32>
        %add3A_222 = arith.constant 4 : i32
        %add3A_223 = vector.broadcast %add3A_222 : i32 to vector<16xi32>
        %add3A_224 = arith.addi %mul3A_221, %add3A_223 : vector<16xi32>
        tpu.vector_store_idx %arg13[%add3A_154, %add3A_224], %mul3A_218 : memref<80x8xf32, #tpu.memory_space<vmem>>[vector<16xi32>, vector<16xi32>], vector<16xf32>,
        %mul3A_225 = arith.constant 0 : i32
        %mul3A_226 = vector.broadcast %mul3A_225 : i32 to vector<16xi32>
        %mul3A_227 = arith.muli %iota3A, %mul3A_226 : vector<16xi32>
        %add3A_228 = arith.constant 5 : i32
        %add3A_229 = vector.broadcast %add3A_228 : i32 to vector<16xi32>
        %add3A_230 = arith.addi %mul3A_227, %add3A_229 : vector<16xi32>
        %gather3A_231 = tpu.vector_load_idx %arg10[%get3A_140, %add3A_230] : memref<10000x8xf32, #tpu.memory_space<vmem>>[vector<16xi32>, vector<16xi32>], vector<16xf32>,
        %mul3A_232 = arith.mulf %gather3A_231, %exp3A : vector<16xf32>
        %mul3A_233 = arith.constant 0 : i32
        %mul3A_234 = vector.broadcast %mul3A_233 : i32 to vector<16xi32>
        %mul3A_235 = arith.muli %iota3A, %mul3A_234 : vector<16xi32>
        %add3A_236 = arith.constant 5 : i32
        %add3A_237 = vector.broadcast %add3A_236 : i32 to vector<16xi32>
        %add3A_238 = arith.addi %mul3A_235, %add3A_237 : vector<16xi32>
        tpu.vector_store_idx %arg13[%add3A_154, %add3A_238], %mul3A_232 : memref<80x8xf32, #tpu.memory_space<vmem>>[vector<16xi32>, vector<16xi32>], vector<16xf32>,
        %mul3A_239 = arith.constant 0 : i32
        %mul3A_240 = vector.broadcast %mul3A_239 : i32 to vector<16xi32>
        %mul3A_241 = arith.muli %iota3A, %mul3A_240 : vector<16xi32>
        %add3A_242 = arith.constant 6 : i32
        %add3A_243 = vector.broadcast %add3A_242 : i32 to vector<16xi32>
        %add3A_244 = arith.addi %mul3A_241, %add3A_243 : vector<16xi32>
        %gather3A_245 = tpu.vector_load_idx %arg10[%get3A_140, %add3A_244] : memref<10000x8xf32, #tpu.memory_space<vmem>>[vector<16xi32>, vector<16xi32>], vector<16xf32>,
        %mul3A_246 = arith.mulf %gather3A_245, %exp3A : vector<16xf32>
        %mul3A_247 = arith.constant 0 : i32
        %mul3A_248 = vector.broadcast %mul3A_247 : i32 to vector<16xi32>
        %mul3A_249 = arith.muli %iota3A, %mul3A_248 : vector<16xi32>
        %add3A_250 = arith.constant 6 : i32
        %add3A_251 = vector.broadcast %add3A_250 : i32 to vector<16xi32>
        %add3A_252 = arith.addi %mul3A_249, %add3A_251 : vector<16xi32>
        tpu.vector_store_idx %arg13[%add3A_154, %add3A_252], %mul3A_246 : memref<80x8xf32, #tpu.memory_space<vmem>>[vector<16xi32>, vector<16xi32>], vector<16xf32>,
        tpu.vector_store_idx %arg13[%add3A_154, %add3A_3], %exp3A : memref<80x8xf32, #tpu.memory_space<vmem>>[vector<16xi32>, vector<16xi32>], vector<16xf32>,
      }
      %scan3A_129 = arith.constant 5 : i32
      %dma_start3A_130 = arith.constant 0 : i32
      %dma_start3A_131 = tpu.memref_slice %arg9[%add3A_102, %dma_start3A_130] : memref<125x80xi32, #tpu.memory_space<vmem>> -> memref<1x80xi32, #tpu.memory_space<vmem>>
      %dma_start3A_132 = tpu.memref_squeeze %dma_start3A_131 : memref<1x80xi32, #tpu.memory_space<vmem>> -> memref<80xi32, #tpu.memory_space<vmem>>
      %dma_start3A_133 = arith.constant 0 : i32
      %dma_start3A_134 = arith.constant 0 : i32
      %dma_start3A_135 = tpu.memref_slice %arg14[%dma_start3A_133, %dma_start3A_134] : memref<10000x8xf32, #tpu.memory_space<vmem_shared>> -> memref<10000x8xf32, #tpu.memory_space<vmem_shared>>
      tpu.enqueue_indirect_dma source(%arg13 : memref<80x8xf32, #tpu.memory_space<vmem>>) target(%dma_start3A_135 : memref<10000x8xf32, #tpu.memory_space<vmem_shared>>) offsets(%dma_start3A_132 : memref<80xi32, #tpu.memory_space<vmem>>) semaphore(%arg16 : memref<!tpu.dma_semaphore, #tpu.memory_space<semaphore_mem>>) {add = true}
    }
    %scan3A_36 = arith.constant 62 : i32
    %dma_wait3A = arith.constant 122 : i32
    %dma_wait3A_37 = arith.constant 0 : i32
    %dma_wait3A_38 = tpu.memref_slice %arg9[%dma_wait3A, %dma_wait3A_37] : memref<125x80xi32, #tpu.memory_space<vmem>> -> memref<1x80xi32, #tpu.memory_space<vmem>>
    %dma_wait3A_39 = tpu.memref_squeeze %dma_wait3A_38 : memref<1x80xi32, #tpu.memory_space<vmem>> -> memref<80xi32, #tpu.memory_space<vmem>>
    %dma_wait3A_40 = arith.constant 0 : i32
    %dma_wait3A_41 = arith.constant 0 : i32
    %dma_wait3A_42 = tpu.memref_slice %arg14[%dma_wait3A_40, %dma_wait3A_41] : memref<10000x8xf32, #tpu.memory_space<vmem_shared>> -> memref<10000x8xf32, #tpu.memory_space<vmem_shared>>
    tpu.wait_indirect_dma semaphore(%arg15 : memref<!tpu.dma_semaphore, #tpu.memory_space<semaphore_mem>>) src(%arg12 : memref<80x8xf32, #tpu.memory_space<vmem>>) dst(%dma_wait3A_42 : memref<10000x8xf32, #tpu.memory_space<vmem_shared>>)
    %scan3A_43 = arith.constant 0 : i32
    %scan3A_44 = arith.constant 0 : i32
    %scan3A_45 = arith.constant 5 : i32
    %scan3A_46 = arith.addi %scan3A_44, %scan3A_45 : i32
    %scan3A_47 = arith.constant 1 : i32
    scf.for %scan3A_98 = %scan3A_44 to %scan3A_46 step %scan3A_47  : i32 {
      %mul3A_99 = arith.constant 16 : i32
      %mul3A_100 = arith.muli %scan3A_98, %mul3A_99 : i32
      %get3A = arith.constant 124 : i32
      %get3A_101 = arith.index_cast %get3A : i32 to index
      %get3A_102 = arith.index_cast %mul3A_100 : i32 to index
      %get3A_103 = tpu.vector_load %arg8[%get3A_101, %get3A_102] {strides = array<i32>} : memref<125x80xi32, #tpu.memory_space<vmem>>, vector<16xi32>,
      %mul3A_104 = arith.constant 16 : i32
      %mul3A_105 = arith.muli %scan3A_98, %mul3A_104 : i32
      %get3A_106 = arith.constant 124 : i32
      %get3A_107 = arith.index_cast %get3A_106 : i32 to index
      %get3A_108 = arith.index_cast %mul3A_105 : i32 to index
      %get3A_109 = tpu.vector_load %arg9[%get3A_107, %get3A_108] {strides = array<i32>} : memref<125x80xi32, #tpu.memory_space<vmem>>, vector<16xi32>,
      %gather3A = tpu.vector_load_idx %arg10[%get3A_103, %add3A_3] : memref<10000x8xf32, #tpu.memory_space<vmem>>[vector<16xi32>, vector<16xi32>], vector<16xf32>,
      %gather3A_110 = tpu.vector_load_idx %arg11[%get3A_109] : memref<10000xf32, #tpu.memory_space<vmem>>[vector<16xi32>], vector<16xf32>,
      %add3A_111 = arith.addf %gather3A, %gather3A_110 : vector<16xf32>
      %mul3A_112 = arith.constant 2.000000e-01 : f32
      %mul3A_113 = vector.broadcast %mul3A_112 : f32 to vector<16xf32>
      %mul3A_114 = arith.mulf %mul3A_113, %add3A_111 : vector<16xf32>
      %max3A = arith.maximumf %add3A_111, %mul3A_114 : vector<16xf32>
      %exp3A = math.exp %max3A : vector<16xf32>
      %mul3A_115 = arith.constant 16 : i32
      %mul3A_116 = arith.muli %scan3A_98, %mul3A_115 : i32
      %add3A_117 = vector.broadcast %mul3A_116 : i32 to vector<16xi32>
      %add3A_118 = arith.addi %add3A_117, %iota3A : vector<16xi32>
      %mul3A_119 = arith.constant 0 : i32
      %mul3A_120 = vector.broadcast %mul3A_119 : i32 to vector<16xi32>
      %mul3A_121 = arith.muli %iota3A, %mul3A_120 : vector<16xi32>
      %add3A_122 = arith.constant 0 : i32
      %add3A_123 = vector.broadcast %add3A_122 : i32 to vector<16xi32>
      %add3A_124 = arith.addi %mul3A_121, %add3A_123 : vector<16xi32>
      %gather3A_125 = tpu.vector_load_idx %arg10[%get3A_103, %add3A_124] : memref<10000x8xf32, #tpu.memory_space<vmem>>[vector<16xi32>, vector<16xi32>], vector<16xf32>,
      %mul3A_126 = arith.mulf %gather3A_125, %exp3A : vector<16xf32>
      %mul3A_127 = arith.constant 0 : i32
      %mul3A_128 = vector.broadcast %mul3A_127 : i32 to vector<16xi32>
      %mul3A_129 = arith.muli %iota3A, %mul3A_128 : vector<16xi32>
      %add3A_130 = arith.constant 0 : i32
      %add3A_131 = vector.broadcast %add3A_130 : i32 to vector<16xi32>
      %add3A_132 = arith.addi %mul3A_129, %add3A_131 : vector<16xi32>
      tpu.vector_store_idx %arg12[%add3A_118, %add3A_132], %mul3A_126 : memref<80x8xf32, #tpu.memory_space<vmem>>[vector<16xi32>, vector<16xi32>], vector<16xf32>,
      %mul3A_133 = arith.constant 0 : i32
      %mul3A_134 = vector.broadcast %mul3A_133 : i32 to vector<16xi32>
      %mul3A_135 = arith.muli %iota3A, %mul3A_134 : vector<16xi32>
      %add3A_136 = arith.constant 1 : i32
      %add3A_137 = vector.broadcast %add3A_136 : i32 to vector<16xi32>
      %add3A_138 = arith.addi %mul3A_135, %add3A_137 : vector<16xi32>
      %gather3A_139 = tpu.vector_load_idx %arg10[%get3A_103, %add3A_138] : memref<10000x8xf32, #tpu.memory_space<vmem>>[vector<16xi32>, vector<16xi32>], vector<16xf32>,
      %mul3A_140 = arith.mulf %gather3A_139, %exp3A : vector<16xf32>
      %mul3A_141 = arith.constant 0 : i32
      %mul3A_142 = vector.broadcast %mul3A_141 : i32 to vector<16xi32>
      %mul3A_143 = arith.muli %iota3A, %mul3A_142 : vector<16xi32>
      %add3A_144 = arith.constant 1 : i32
      %add3A_145 = vector.broadcast %add3A_144 : i32 to vector<16xi32>
      %add3A_146 = arith.addi %mul3A_143, %add3A_145 : vector<16xi32>
      tpu.vector_store_idx %arg12[%add3A_118, %add3A_146], %mul3A_140 : memref<80x8xf32, #tpu.memory_space<vmem>>[vector<16xi32>, vector<16xi32>], vector<16xf32>,
      %mul3A_147 = arith.constant 0 : i32
      %mul3A_148 = vector.broadcast %mul3A_147 : i32 to vector<16xi32>
      %mul3A_149 = arith.muli %iota3A, %mul3A_148 : vector<16xi32>
      %add3A_150 = arith.constant 2 : i32
      %add3A_151 = vector.broadcast %add3A_150 : i32 to vector<16xi32>
      %add3A_152 = arith.addi %mul3A_149, %add3A_151 : vector<16xi32>
      %gather3A_153 = tpu.vector_load_idx %arg10[%get3A_103, %add3A_152] : memref<10000x8xf32, #tpu.memory_space<vmem>>[vector<16xi32>, vector<16xi32>], vector<16xf32>,
      %mul3A_154 = arith.mulf %gather3A_153, %exp3A : vector<16xf32>
      %mul3A_155 = arith.constant 0 : i32
      %mul3A_156 = vector.broadcast %mul3A_155 : i32 to vector<16xi32>
      %mul3A_157 = arith.muli %iota3A, %mul3A_156 : vector<16xi32>
      %add3A_158 = arith.constant 2 : i32
      %add3A_159 = vector.broadcast %add3A_158 : i32 to vector<16xi32>
      %add3A_160 = arith.addi %mul3A_157, %add3A_159 : vector<16xi32>
      tpu.vector_store_idx %arg12[%add3A_118, %add3A_160], %mul3A_154 : memref<80x8xf32, #tpu.memory_space<vmem>>[vector<16xi32>, vector<16xi32>], vector<16xf32>,
      %mul3A_161 = arith.constant 0 : i32
      %mul3A_162 = vector.broadcast %mul3A_161 : i32 to vector<16xi32>
      %mul3A_163 = arith.muli %iota3A, %mul3A_162 : vector<16xi32>
      %add3A_164 = arith.constant 3 : i32
      %add3A_165 = vector.broadcast %add3A_164 : i32 to vector<16xi32>
      %add3A_166 = arith.addi %mul3A_163, %add3A_165 : vector<16xi32>
      %gather3A_167 = tpu.vector_load_idx %arg10[%get3A_103, %add3A_166] : memref<10000x8xf32, #tpu.memory_space<vmem>>[vector<16xi32>, vector<16xi32>], vector<16xf32>,
      %mul3A_168 = arith.mulf %gather3A_167, %exp3A : vector<16xf32>
      %mul3A_169 = arith.constant 0 : i32
      %mul3A_170 = vector.broadcast %mul3A_169 : i32 to vector<16xi32>
      %mul3A_171 = arith.muli %iota3A, %mul3A_170 : vector<16xi32>
      %add3A_172 = arith.constant 3 : i32
      %add3A_173 = vector.broadcast %add3A_172 : i32 to vector<16xi32>
      %add3A_174 = arith.addi %mul3A_171, %add3A_173 : vector<16xi32>
      tpu.vector_store_idx %arg12[%add3A_118, %add3A_174], %mul3A_168 : memref<80x8xf32, #tpu.memory_space<vmem>>[vector<16xi32>, vector<16xi32>], vector<16xf32>,
      %mul3A_175 = arith.constant 0 : i32
      %mul3A_176 = vector.broadcast %mul3A_175 : i32 to vector<16xi32>
      %mul3A_177 = arith.muli %iota3A, %mul3A_176 : vector<16xi32>
      %add3A_178 = arith.constant 4 : i32
      %add3A_179 = vector.broadcast %add3A_178 : i32 to vector<16xi32>
      %add3A_180 = arith.addi %mul3A_177, %add3A_179 : vector<16xi32>
      %gather3A_181 = tpu.vector_load_idx %arg10[%get3A_103, %add3A_180] : memref<10000x8xf32, #tpu.memory_space<vmem>>[vector<16xi32>, vector<16xi32>], vector<16xf32>,
      %mul3A_182 = arith.mulf %gather3A_181, %exp3A : vector<16xf32>
      %mul3A_183 = arith.constant 0 : i32
      %mul3A_184 = vector.broadcast %mul3A_183 : i32 to vector<16xi32>
      %mul3A_185 = arith.muli %iota3A, %mul3A_184 : vector<16xi32>
      %add3A_186 = arith.constant 4 : i32
      %add3A_187 = vector.broadcast %add3A_186 : i32 to vector<16xi32>
      %add3A_188 = arith.addi %mul3A_185, %add3A_187 : vector<16xi32>
      tpu.vector_store_idx %arg12[%add3A_118, %add3A_188], %mul3A_182 : memref<80x8xf32, #tpu.memory_space<vmem>>[vector<16xi32>, vector<16xi32>], vector<16xf32>,
      %mul3A_189 = arith.constant 0 : i32
      %mul3A_190 = vector.broadcast %mul3A_189 : i32 to vector<16xi32>
      %mul3A_191 = arith.muli %iota3A, %mul3A_190 : vector<16xi32>
      %add3A_192 = arith.constant 5 : i32
      %add3A_193 = vector.broadcast %add3A_192 : i32 to vector<16xi32>
      %add3A_194 = arith.addi %mul3A_191, %add3A_193 : vector<16xi32>
      %gather3A_195 = tpu.vector_load_idx %arg10[%get3A_103, %add3A_194] : memref<10000x8xf32, #tpu.memory_space<vmem>>[vector<16xi32>, vector<16xi32>], vector<16xf32>,
      %mul3A_196 = arith.mulf %gather3A_195, %exp3A : vector<16xf32>
      %mul3A_197 = arith.constant 0 : i32
      %mul3A_198 = vector.broadcast %mul3A_197 : i32 to vector<16xi32>
      %mul3A_199 = arith.muli %iota3A, %mul3A_198 : vector<16xi32>
      %add3A_200 = arith.constant 5 : i32
      %add3A_201 = vector.broadcast %add3A_200 : i32 to vector<16xi32>
      %add3A_202 = arith.addi %mul3A_199, %add3A_201 : vector<16xi32>
      tpu.vector_store_idx %arg12[%add3A_118, %add3A_202], %mul3A_196 : memref<80x8xf32, #tpu.memory_space<vmem>>[vector<16xi32>, vector<16xi32>], vector<16xf32>,
      %mul3A_203 = arith.constant 0 : i32
      %mul3A_204 = vector.broadcast %mul3A_203 : i32 to vector<16xi32>
      %mul3A_205 = arith.muli %iota3A, %mul3A_204 : vector<16xi32>
      %add3A_206 = arith.constant 6 : i32
      %add3A_207 = vector.broadcast %add3A_206 : i32 to vector<16xi32>
      %add3A_208 = arith.addi %mul3A_205, %add3A_207 : vector<16xi32>
      %gather3A_209 = tpu.vector_load_idx %arg10[%get3A_103, %add3A_208] : memref<10000x8xf32, #tpu.memory_space<vmem>>[vector<16xi32>, vector<16xi32>], vector<16xf32>,
      %mul3A_210 = arith.mulf %gather3A_209, %exp3A : vector<16xf32>
      %mul3A_211 = arith.constant 0 : i32
      %mul3A_212 = vector.broadcast %mul3A_211 : i32 to vector<16xi32>
      %mul3A_213 = arith.muli %iota3A, %mul3A_212 : vector<16xi32>
      %add3A_214 = arith.constant 6 : i32
      %add3A_215 = vector.broadcast %add3A_214 : i32 to vector<16xi32>
      %add3A_216 = arith.addi %mul3A_213, %add3A_215 : vector<16xi32>
      tpu.vector_store_idx %arg12[%add3A_118, %add3A_216], %mul3A_210 : memref<80x8xf32, #tpu.memory_space<vmem>>[vector<16xi32>, vector<16xi32>], vector<16xf32>,
      tpu.vector_store_idx %arg12[%add3A_118, %add3A_3], %exp3A : memref<80x8xf32, #tpu.memory_space<vmem>>[vector<16xi32>, vector<16xi32>], vector<16xf32>,
    }
    %scan3A_48 = arith.constant 5 : i32
    %dma_start3A = arith.constant 124 : i32
    %dma_start3A_49 = arith.constant 0 : i32
    %dma_start3A_50 = tpu.memref_slice %arg9[%dma_start3A, %dma_start3A_49] : memref<125x80xi32, #tpu.memory_space<vmem>> -> memref<1x80xi32, #tpu.memory_space<vmem>>
    %dma_start3A_51 = tpu.memref_squeeze %dma_start3A_50 : memref<1x80xi32, #tpu.memory_space<vmem>> -> memref<80xi32, #tpu.memory_space<vmem>>
    %dma_start3A_52 = arith.constant 0 : i32
    %dma_start3A_53 = arith.constant 0 : i32
    %dma_start3A_54 = tpu.memref_slice %arg14[%dma_start3A_52, %dma_start3A_53] : memref<10000x8xf32, #tpu.memory_space<vmem_shared>> -> memref<10000x8xf32, #tpu.memory_space<vmem_shared>>
    tpu.enqueue_indirect_dma source(%arg12 : memref<80x8xf32, #tpu.memory_space<vmem>>) target(%dma_start3A_54 : memref<10000x8xf32, #tpu.memory_space<vmem_shared>>) offsets(%dma_start3A_51 : memref<80xi32, #tpu.memory_space<vmem>>) semaphore(%arg15 : memref<!tpu.dma_semaphore, #tpu.memory_space<semaphore_mem>>) {add = true}
    %dma_wait3A_55 = arith.constant 124 : i32
    %dma_wait3A_56 = arith.constant 0 : i32
    %dma_wait3A_57 = tpu.memref_slice %arg9[%dma_wait3A_55, %dma_wait3A_56] : memref<125x80xi32, #tpu.memory_space<vmem>> -> memref<1x80xi32, #tpu.memory_space<vmem>>
    %dma_wait3A_58 = tpu.memref_squeeze %dma_wait3A_57 : memref<1x80xi32, #tpu.memory_space<vmem>> -> memref<80xi32, #tpu.memory_space<vmem>>
    %dma_wait3A_59 = arith.constant 0 : i32
    %dma_wait3A_60 = arith.constant 0 : i32
    %dma_wait3A_61 = tpu.memref_slice %arg14[%dma_wait3A_59, %dma_wait3A_60] : memref<10000x8xf32, #tpu.memory_space<vmem_shared>> -> memref<10000x8xf32, #tpu.memory_space<vmem_shared>>
    tpu.wait_indirect_dma semaphore(%arg15 : memref<!tpu.dma_semaphore, #tpu.memory_space<semaphore_mem>>) src(%arg12 : memref<80x8xf32, #tpu.memory_space<vmem>>) dst(%dma_wait3A_61 : memref<10000x8xf32, #tpu.memory_space<vmem_shared>>)
    %dma_wait3A_62 = arith.constant 123 : i32
    %dma_wait3A_63 = arith.constant 0 : i32
    %dma_wait3A_64 = tpu.memref_slice %arg9[%dma_wait3A_62, %dma_wait3A_63] : memref<125x80xi32, #tpu.memory_space<vmem>> -> memref<1x80xi32, #tpu.memory_space<vmem>>
    %dma_wait3A_65 = tpu.memref_squeeze %dma_wait3A_64 : memref<1x80xi32, #tpu.memory_space<vmem>> -> memref<80xi32, #tpu.memory_space<vmem>>
    %dma_wait3A_66 = arith.constant 0 : i32
    %dma_wait3A_67 = arith.constant 0 : i32
    %dma_wait3A_68 = tpu.memref_slice %arg14[%dma_wait3A_66, %dma_wait3A_67] : memref<10000x8xf32, #tpu.memory_space<vmem_shared>> -> memref<10000x8xf32, #tpu.memory_space<vmem_shared>>
    tpu.wait_indirect_dma semaphore(%arg16 : memref<!tpu.dma_semaphore, #tpu.memory_space<semaphore_mem>>) src(%arg13 : memref<80x8xf32, #tpu.memory_space<vmem>>) dst(%dma_wait3A_68 : memref<10000x8xf32, #tpu.memory_space<vmem_shared>>)
    %barrier3A_69 = arith.constant 0 : index
    tpu.barrier barrier_id(%barrier3A_69)
    %add3A_70 = arith.constant 0 : i32
    %add3A_71 = arith.addi %arg1, %add3A_70 : i32
    %lt3A_72 = arith.constant 50 : i32
    %lt3A_73 = arith.cmpi slt, %add3A_71, %lt3A_72 : i32
    %convert_element_type3A_74 = arith.extui %lt3A_73 : i1 to i32
    %cond3A_75 = arith.constant 0 : i32
    %cond3A_76 = arith.cmpi ne, %convert_element_type3A_74, %cond3A_75 : i32
    scf.if %cond3A_76 {
      %mul3A_98 = arith.constant 200 : i32
      %mul3A_99 = arith.muli %add3A_71, %mul3A_98 : i32
      "tpu.region"() ({
        %run_scoped3A = tpu.sem_alloc : memref<!tpu.dma_semaphore, #tpu.memory_space<semaphore_mem>>
        %dma_start3A_100 = arith.constant 0 : i32
        %dma_start3A_101 = arith.constant 0 : i32
        %dma_start3A_102 = tpu.memref_slice %arg7[%arg0, %add3A_71, %dma_start3A_100, %dma_start3A_101] : memref<2x50x200x8xf32, #tpu.memory_space<hbm>> -> memref<1x1x200x8xf32, #tpu.memory_space<hbm>>
        %dma_start3A_103 = tpu.memref_squeeze %dma_start3A_102 : memref<1x1x200x8xf32, #tpu.memory_space<hbm>> -> memref<200x8xf32, #tpu.memory_space<hbm>>
        %dma_start3A_104 = arith.constant 0 : i32
        %dma_start3A_105 = tpu.memref_slice %arg14[%mul3A_99, %dma_start3A_104] : memref<10000x8xf32, #tpu.memory_space<vmem_shared>> -> memref<200x8xf32, #tpu.memory_space<vmem_shared>>
        tpu.enqueue_dma source(%dma_start3A_105 : memref<200x8xf32, #tpu.memory_space<vmem_shared>>) target(%dma_start3A_103 : memref<200x8xf32, #tpu.memory_space<hbm>>) target_semaphore(%run_scoped3A : memref<!tpu.dma_semaphore, #tpu.memory_space<semaphore_mem>>)
        %dma_wait3A_106 = arith.constant 0 : i32
        %dma_wait3A_107 = arith.constant 0 : i32
        %dma_wait3A_108 = tpu.memref_slice %arg7[%arg0, %add3A_71, %dma_wait3A_106, %dma_wait3A_107] : memref<2x50x200x8xf32, #tpu.memory_space<hbm>> -> memref<1x1x200x8xf32, #tpu.memory_space<hbm>>
        %dma_wait3A_109 = tpu.memref_squeeze %dma_wait3A_108 : memref<1x1x200x8xf32, #tpu.memory_space<hbm>> -> memref<200x8xf32, #tpu.memory_space<hbm>>
        %dma_wait3A_110 = arith.constant 0 : i32
        %dma_wait3A_111 = tpu.memref_slice %arg14[%mul3A_99, %dma_wait3A_110] : memref<10000x8xf32, #tpu.memory_space<vmem_shared>> -> memref<200x8xf32, #tpu.memory_space<vmem_shared>>
        tpu.wait_dma2 semaphore(%run_scoped3A : memref<!tpu.dma_semaphore, #tpu.memory_space<semaphore_mem>>) src(%dma_wait3A_111 : memref<200x8xf32, #tpu.memory_space<vmem_shared>>) dst(%dma_wait3A_109 : memref<200x8xf32, #tpu.memory_space<hbm>>)
        tpu.yield
      }) : () -> ()
    } else {
    }
    %add3A_77 = arith.constant 16 : i32
    %add3A_78 = arith.addi %arg1, %add3A_77 : i32
    %lt3A_79 = arith.constant 50 : i32
    %lt3A_80 = arith.cmpi slt, %add3A_78, %lt3A_79 : i32
    %convert_element_type3A_81 = arith.extui %lt3A_80 : i1 to i32
    %cond3A_82 = arith.constant 0 : i32
    %cond3A_83 = arith.cmpi ne, %convert_element_type3A_81, %cond3A_82 : i32
    scf.if %cond3A_83 {
      %mul3A_98 = arith.constant 200 : i32
      %mul3A_99 = arith.muli %add3A_78, %mul3A_98 : i32
      "tpu.region"() ({
        %run_scoped3A = tpu.sem_alloc : memref<!tpu.dma_semaphore, #tpu.memory_space<semaphore_mem>>
        %dma_start3A_100 = arith.constant 0 : i32
        %dma_start3A_101 = arith.constant 0 : i32
        %dma_start3A_102 = tpu.memref_slice %arg7[%arg0, %add3A_78, %dma_start3A_100, %dma_start3A_101] : memref<2x50x200x8xf32, #tpu.memory_space<hbm>> -> memref<1x1x200x8xf32, #tpu.memory_space<hbm>>
        %dma_start3A_103 = tpu.memref_squeeze %dma_start3A_102 : memref<1x1x200x8xf32, #tpu.memory_space<hbm>> -> memref<200x8xf32, #tpu.memory_space<hbm>>
        %dma_start3A_104 = arith.constant 0 : i32
        %dma_start3A_105 = tpu.memref_slice %arg14[%mul3A_99, %dma_start3A_104] : memref<10000x8xf32, #tpu.memory_space<vmem_shared>> -> memref<200x8xf32, #tpu.memory_space<vmem_shared>>
        tpu.enqueue_dma source(%dma_start3A_105 : memref<200x8xf32, #tpu.memory_space<vmem_shared>>) target(%dma_start3A_103 : memref<200x8xf32, #tpu.memory_space<hbm>>) target_semaphore(%run_scoped3A : memref<!tpu.dma_semaphore, #tpu.memory_space<semaphore_mem>>)
        %dma_wait3A_106 = arith.constant 0 : i32
        %dma_wait3A_107 = arith.constant 0 : i32
        %dma_wait3A_108 = tpu.memref_slice %arg7[%arg0, %add3A_78, %dma_wait3A_106, %dma_wait3A_107] : memref<2x50x200x8xf32, #tpu.memory_space<hbm>> -> memref<1x1x200x8xf32, #tpu.memory_space<hbm>>
        %dma_wait3A_109 = tpu.memref_squeeze %dma_wait3A_108 : memref<1x1x200x8xf32, #tpu.memory_space<hbm>> -> memref<200x8xf32, #tpu.memory_space<hbm>>
        %dma_wait3A_110 = arith.constant 0 : i32
        %dma_wait3A_111 = tpu.memref_slice %arg14[%mul3A_99, %dma_wait3A_110] : memref<10000x8xf32, #tpu.memory_space<vmem_shared>> -> memref<200x8xf32, #tpu.memory_space<vmem_shared>>
        tpu.wait_dma2 semaphore(%run_scoped3A : memref<!tpu.dma_semaphore, #tpu.memory_space<semaphore_mem>>) src(%dma_wait3A_111 : memref<200x8xf32, #tpu.memory_space<vmem_shared>>) dst(%dma_wait3A_109 : memref<200x8xf32, #tpu.memory_space<hbm>>)
        tpu.yield
      }) : () -> ()
    } else {
    }
    %add3A_84 = arith.constant 32 : i32
    %add3A_85 = arith.addi %arg1, %add3A_84 : i32
    %lt3A_86 = arith.constant 50 : i32
    %lt3A_87 = arith.cmpi slt, %add3A_85, %lt3A_86 : i32
    %convert_element_type3A_88 = arith.extui %lt3A_87 : i1 to i32
    %cond3A_89 = arith.constant 0 : i32
    %cond3A_90 = arith.cmpi ne, %convert_element_type3A_88, %cond3A_89 : i32
    scf.if %cond3A_90 {
      %mul3A_98 = arith.constant 200 : i32
      %mul3A_99 = arith.muli %add3A_85, %mul3A_98 : i32
      "tpu.region"() ({
        %run_scoped3A = tpu.sem_alloc : memref<!tpu.dma_semaphore, #tpu.memory_space<semaphore_mem>>
        %dma_start3A_100 = arith.constant 0 : i32
        %dma_start3A_101 = arith.constant 0 : i32
        %dma_start3A_102 = tpu.memref_slice %arg7[%arg0, %add3A_85, %dma_start3A_100, %dma_start3A_101] : memref<2x50x200x8xf32, #tpu.memory_space<hbm>> -> memref<1x1x200x8xf32, #tpu.memory_space<hbm>>
        %dma_start3A_103 = tpu.memref_squeeze %dma_start3A_102 : memref<1x1x200x8xf32, #tpu.memory_space<hbm>> -> memref<200x8xf32, #tpu.memory_space<hbm>>
        %dma_start3A_104 = arith.constant 0 : i32
        %dma_start3A_105 = tpu.memref_slice %arg14[%mul3A_99, %dma_start3A_104] : memref<10000x8xf32, #tpu.memory_space<vmem_shared>> -> memref<200x8xf32, #tpu.memory_space<vmem_shared>>
        tpu.enqueue_dma source(%dma_start3A_105 : memref<200x8xf32, #tpu.memory_space<vmem_shared>>) target(%dma_start3A_103 : memref<200x8xf32, #tpu.memory_space<hbm>>) target_semaphore(%run_scoped3A : memref<!tpu.dma_semaphore, #tpu.memory_space<semaphore_mem>>)
        %dma_wait3A_106 = arith.constant 0 : i32
        %dma_wait3A_107 = arith.constant 0 : i32
        %dma_wait3A_108 = tpu.memref_slice %arg7[%arg0, %add3A_85, %dma_wait3A_106, %dma_wait3A_107] : memref<2x50x200x8xf32, #tpu.memory_space<hbm>> -> memref<1x1x200x8xf32, #tpu.memory_space<hbm>>
        %dma_wait3A_109 = tpu.memref_squeeze %dma_wait3A_108 : memref<1x1x200x8xf32, #tpu.memory_space<hbm>> -> memref<200x8xf32, #tpu.memory_space<hbm>>
        %dma_wait3A_110 = arith.constant 0 : i32
        %dma_wait3A_111 = tpu.memref_slice %arg14[%mul3A_99, %dma_wait3A_110] : memref<10000x8xf32, #tpu.memory_space<vmem_shared>> -> memref<200x8xf32, #tpu.memory_space<vmem_shared>>
        tpu.wait_dma2 semaphore(%run_scoped3A : memref<!tpu.dma_semaphore, #tpu.memory_space<semaphore_mem>>) src(%dma_wait3A_111 : memref<200x8xf32, #tpu.memory_space<vmem_shared>>) dst(%dma_wait3A_109 : memref<200x8xf32, #tpu.memory_space<hbm>>)
        tpu.yield
      }) : () -> ()
    } else {
    }
    %add3A_91 = arith.constant 48 : i32
    %add3A_92 = arith.addi %arg1, %add3A_91 : i32
    %lt3A_93 = arith.constant 50 : i32
    %lt3A_94 = arith.cmpi slt, %add3A_92, %lt3A_93 : i32
    %convert_element_type3A_95 = arith.extui %lt3A_94 : i1 to i32
    %cond3A_96 = arith.constant 0 : i32
    %cond3A_97 = arith.cmpi ne, %convert_element_type3A_95, %cond3A_96 : i32
    scf.if %cond3A_97 {
      %mul3A_98 = arith.constant 200 : i32
      %mul3A_99 = arith.muli %add3A_92, %mul3A_98 : i32
      "tpu.region"() ({
        %run_scoped3A = tpu.sem_alloc : memref<!tpu.dma_semaphore, #tpu.memory_space<semaphore_mem>>
        %dma_start3A_100 = arith.constant 0 : i32
        %dma_start3A_101 = arith.constant 0 : i32
        %dma_start3A_102 = tpu.memref_slice %arg7[%arg0, %add3A_92, %dma_start3A_100, %dma_start3A_101] : memref<2x50x200x8xf32, #tpu.memory_space<hbm>> -> memref<1x1x200x8xf32, #tpu.memory_space<hbm>>
        %dma_start3A_103 = tpu.memref_squeeze %dma_start3A_102 : memref<1x1x200x8xf32, #tpu.memory_space<hbm>> -> memref<200x8xf32, #tpu.memory_space<hbm>>
        %dma_start3A_104 = arith.constant 0 : i32
        %dma_start3A_105 = tpu.memref_slice %arg14[%mul3A_99, %dma_start3A_104] : memref<10000x8xf32, #tpu.memory_space<vmem_shared>> -> memref<200x8xf32, #tpu.memory_space<vmem_shared>>
        tpu.enqueue_dma source(%dma_start3A_105 : memref<200x8xf32, #tpu.memory_space<vmem_shared>>) target(%dma_start3A_103 : memref<200x8xf32, #tpu.memory_space<hbm>>) target_semaphore(%run_scoped3A : memref<!tpu.dma_semaphore, #tpu.memory_space<semaphore_mem>>)
        %dma_wait3A_106 = arith.constant 0 : i32
        %dma_wait3A_107 = arith.constant 0 : i32
        %dma_wait3A_108 = tpu.memref_slice %arg7[%arg0, %add3A_92, %dma_wait3A_106, %dma_wait3A_107] : memref<2x50x200x8xf32, #tpu.memory_space<hbm>> -> memref<1x1x200x8xf32, #tpu.memory_space<hbm>>
        %dma_wait3A_109 = tpu.memref_squeeze %dma_wait3A_108 : memref<1x1x200x8xf32, #tpu.memory_space<hbm>> -> memref<200x8xf32, #tpu.memory_space<hbm>>
        %dma_wait3A_110 = arith.constant 0 : i32
        %dma_wait3A_111 = tpu.memref_slice %arg14[%mul3A_99, %dma_wait3A_110] : memref<10000x8xf32, #tpu.memory_space<vmem_shared>> -> memref<200x8xf32, #tpu.memory_space<vmem_shared>>
        tpu.wait_dma2 semaphore(%run_scoped3A : memref<!tpu.dma_semaphore, #tpu.memory_space<semaphore_mem>>) src(%dma_wait3A_111 : memref<200x8xf32, #tpu.memory_space<vmem_shared>>) dst(%dma_wait3A_109 : memref<200x8xf32, #tpu.memory_space<hbm>>)
        tpu.yield
      }) : () -> ()
    } else {
    }
    return
  }
}

module attributes {stable_mosaic.version = 14 : i64} {
  func.func @_tc1_body(%arg0: i32, %arg1: memref<2000x128xf32, #tpu.memory_space<vmem>>, %arg2: memref<128x80xf32, #tpu.memory_space<vmem>>, %arg3: memref<128x16xf32, #tpu.memory_space<vmem>>, %arg4: memref<2000x80xf32, #tpu.memory_space<vmem>>, %arg5: memref<2000x16xf32, #tpu.memory_space<vmem>>) attributes {dimension_semantics = [#tpu.dimension_semantics<arbitrary>], iteration_bounds = array<i64: 5>, scalar_prefetch = 0 : i64, scratch_operands = 0 : i64, tpu.core_type = #tpu.core_type<tc>, window_params = [{transform_indices = @transform_0, window_bounds = array<i64: 2000, 128>}, {pipeline_mode = #tpu.pipeline_mode<synchronous>, transform_indices = @transform_1, window_bounds = array<i64: 128, 80>}, {pipeline_mode = #tpu.pipeline_mode<synchronous>, transform_indices = @transform_2, window_bounds = array<i64: 128, 16>}, {transform_indices = @transform_3, window_bounds = array<i64: 2000, 80>}, {transform_indices = @transform_4, window_bounds = array<i64: 2000, 16>}]} {
    %get3A = arith.constant 0 : index
    %get3A_0 = arith.constant 0 : index
    %get3A_1 = vector.load %arg1[%get3A, %get3A_0] : memref<2000x128xf32, #tpu.memory_space<vmem>>, vector<2000x128xf32>
    %get3A_2 = arith.constant 0 : index
    %get3A_3 = arith.constant 0 : index
    %get3A_4 = vector.load %arg2[%get3A_2, %get3A_3] : memref<128x80xf32, #tpu.memory_space<vmem>>, vector<128x80xf32>
    %dot_general3A = arith.constant dense<0.000000e+00> : vector<2000x80xf32>
    %dot_general3A_5 = tpu.matmul %get3A_1, %get3A_4, %dot_general3A {dimension_numbers = #tpu.dot_dimension_numbers<[1], [0], [0], [1], [0, 0, 1, 1], [], []>, transpose_lhs_hint = false} : vector<2000x128xf32>, vector<128x80xf32>, vector<2000x80xf32> -> vector<2000x80xf32>
    %swap3A = arith.constant 0 : index
    %swap3A_6 = arith.constant 0 : index
    %swap3A_7 = vector.load %arg4[%swap3A, %swap3A_6] : memref<2000x80xf32, #tpu.memory_space<vmem>>, vector<2000x80xf32>
    tpu.vector_store %arg4[%swap3A, %swap3A_6], %dot_general3A_5 {strides = array<i32>} : memref<2000x80xf32, #tpu.memory_space<vmem>>, vector<2000x80xf32>,
    %get3A_8 = arith.constant 0 : index
    %get3A_9 = arith.constant 0 : index
    %get3A_10 = vector.load %arg3[%get3A_8, %get3A_9] : memref<128x16xf32, #tpu.memory_space<vmem>>, vector<128x16xf32>
    %dot_general3A_11 = arith.constant dense<0.000000e+00> : vector<2000x16xf32>
    %dot_general3A_12 = tpu.matmul %get3A_1, %get3A_10, %dot_general3A_11 {dimension_numbers = #tpu.dot_dimension_numbers<[1], [0], [0], [1], [0, 0, 1, 1], [], []>, transpose_lhs_hint = false} : vector<2000x128xf32>, vector<128x16xf32>, vector<2000x16xf32> -> vector<2000x16xf32>
    %swap3A_13 = arith.constant 0 : index
    %swap3A_14 = arith.constant 0 : index
    %swap3A_15 = vector.load %arg5[%swap3A_13, %swap3A_14] : memref<2000x16xf32, #tpu.memory_space<vmem>>, vector<2000x16xf32>
    tpu.vector_store %arg5[%swap3A_13, %swap3A_14], %dot_general3A_12 {strides = array<i32>} : memref<2000x16xf32, #tpu.memory_space<vmem>>, vector<2000x16xf32>,
    return
  }
  func.func @transform_0(%arg0: i32) -> (i32, i32) {
    %c0_i32 = arith.constant 0 : i32
    %c0_i32_0 = arith.constant 0 : i32
    return %arg0, %c0_i32 : i32, i32
  }
  func.func @transform_1(%arg0: i32) -> (i32, i32) {
    %c0_i32 = arith.constant 0 : i32
    %c0_i32_0 = arith.constant 0 : i32
    %c0_i32_1 = arith.constant 0 : i32
    return %c0_i32, %c0_i32_0 : i32, i32
  }
  func.func @transform_2(%arg0: i32) -> (i32, i32) {
    %c0_i32 = arith.constant 0 : i32
    %c0_i32_0 = arith.constant 0 : i32
    %c0_i32_1 = arith.constant 0 : i32
    return %c0_i32, %c0_i32_0 : i32, i32
  }
  func.func @transform_3(%arg0: i32) -> (i32, i32) {
    %c0_i32 = arith.constant 0 : i32
    %c0_i32_0 = arith.constant 0 : i32
    return %arg0, %c0_i32 : i32, i32
  }
  func.func @transform_4(%arg0: i32) -> (i32, i32) {
    %c0_i32 = arith.constant 0 : i32
    %c0_i32_0 = arith.constant 0 : i32
    return %arg0, %c0_i32 : i32, i32
  }
}

module attributes {stable_mosaic.version = 14 : i64} {
  func.func @_tc2_body(%arg0: i32, %arg1: memref<2000x80xf32, #tpu.memory_space<vmem>>, %arg2: memref<2000x80xf32, #tpu.memory_space<vmem>>, %arg3: memref<2000x80xf32, #tpu.memory_space<vmem>>, %arg4: memref<2000x16xf32, #tpu.memory_space<vmem>>, %arg5: memref<8x64xf32, #tpu.memory_space<vmem>>, %arg6: memref<64x8xf32, #tpu.memory_space<vmem>>, %arg7: memref<8x8xf32, #tpu.memory_space<vmem>>, %arg8: memref<8x8xf32, #tpu.memory_space<vmem>>, %arg9: memref<1x8xf32, #tpu.memory_space<vmem>>, %arg10: memref<2000x8xf32, #tpu.memory_space<vmem>>, %arg11: memref<2000x8xf32, #tpu.memory_space<vmem>>) attributes {dimension_semantics = [#tpu.dimension_semantics<arbitrary>], iteration_bounds = array<i64: 5>, scalar_prefetch = 0 : i64, scratch_operands = 0 : i64, tpu.core_type = #tpu.core_type<tc>, window_params = [{transform_indices = @transform_0, window_bounds = array<i64: 2000, 80>}, {transform_indices = @transform_1, window_bounds = array<i64: 2000, 80>}, {transform_indices = @transform_2, window_bounds = array<i64: 2000, 80>}, {transform_indices = @transform_3, window_bounds = array<i64: 2000, 16>}, {pipeline_mode = #tpu.pipeline_mode<synchronous>, transform_indices = @transform_4, window_bounds = array<i64: 8, 64>}, {pipeline_mode = #tpu.pipeline_mode<synchronous>, transform_indices = @transform_5, window_bounds = array<i64: 64, 8>}, {pipeline_mode = #tpu.pipeline_mode<synchronous>, transform_indices = @transform_6, window_bounds = array<i64: 8, 8>}, {pipeline_mode = #tpu.pipeline_mode<synchronous>, transform_indices = @transform_7, window_bounds = array<i64: 8, 8>}, {pipeline_mode = #tpu.pipeline_mode<synchronous>, transform_indices = @transform_8, window_bounds = array<i64: 1, 8>}, {transform_indices = @transform_9, window_bounds = array<i64: 2000, 8>}, {transform_indices = @transform_10, window_bounds = array<i64: 2000, 8>}]} {
    %get3A = arith.constant 0 : index
    %get3A_0 = arith.constant 0 : index
    %get3A_1 = vector.load %arg1[%get3A, %get3A_0] : memref<2000x80xf32, #tpu.memory_space<vmem>>, vector<2000x80xf32>
    %get3A_2 = arith.constant 0 : index
    %get3A_3 = arith.constant 0 : index
    %get3A_4 = vector.load %arg2[%get3A_2, %get3A_3] : memref<2000x80xf32, #tpu.memory_space<vmem>>, vector<2000x80xf32>
    %add3A = arith.addf %get3A_1, %get3A_4 : vector<2000x80xf32>
    %get3A_5 = arith.constant 0 : index
    %get3A_6 = arith.constant 0 : index
    %get3A_7 = vector.load %arg3[%get3A_5, %get3A_6] : memref<2000x80xf32, #tpu.memory_space<vmem>>, vector<2000x80xf32>
    %slice3A = vector.extract_strided_slice %get3A_7 {offsets = [0, 0], sizes = [2000, 64], strides = [1, 1]} : vector<2000x80xf32> to vector<2000x64xf32>
    %slice3A_8 = vector.extract_strided_slice %get3A_7 {offsets = [0, 64], sizes = [2000, 8], strides = [1, 1]} : vector<2000x80xf32> to vector<2000x8xf32>
    %get3A_9 = arith.constant 0 : index
    %get3A_10 = arith.constant 0 : index
    %get3A_11 = vector.load %arg4[%get3A_9, %get3A_10] : memref<2000x16xf32, #tpu.memory_space<vmem>>, vector<2000x16xf32>
    %slice3A_12 = vector.extract_strided_slice %get3A_11 {offsets = [0, 0], sizes = [2000, 8], strides = [1, 1]} : vector<2000x16xf32> to vector<2000x8xf32>
    %add3A_13 = arith.addf %slice3A_8, %slice3A_12 : vector<2000x8xf32>
    %mul3A = arith.constant 2.000000e-01 : f32
    %mul3A_14 = vector.broadcast %mul3A : f32 to vector<2000x8xf32>
    %mul3A_15 = arith.mulf %mul3A_14, %add3A_13 : vector<2000x8xf32>
    %max3A = arith.maximumf %add3A_13, %mul3A_15 : vector<2000x8xf32>
    %exp3A = math.exp %max3A : vector<2000x8xf32>
    %get3A_16 = arith.constant 0 : index
    %get3A_17 = arith.constant 0 : index
    %get3A_18 = vector.load %arg5[%get3A_16, %get3A_17] : memref<8x64xf32, #tpu.memory_space<vmem>>, vector<8x64xf32>
    %dot_general3A = arith.constant dense<0.000000e+00> : vector<2000x64xf32>
    %dot_general3A_19 = tpu.matmul %exp3A, %get3A_18, %dot_general3A {dimension_numbers = #tpu.dot_dimension_numbers<[1], [0], [0], [1], [0, 0, 1, 1], [], []>, transpose_lhs_hint = false} : vector<2000x8xf32>, vector<8x64xf32>, vector<2000x64xf32> -> vector<2000x64xf32>
    %slice3A_20 = vector.extract_strided_slice %add3A {offsets = [0, 0], sizes = [2000, 64], strides = [1, 1]} : vector<2000x80xf32> to vector<2000x64xf32>
    %mul3A_21 = arith.mulf %dot_general3A_19, %slice3A : vector<2000x64xf32>
    %add3A_22 = arith.addf %slice3A_20, %mul3A_21 : vector<2000x64xf32>
    %slice3A_23 = vector.extract_strided_slice %add3A {offsets = [0, 64], sizes = [2000, 8], strides = [1, 1]} : vector<2000x80xf32> to vector<2000x8xf32>
    %add3A_24 = arith.addf %slice3A_23, %exp3A : vector<2000x8xf32>
    %dot_general3A_25 = arith.constant dense<0.000000e+00> : vector<2000x64xf32>
    %dot_general3A_26 = tpu.matmul %add3A_24, %get3A_18, %dot_general3A_25 {dimension_numbers = #tpu.dot_dimension_numbers<[1], [0], [0], [1], [0, 0, 1, 1], [], []>, transpose_lhs_hint = false} : vector<2000x8xf32>, vector<8x64xf32>, vector<2000x64xf32> -> vector<2000x64xf32>
    %div3A = arith.divf %add3A_22, %dot_general3A_26 : vector<2000x64xf32>
    %get3A_27 = arith.constant 0 : index
    %get3A_28 = arith.constant 0 : index
    %get3A_29 = vector.load %arg6[%get3A_27, %get3A_28] : memref<64x8xf32, #tpu.memory_space<vmem>>, vector<64x8xf32>
    %dot_general3A_30 = arith.constant dense<0.000000e+00> : vector<2000x8xf32>
    %dot_general3A_31 = tpu.matmul %div3A, %get3A_29, %dot_general3A_30 {dimension_numbers = #tpu.dot_dimension_numbers<[1], [0], [0], [1], [0, 0, 1, 1], [], []>, transpose_lhs_hint = false} : vector<2000x64xf32>, vector<64x8xf32>, vector<2000x8xf32> -> vector<2000x8xf32>
    %get3A_32 = arith.constant 0 : index
    %get3A_33 = arith.constant 0 : index
    %get3A_34 = vector.load %arg9[%get3A_32, %get3A_33] : memref<1x8xf32, #tpu.memory_space<vmem>>, vector<1x8xf32>
    %add3A_35 = vector.broadcast %get3A_34 : vector<1x8xf32> to vector<2000x8xf32>
    %add3A_36 = arith.addf %dot_general3A_31, %add3A_35 : vector<2000x8xf32>
    %gt3A = arith.constant 0.000000e+00 : f32
    %gt3A_37 = vector.broadcast %gt3A : f32 to vector<2000x8xf32>
    %gt3A_38 = arith.cmpf ogt, %add3A_36, %gt3A_37 : vector<2000x8xf32>
    %min3A = arith.constant 0.000000e+00 : f32
    %min3A_39 = vector.broadcast %min3A : f32 to vector<2000x8xf32>
    %min3A_40 = arith.minimumf %add3A_36, %min3A_39 : vector<2000x8xf32>
    %exp3A_41 = math.exp %min3A_40 : vector<2000x8xf32>
    %sub3A = arith.constant 1.000000e+00 : f32
    %sub3A_42 = vector.broadcast %sub3A : f32 to vector<2000x8xf32>
    %sub3A_43 = arith.subf %exp3A_41, %sub3A_42 : vector<2000x8xf32>
    %select_n3A = arith.select %gt3A_38, %add3A_36, %sub3A_43 : vector<2000x8xi1>, vector<2000x8xf32>
    %get3A_44 = arith.constant 0 : index
    %get3A_45 = arith.constant 0 : index
    %get3A_46 = vector.load %arg7[%get3A_44, %get3A_45] : memref<8x8xf32, #tpu.memory_space<vmem>>, vector<8x8xf32>
    %dot_general3A_47 = arith.constant dense<0.000000e+00> : vector<2000x8xf32>
    %dot_general3A_48 = tpu.matmul %select_n3A, %get3A_46, %dot_general3A_47 {dimension_numbers = #tpu.dot_dimension_numbers<[1], [0], [0], [1], [0, 0, 1, 1], [], []>, transpose_lhs_hint = false} : vector<2000x8xf32>, vector<8x8xf32>, vector<2000x8xf32> -> vector<2000x8xf32>
    %swap3A = arith.constant 0 : index
    %swap3A_49 = arith.constant 0 : index
    %swap3A_50 = vector.load %arg10[%swap3A, %swap3A_49] : memref<2000x8xf32, #tpu.memory_space<vmem>>, vector<2000x8xf32>
    tpu.vector_store %arg10[%swap3A, %swap3A_49], %dot_general3A_48 {strides = array<i32>} : memref<2000x8xf32, #tpu.memory_space<vmem>>, vector<2000x8xf32>,
    %get3A_51 = arith.constant 0 : index
    %get3A_52 = arith.constant 0 : index
    %get3A_53 = vector.load %arg8[%get3A_51, %get3A_52] : memref<8x8xf32, #tpu.memory_space<vmem>>, vector<8x8xf32>
    %dot_general3A_54 = arith.constant dense<0.000000e+00> : vector<2000x8xf32>
    %dot_general3A_55 = tpu.matmul %select_n3A, %get3A_53, %dot_general3A_54 {dimension_numbers = #tpu.dot_dimension_numbers<[1], [0], [0], [1], [0, 0, 1, 1], [], []>, transpose_lhs_hint = false} : vector<2000x8xf32>, vector<8x8xf32>, vector<2000x8xf32> -> vector<2000x8xf32>
    %swap3A_56 = arith.constant 0 : index
    %swap3A_57 = arith.constant 0 : index
    %swap3A_58 = vector.load %arg11[%swap3A_56, %swap3A_57] : memref<2000x8xf32, #tpu.memory_space<vmem>>, vector<2000x8xf32>
    tpu.vector_store %arg11[%swap3A_56, %swap3A_57], %dot_general3A_55 {strides = array<i32>} : memref<2000x8xf32, #tpu.memory_space<vmem>>, vector<2000x8xf32>,
    return
  }
  func.func @transform_0(%arg0: i32) -> (i32, i32) {
    %c0_i32 = arith.constant 0 : i32
    %c0_i32_0 = arith.constant 0 : i32
    return %arg0, %c0_i32 : i32, i32
  }
  func.func @transform_1(%arg0: i32) -> (i32, i32) {
    %c0_i32 = arith.constant 0 : i32
    %c0_i32_0 = arith.constant 0 : i32
    return %arg0, %c0_i32 : i32, i32
  }
  func.func @transform_2(%arg0: i32) -> (i32, i32) {
    %c0_i32 = arith.constant 0 : i32
    %c0_i32_0 = arith.constant 0 : i32
    return %arg0, %c0_i32 : i32, i32
  }
  func.func @transform_3(%arg0: i32) -> (i32, i32) {
    %c0_i32 = arith.constant 0 : i32
    %c0_i32_0 = arith.constant 0 : i32
    return %arg0, %c0_i32 : i32, i32
  }
  func.func @transform_4(%arg0: i32) -> (i32, i32) {
    %c0_i32 = arith.constant 0 : i32
    %c0_i32_0 = arith.constant 0 : i32
    %c0_i32_1 = arith.constant 0 : i32
    return %c0_i32, %c0_i32_0 : i32, i32
  }
  func.func @transform_5(%arg0: i32) -> (i32, i32) {
    %c0_i32 = arith.constant 0 : i32
    %c0_i32_0 = arith.constant 0 : i32
    %c0_i32_1 = arith.constant 0 : i32
    return %c0_i32, %c0_i32_0 : i32, i32
  }
  func.func @transform_6(%arg0: i32) -> (i32, i32) {
    %c0_i32 = arith.constant 0 : i32
    %c0_i32_0 = arith.constant 0 : i32
    %c0_i32_1 = arith.constant 0 : i32
    return %c0_i32, %c0_i32_0 : i32, i32
  }
  func.func @transform_7(%arg0: i32) -> (i32, i32) {
    %c0_i32 = arith.constant 0 : i32
    %c0_i32_0 = arith.constant 0 : i32
    %c0_i32_1 = arith.constant 0 : i32
    return %c0_i32, %c0_i32_0 : i32, i32
  }
  func.func @transform_8(%arg0: i32) -> (i32, i32) {
    %c0_i32 = arith.constant 0 : i32
    %c0_i32_0 = arith.constant 0 : i32
    %c0_i32_1 = arith.constant 0 : i32
    return %c0_i32, %c0_i32_0 : i32, i32
  }
  func.func @transform_9(%arg0: i32) -> (i32, i32) {
    %c0_i32 = arith.constant 0 : i32
    %c0_i32_0 = arith.constant 0 : i32
    return %arg0, %c0_i32 : i32, i32
  }
  func.func @transform_10(%arg0: i32) -> (i32, i32) {
    %c0_i32 = arith.constant 0 : i32
    %c0_i32_0 = arith.constant 0 : i32
    return %arg0, %c0_i32 : i32, i32
  }
}

module attributes {stable_mosaic.version = 14 : i64} {
  func.func @_tc3_body(%arg0: i32, %arg1: memref<2000x8xf32, #tpu.memory_space<vmem>>, %arg2: memref<2000x8xf32, #tpu.memory_space<vmem>>, %arg3: memref<2000x8xf32, #tpu.memory_space<vmem>>, %arg4: memref<2000x8xf32, #tpu.memory_space<vmem>>, %arg5: memref<1x7xf32, #tpu.memory_space<vmem>>, %arg6: memref<2000x7xf32, #tpu.memory_space<vmem>>) attributes {dimension_semantics = [#tpu.dimension_semantics<arbitrary>], iteration_bounds = array<i64: 5>, scalar_prefetch = 0 : i64, scratch_operands = 0 : i64, tpu.core_type = #tpu.core_type<tc>, window_params = [{transform_indices = @transform_0, window_bounds = array<i64: 2000, 8>}, {transform_indices = @transform_1, window_bounds = array<i64: 2000, 8>}, {transform_indices = @transform_2, window_bounds = array<i64: 2000, 8>}, {transform_indices = @transform_3, window_bounds = array<i64: 2000, 8>}, {pipeline_mode = #tpu.pipeline_mode<synchronous>, transform_indices = @transform_4, window_bounds = array<i64: 1, 7>}, {transform_indices = @transform_5, window_bounds = array<i64: 2000, 7>}]} {
    %get3A = arith.constant 0 : index
    %get3A_0 = arith.constant 0 : index
    %get3A_1 = vector.load %arg1[%get3A, %get3A_0] : memref<2000x8xf32, #tpu.memory_space<vmem>>, vector<2000x8xf32>
    %get3A_2 = arith.constant 0 : index
    %get3A_3 = arith.constant 0 : index
    %get3A_4 = vector.load %arg2[%get3A_2, %get3A_3] : memref<2000x8xf32, #tpu.memory_space<vmem>>, vector<2000x8xf32>
    %add3A = arith.addf %get3A_1, %get3A_4 : vector<2000x8xf32>
    %get3A_5 = arith.constant 0 : index
    %get3A_6 = arith.constant 0 : index
    %get3A_7 = vector.load %arg3[%get3A_5, %get3A_6] : memref<2000x8xf32, #tpu.memory_space<vmem>>, vector<2000x8xf32>
    %slice3A = vector.extract_strided_slice %get3A_7 {offsets = [0, 0], sizes = [2000, 7], strides = [1, 1]} : vector<2000x8xf32> to vector<2000x7xf32>
    %slice3A_8 = vector.extract_strided_slice %get3A_7 {offsets = [0, 7], sizes = [2000, 1], strides = [1, 1]} : vector<2000x8xf32> to vector<2000x1xf32>
    %get3A_9 = arith.constant 0 : index
    %get3A_10 = arith.constant 0 : index
    %get3A_11 = vector.load %arg4[%get3A_9, %get3A_10] : memref<2000x8xf32, #tpu.memory_space<vmem>>, vector<2000x8xf32>
    %slice3A_12 = vector.extract_strided_slice %get3A_11 {offsets = [0, 0], sizes = [2000, 1], strides = [1, 1]} : vector<2000x8xf32> to vector<2000x1xf32>
    %add3A_13 = arith.addf %slice3A_8, %slice3A_12 : vector<2000x1xf32>
    %mul3A = arith.constant 2.000000e-01 : f32
    %mul3A_14 = vector.broadcast %mul3A : f32 to vector<2000x1xf32>
    %mul3A_15 = arith.mulf %mul3A_14, %add3A_13 : vector<2000x1xf32>
    %max3A = arith.maximumf %add3A_13, %mul3A_15 : vector<2000x1xf32>
    %exp3A = math.exp %max3A : vector<2000x1xf32>
    %slice3A_16 = vector.extract_strided_slice %add3A {offsets = [0, 0], sizes = [2000, 7], strides = [1, 1]} : vector<2000x8xf32> to vector<2000x7xf32>
    %mul3A_17 = vector.broadcast %exp3A : vector<2000x1xf32> to vector<2000x7xf32>
    %mul3A_18 = arith.mulf %mul3A_17, %slice3A : vector<2000x7xf32>
    %add3A_19 = arith.addf %slice3A_16, %mul3A_18 : vector<2000x7xf32>
    %slice3A_20 = vector.extract_strided_slice %add3A {offsets = [0, 7], sizes = [2000, 1], strides = [1, 1]} : vector<2000x8xf32> to vector<2000x1xf32>
    %add3A_21 = arith.addf %slice3A_20, %exp3A : vector<2000x1xf32>
    %div3A = vector.broadcast %add3A_21 : vector<2000x1xf32> to vector<2000x7xf32>
    %div3A_22 = arith.divf %add3A_19, %div3A : vector<2000x7xf32>
    %get3A_23 = arith.constant 0 : index
    %get3A_24 = arith.constant 0 : index
    %get3A_25 = vector.load %arg5[%get3A_23, %get3A_24] : memref<1x7xf32, #tpu.memory_space<vmem>>, vector<1x7xf32>
    %add3A_26 = vector.broadcast %get3A_25 : vector<1x7xf32> to vector<2000x7xf32>
    %add3A_27 = arith.addf %div3A_22, %add3A_26 : vector<2000x7xf32>
    %reduce_max3A = arith.constant dense<0xFF800000> : vector<2000xf32>
    %reduce_max3A_28 = vector.multi_reduction <maximumf>, %add3A_27, %reduce_max3A [1] : vector<2000x7xf32> to vector<2000xf32>
    %broadcast_in_dim3A = vector.shape_cast %reduce_max3A_28 : vector<2000xf32> to vector<2000x1xf32>
    %sub3A = vector.broadcast %broadcast_in_dim3A : vector<2000x1xf32> to vector<2000x7xf32>
    %sub3A_29 = arith.subf %add3A_27, %sub3A : vector<2000x7xf32>
    %exp3A_30 = math.exp %sub3A_29 : vector<2000x7xf32>
    %reduce_sum3A = arith.constant dense<0.000000e+00> : vector<2000xf32>
    %reduce_sum3A_31 = vector.multi_reduction <add>, %exp3A_30, %reduce_sum3A [1] : vector<2000x7xf32> to vector<2000xf32>
    %broadcast_in_dim3A_32 = vector.shape_cast %reduce_sum3A_31 : vector<2000xf32> to vector<2000x1xf32>
    %log3A = math.log %broadcast_in_dim3A_32 : vector<2000x1xf32>
    %sub3A_33 = vector.broadcast %log3A : vector<2000x1xf32> to vector<2000x7xf32>
    %sub3A_34 = arith.subf %sub3A_29, %sub3A_33 : vector<2000x7xf32>
    %swap3A = arith.constant 0 : index
    %swap3A_35 = arith.constant 0 : index
    %swap3A_36 = vector.load %arg6[%swap3A, %swap3A_35] : memref<2000x7xf32, #tpu.memory_space<vmem>>, vector<2000x7xf32>
    tpu.vector_store %arg6[%swap3A, %swap3A_35], %sub3A_34 {strides = array<i32>} : memref<2000x7xf32, #tpu.memory_space<vmem>>, vector<2000x7xf32>,
    return
  }
  func.func @transform_0(%arg0: i32) -> (i32, i32) {
    %c0_i32 = arith.constant 0 : i32
    %c0_i32_0 = arith.constant 0 : i32
    return %arg0, %c0_i32 : i32, i32
  }
  func.func @transform_1(%arg0: i32) -> (i32, i32) {
    %c0_i32 = arith.constant 0 : i32
    %c0_i32_0 = arith.constant 0 : i32
    return %arg0, %c0_i32 : i32, i32
  }
  func.func @transform_2(%arg0: i32) -> (i32, i32) {
    %c0_i32 = arith.constant 0 : i32
    %c0_i32_0 = arith.constant 0 : i32
    return %arg0, %c0_i32 : i32, i32
  }
  func.func @transform_3(%arg0: i32) -> (i32, i32) {
    %c0_i32 = arith.constant 0 : i32
    %c0_i32_0 = arith.constant 0 : i32
    return %arg0, %c0_i32 : i32, i32
  }
  func.func @transform_4(%arg0: i32) -> (i32, i32) {
    %c0_i32 = arith.constant 0 : i32
    %c0_i32_0 = arith.constant 0 : i32
    %c0_i32_1 = arith.constant 0 : i32
    return %c0_i32, %c0_i32_0 : i32, i32
  }
  func.func @transform_5(%arg0: i32) -> (i32, i32) {
    %c0_i32 = arith.constant 0 : i32
    %c0_i32_0 = arith.constant 0 : i32
    return %arg0, %c0_i32 : i32, i32
  }
}

</mosaic_0001>

<sc_bundles>
// kernel: kernel.10.cloned.1.call-start
scs
__scs_entry_jumppad:
0x0: {  	(pc) =	sbr.rel $0x88, $3  }
0x1: {  	(tag) =	ssettag $0x0;
	lr =	simm.s32 $0x1  }
0x2: {  	[smem:$0x3F97] =	sst lr;
	_ =	strace $0xD0000000  }
0x3: {  	_ = 	snop  }
0x4: {  	_ = 	snop  }
0x5: {  	_ = 	snop  }
0x6: {  	_ = 	snop  }
0x7: {  	_ = 	snop  }
__scs_overlays_trampoline_lowered:
0x8: {  	[smem:$0x3FA6] =	sst s0  }
0x9: {  	[smem:$0x3FA7] =	sst s1  }
0xa: {  	[smem:$0x3FA8] =	sst s2  }
0xb: {  	[smem:$0x3FA9] =	sst s3  }
0xc: {  	[smem:$0x3FAA] =	sst s4  }
0xd: {  	[smem:$0x3FAB] =	sst s5  }
0xe: {  	[smem:$0x3FAC] =	sst s6  }
0xf: {  	[smem:$0x3FAD] =	sst s7  }
0x10: {  	[smem:$0x3FAE] =	sst s8  }
0x11: {  	[smem:$0x3FAF] =	sst s9;
	s0 =	simm.s32 @!p0 $0x0  }
0x12: {  	s1 =	sld [smem:$0x3F95];
	s0 =	simm.s32 @p0 $0x1  }
0x13: {  	[smem:$0x3FB0] =	sst s0;
	s0 =	simm.s32 @!p1 $0x0  }
0x14: {  	s2 =	sld [smem:$0x3F94];
	s0 =	simm.s32 @p1 $0x1  }
0x15: {  	[smem:$0x3FB1] =	sst s0;
	s0 =	simm.s32 @!p2 $0x0  }
0x16: {  	s3 =	sld [smem:$0x3FDB];
	s0 =	simm.s32 @p2 $0x1  }
0x17: {  	s4 =	simm.s32 $0x1BF5;
	[smem:$0x3FB3] =	sst s0  }
0x18: {  	s0 =	sld [smem:$0x3F96];
	_ =	swait.ge [sflag:s4], $0x0  }
0x19: {  	s7 =	sld [smem:$0x3F97]  }
0x1a: {  	s8 =	sadd.s32 $0xFFFFE003, lr  }
0x1b: {  	s9 =	sadd.s32 $0xFFFFFEF7, lr;
	s5 =	simm.s32 $0xFFFFFFFF;
	p2 =	slt.u32 s8, $0xFFFFF086  }
0x1c: {  	p1 =	slt.u32 s9, $0xF7A;
	s5 =	simm.s32 @!p2 $0x0  }
0x1d: {  	s5 =	simm.s32 @p1 $0x1;
	p0 =	seq.s32 s7, s2  }
0x1e: {  	s7 =	smul.u32 @!p0 $0xF7A, s2;
	p2 =	seq.s32 @!p0 s5, $0x0  }
0x1f: {  	s9 =	smul.u32 $0xF7A, s1;
	s8 =	simm.s32 @!p0 $0x1BF5;
	p2 =	por !p2, p0  }
0x20: {  	[sflag:s8] =	ssyncset.s32 @!p0 $0xFFFFF086;
	s6 =	sadd.s32 @!p0 s3, s7;
	s7 =	simm.s32 @!p0 $0x108  }
0x21: {  	s3 =	sadd.s32 s3, s9;
	s6 =	sadd.s32 @!p0 $0x88, s6;
	s7 =	simm.s32 @p2 $0x1082  }
0x22: {  	[simem:s7], [sflag:s8] =	dma.local @!p0 [hbm:s6], $0xF7A  }
0x23: {  	s9 =	sor.u32 $0xD0000000, s2;
	s6 =	simm.s32 $0x108;
	_ =	swait.ge @!p0 [sflag:s8], $0x0  }
0x24: {  	s3 =	sadd.s32 $0x88, s3;
	s6 =	simm.s32 @!p1 $0x1082;
	[sflag:s4] =	ssyncset.s32 $0xFFFFF086  }
0x25: {  	[simem:s6], [sflag:s4] =	dma.local [hbm:s3], $0xF7A  }
0x26: {  	[smem:$0x3F97] =	sst s1;
	(tag) =	ssettag s2;
	_ =	strace s9  }
0x27: {  	s1 =	sld [smem:$0x3FA7]  }
0x28: {  	s2 =	sld [smem:$0x3FA8]  }
0x29: {  	s4 =	sld [smem:$0x3FAA]  }
0x2a: {  	p0 =	seq.s32 s5, $0x0;
	s5 =	sld [smem:$0x3FAB]  }
0x2b: {  	s6 =	sld [smem:$0x3FAC]  }
0x2c: {  	s7 =	sld [smem:$0x3FAD]  }
0x2d: {  	s3 =	simm.s32 $0x108;
	s8 =	sld [smem:$0x3FAE]  }
0x2e: {  	s3 =	simm.s32 @!p0 $0x1082;
	s9 =	sld [smem:$0x3FAF]  }
0x2f: {  	lr =	sadd.s32 s0, s3;
	s0 =	sld [smem:$0x3FA6]  }
0x30: {  	s3 =	sld [smem:$0x3FA9]  }
0x31: {  	[smem:$0x3FB2] =	sst s10  }
0x32: {  	s10 =	sld [smem:$0x3FB0];
	_ =	sdelay $0x3  }
0x33: {  	p0 =	seq.s32 s10, $0x1;
	s10 =	sld [smem:$0x3FB2];
	_ =	sdelay $0x3  }
0x34: {  	[smem:$0x3FB2] =	sst s10  }
0x35: {  	s10 =	sld [smem:$0x3FB1];
	_ =	sdelay $0x3  }
0x36: {  	p1 =	seq.s32 s10, $0x1;
	s10 =	sld [smem:$0x3FB2];
	_ =	sdelay $0x3  }
0x37: {  	[smem:$0x3FB2] =	sst s10  }
0x38: {  	s10 =	sld [smem:$0x3FB3]  }
0x39: {  	_ = 	snop;
	(pc) =	sbr.ind lr, $3  }
0x3a: {  	_ = 	snop  }
0x3b: {  	_ = 	snop  }
0x3c: {  	p2 =	seq.s32 s10, $0x1;
	s10 =	sld [smem:$0x3FB2]  }
0x3d: {  	_ =	shalt  }
0x3e: {  	_ =	shalt  }
0x3f: {  	_ =	shalt  }
0x40: {  	_ =	shalt  }
0x41: {  	_ =	shalt  }
0x42: {  	_ =	shalt  }
0x43: {  	_ =	shalt  }
0x44: {  	_ =	shalt  }
0x45: {  	_ =	shalt  }
0x46: {  	_ =	shalt  }
0x47: {  	_ =	shalt  }
0x48: {  	_ =	shalt  }
0x49: {  	_ =	shalt  }
0x4a: {  	_ =	shalt  }
0x4b: {  	_ =	shalt  }
0x4c: {  	_ =	shalt  }
0x4d: {  	_ =	shalt  }
0x4e: {  	_ =	shalt  }
0x4f: {  	_ =	shalt  }
0x50: {  	_ =	shalt  }
0x51: {  	_ =	shalt  }
0x52: {  	_ =	shalt  }
0x53: {  	_ =	shalt  }
0x54: {  	_ =	shalt  }
0x55: {  	_ =	shalt  }
0x56: {  	_ =	shalt  }
0x57: {  	_ =	shalt  }
0x58: {  	_ =	shalt  }
0x59: {  	_ =	shalt  }
0x5a: {  	_ =	shalt  }
0x5b: {  	_ =	shalt  }
0x5c: {  	_ =	shalt  }
0x5d: {  	_ =	shalt  }
0x5e: {  	_ =	shalt  }
0x5f: {  	_ =	shalt  }
0x60: {  	_ =	shalt  }
0x61: {  	_ =	shalt  }
0x62: {  	_ =	shalt  }
0x63: {  	_ =	shalt  }
0x64: {  	_ =	shalt  }
0x65: {  	_ =	shalt  }
0x66: {  	_ =	shalt  }
0x67: {  	_ =	shalt  }
0x68: {  	_ =	shalt  }
0x69: {  	_ =	shalt  }
0x6a: {  	_ =	shalt  }
0x6b: {  	_ =	shalt  }
0x6c: {  	_ =	shalt  }
0x6d: {  	_ =	shalt  }
0x6e: {  	_ =	shalt  }
0x6f: {  	_ =	shalt  }
0x70: {  	_ =	shalt  }
0x71: {  	_ =	shalt  }
0x72: {  	_ =	shalt  }
0x73: {  	_ =	shalt  }
0x74: {  	_ =	shalt  }
0x75: {  	_ =	shalt  }
0x76: {  	_ =	shalt  }
0x77: {  	_ =	shalt  }
0x78: {  	_ =	shalt  }
0x79: {  	_ =	shalt  }
0x7a: {  	_ =	shalt  }
0x7b: {  	_ =	shalt  }
0x7c: {  	_ =	shalt  }
0x7d: {  	_ =	shalt  }
0x7e: {  	_ =	shalt  }
0x7f: {  	_ =	shalt  }
0x80: {  	_ =	shalt  }
0x81: {  	_ =	shalt  }
0x82: {  	_ =	shalt  }
0x83: {  	_ =	shalt  }
0x84: {  	_ =	shalt  }
0x85: {  	_ =	shalt  }
0x86: {  	_ =	shalt  }
0x87: {  	_ =	shalt  }
.Lfunc_end0:
.L_simem_size_0:
called_computation.1_lowered:
.L_overlay_start_0:
0x88: {  	s2 =	sld [smem:$0x3FD9]  }
0x89: {  	s3 =	sld [smem:$0x3FFE];
	_ =	sdelay $0x1  }
0x8a: {  	s1 =	srdreg.scid  }
0x8b: {  	s0 =	sand.u32 $0x1, s1  }
0x8c: {  	s17 =	sshll.u32 s0, $0xA;
	s2 =	sadd.s32 s3, s2  }
0x8d: {  	s2 =	sadd.s32 s2, s17  }
0x8e: {  	[smem:$0x3FBE] =	sst s2  }
0x8f: {  	_ = 	snop  }
0x90: {  	s2 =	sld [smem:$0x3FD0];
	(tm) =	ssettm $0x1  }
0x91: {  	s18 =	sld [smem:$0x3FFB];
	_ =	sdelay $0x3  }
0x92: {  	_ =	strace s18  }
0x93: {  	s3 =	sld [smem:$0x3FFC];
	_ =	sdelay $0x3  }
0x94: {  	_ =	strace s3  }
0x95: {  	s3 =	sld [smem:$0x3FFD];
	_ =	sdelay $0x3  }
0x96: {  	_ =	strace s3  }
0x97: {  	_ =	strace $0x8FFFFFFF  }
0x98: {  	s19 =	sld [smem:$0x3FDB];
	_ =	sdelay $0x1  }
0x99: {  	s4 =	simm.s32 $_scs_section_size  }
0x9a: {  	s5 =	simm.s32 $_size__tile_overlayer_lowered;
	s6 =	simm.s32 $_tile_overlayer_lowered  }
0x9b: {  	s22 =	simm.s32 $0x1BFF;
	s21 =	sshll.u32 s6, $0x1;
	s3 =	sadd.s32 s4, s19  }
0x9c: {  	s7 =	simm.s32 $0x0;
	s20 =	sshll.u32 s5, $0x1;
	s5 =	sadd.s32 s21, s3  }
0x9d: {  	[timem:s7], [sflag:s22] =	dma.local [hbm:s5], s20  }
0x9e: {  	_ =	swait.ge [sflag:s22], s20  }
0x9f: {  	s4 =	ssub.s32 $0x0, s20;
	[sflag:s22] =	ssyncset.done $0x0  }
0xa0: {  	[sflag:s22] =	ssyncadd.s32 s4;
	_ =	sdelay $0x1  }
0xa1: {  	s23 =	simm.s32 $0x1B8B  }
0xa2: {  	_ =	swait.ge [sflag:s23], $0x1  }
0xa3: {  	[sflag:s23] =	ssyncset.done $0x0  }
0xa4: {  	s25 =	simm.s32 $0x1B8E;
	s24 =	sld [smem:$0x3FFE];
	[sflag:s23] =	ssyncadd.s32 $0xFFFFFFFF  }
0xa5: {  	s26 =	simm.s32 $execute0_lowered;
	[smem:$0x3FD2] =	sst s25  }
0xa6: {  	s5 =	sshll.u32 s26, $0x1;
	_ =	strace $0x80000049;
	[dreg:$0x1] =	wrdreg $0xFFFFFFFF  }
0xa7: {  	s28 =	simm.s32 $_size_execute0_lowered;
	s3 =	sadd.s32 s3, s5;
	[dreg:$0x0] =	wrdreg $0x0  }
0xa8: {  	s5 =	sshll.u32 s28, $0x1;
	[dreg:$0x2] =	wrdreg s3  }
0xa9: {  	[dreg:$0x3] =	wrdreg s5  }
0xaa: {  	[dreg:$0x4] =	wrdreg $0xC0  }
0xab: {  	_ =	task [dreg:s7], $0x5FFFF  }
0xac: {  	[dreg:$0x1] =	wrdreg $0xFFFFFFFF  }
0xad: {  	[dreg:$0x0] =	wrdreg $0x60  }
0xae: {  	[dreg:$0x2] =	wrdreg s24  }
0xaf: {  	[dreg:$0x3] =	wrdreg s2  }
0xb0: {  	[dreg:$0x4] =	wrdreg $0x1B2B00  }
0xb1: {  	[dreg:$0x5] =	wrdreg $0x9  }
0xb2: {  	_ =	task.clear_ibuf [dreg:s7], $0x6FFFF;
	_ =	strace $0x90000049  }
0xb3: {  	s29 =	simm.s32 $0x9;
	_ =	strace $0x8000004B  }
0xb4: {  	_ =	swait.ge [sflag:s29], $0x1  }
0xb5: {  	[sflag:s29] =	ssyncadd.s32 $0xFFFFFFFF  }
0xb6: {  	_ =	strace $0x9000004B  }
0xb7: {  	_ =	sfence  }
0xb8: {  	s30 =	sld [smem:$0x0];
	_ =	sdelay $0x2  }
0xb9: {  	s31 =	sshll.u32 s1, $0xD;
	s1 =	sshrl.u32 s1, $0x2  }
0xba: {  	s3 =	sand.u32 $0x4000, s31;
	s1 =	sadd.s32 s1, s30  }
0xbb: {  	s0 =	sor.u32 s3, s0;
	s1 =	sshll.u32 s1, $0x11  }
0xbc: {  	s0 =	sor.u32 s1, s0  }
0xbd: {  	s0 =	sadd.s32 $0x8F2B, s0  }
0xbe: {  	[sflag:s0] =	ssyncadd.remote.s32 $0x1  }
0xbf: {  	_ =	sfence.sel $0xFFFF  }
0xc0: {  	[dreg:$0x0] =	wrdreg $0xFFFFFFFF;
	(pc) =	sbr.abs _section_cstart, $3  }
0xc1: {  	[dreg:$0x1] =	wrdreg $0xFFFFFFFF  }
0xc2: {  	_ =	task.clear_ibuf [dreg:s7], $0x2FFFF;
	_ =	strace $0x9FFFFFFF  }
0xc3: {  	(tm) =	ssettm $0x7FFFFFFF  }
tec
execute0_lowered:
.L_overlay_start_1:
0x0: {  	(tag) =	ssettag $0x1  }
0x1: {  	s0 =	rddreg [dreg:$0x0];
	s1 =	srdreg.scid  }
0x2: {  	s3 =	rddreg [dreg:$0x2];
	s17 =	stileid.u32  }
0x3: {  	s4 =	simm.s32 $0x0;
	s18 =	simm.s32 $0x3;
	s8 =	smul.u32 $0x1900, s17  }
0x4: {  	s28 =	simm.s32 $0x2;
	s9 =	sor.u32 $0x10, s17;
	s15 =	smul.u32 $0x640, s17  }
0x5: {  	s29 =	simm.s32 $0x0;
	s10 =	sor.u32 $0x20, s17;
	s21 =	smul.u32 $0x1900, s9  }
0x6: {  	s1 =	sand.u32 $0x1, s1;
	s13 =	sor.u32 $0x30, s17;
	s12 =	smul.u32 $0x1900, s10  }
0x7: {  	[smem:$0x7FF] =	sst s4;
	s5 =	sadd.s32 $0x29000, s0;
	s14 =	smul.u32 $0x1900, s13  }
0x8: {  	s2 =	sshll.u32 s1, $0x4;
	s19 =	ssub.s32 $0x2, s1;
	s1 =	smul.u32 $0x13880, s1  }
0x9: {  	s6 =	sadd.s32 $0x29600, s0;
	s22 =	sshll.u32 s17, $0x6;
	s9 =	smul.u32 $0x640, s9  }
0xa: {  	p0 =	sgt.u32 s17, $0x1;
	_ =	strace $0x8000004A;
	s10 =	smul.u32 $0x640, s10  }
0xb: {  	[dreg:$0x4] =	wrdreg s5;
	s13 =	smul.u32 $0x640, s13;
	s2 =	sor.u32 s17, s2  }
0xc: {  	s7 =	sshrl.u32 s19, $0x1;
	s20 =	sshrl.u32 s8, $0x2;
	s2 =	smul.u32 $0x4E2, s2  }
0xd: {  	s5 =	ssub.s32 s19, s7;
	s11 =	sadd.s32 s20, s3;
	s8 =	sshrl.u32 s21, $0x2  }
0xe: {  	s7 =	sor.u32 $0x1C03, s22;
	s12 =	sshrl.u32 s12, $0x2;
	s14 =	sshrl.u32 s14, $0x2  }
0xf: {  	s25 =	sadd.s32 s15, s1;
	s30 =	sadd.s32 s1, s9;
	s31 =	sadd.s32 s1, s10  }
0x10: {  	s1 =	sadd.s32 s1, s13;
	s20 =	simm.s32 $0x4E20;
	s21 =	simm.s32 $0x186A0  }
0x11: {  	s22 =	simm.s32 $0x1ADB0;
	s8 =	sadd.s32 s8, s3;
	s12 =	sadd.s32 s12, s3  }
0x12: {  	s23 =	sadd.s32 s14, s3;
	s26 =	sshrl.u32 s25, $0x3;
	s9 =	sshrl.u32 s31, $0x3  }
0x13: {  	s1 =	sshrl.u32 s1, $0x3;
	s16 =	smax.u32 s5, $0x1;
	s17 =	sshrl.u32 s11, $0x3  }
0x14: {  	s25 =	simm.s32 $0x1;
	s2 =	sadd.s32 s2, s0;
	[dreg:$0x5] =	wrdreg s12  }
0x15: {  	s0 =	sadd.s32 $0x29800, s0;
	[dreg:$0x6] =	wrdreg s23;
	s19 =	sshrl.u32 s8, $0x3  }
0x16: {  	s23 =	simm.s32 $0x50;
	s24 =	sadd.s32 $0x6DA00, s2;
	s2 =	sadd.s32 $0x77800, s2  }
0x17: {  	s14 =	sadd.s32 s0, s9;
	[dreg:$0x8] =	wrdreg s2;
	s2 =	sadd.s32 s0, s26  }
0x18: {  	v0 =	vlaneseq.u32;
	s15 =	sadd.s32 s0, s1;
	[dreg:$0x9] =	wrdreg s2;
	s2 =	sshrl.u32 s30, $0x3  }
0x19: {  	v0 =	vmul.u32 $0x8, v0;
	[dreg:$0x7] =	wrdreg s24;
	s24 =	simm.s32 $0x1B030;
	s13 =	sadd.s32 s0, s2  }
.LBB2_1:
0x1a: {  	[spmem:s17], [sflag:s7] =	dma.local [hbm:s6], $0xC8  }
0x1b: {  	_ =	swait.ge [sflag:s18], $0xC8  }
0x1c: {  	[sflag:s18] =	ssyncset.done $0x0  }
0x1d: {  	[sflag:s18] =	ssyncadd.s32 $0xFFFFFF38  }
0x1e: {  	[spmem:s19], [sflag:s7] =	dma.local [hbm:s6], $0xC8  }
0x1f: {  	_ =	swait.ge [sflag:s18], $0xC8  }
0x20: {  	[sflag:s18] =	ssyncset.done $0x0;
	s0 =	rddreg [dreg:$0x5]  }
0x21: {  	[sflag:s18] =	ssyncadd.s32 $0xFFFFFF38;
	s30 =	sshrl.u32 s0, $0x3  }
0x22: {  	[spmem:s30], [sflag:s7] =	dma.local [hbm:s6], $0xC8  }
0x23: {  	_ =	swait.ge [sflag:s18], $0xC8  }
0x24: {  	[sflag:s18] =	ssyncset.done $0x0;
	s0 =	rddreg [dreg:$0x6]  }
0x25: {  	[sflag:s18] =	ssyncadd.s32 $0xFFFFFF38;
	s31 =	sshrl.u32 @!p0 s0, $0x3;
	s0 =	simm.s32 @!p0 $0x3  }
0x26: {  	[spmem:s31], [sflag:s7] =	dma.local @!p0 [hbm:s6], $0xC8  }
0x27: {  	_ =	swait.ge @!p0 [sflag:s0], $0xC8  }
0x28: {  	[sflag:s0] =	ssyncset.done @!p0 $0x0  }
0x29: {  	s9 =	rddreg [dreg:$0x7];
	[sflag:s0] =	ssyncadd.s32 @!p0 $0xFFFFFF38  }
0x2a: {  	[tilespmem:s4], [sflag:$0x3] =	stream.linear.gather [hbm4b:s9+s4], $0x2710, $0x38;
	[tilespmem:$0x1C638] =	vst v63  }
0x2b: {  	_ =	swait.ge [sflag:s18], $0x2710  }
0x2c: {  	[sflag:s18] =	ssyncset.done $0x0  }
0x2d: {  	s11 =	simm.s32 $0x2710;
	s10 =	rddreg [dreg:$0x8];
	[sflag:s18] =	ssyncadd.s32 $0xFFFFD8F0  }
0x2e: {  	[tilespmem:s11], [sflag:$0x3] =	stream.linear.gather [hbm4b:s10+s4], $0x2710, $0x38;
	[tilespmem:$0x1C638] =	vst v63  }
0x2f: {  	_ =	swait.ge [sflag:s18], $0x2710  }
0x30: {  	[sflag:s18] =	ssyncset.done $0x0  }
0x31: {  	[sflag:s18] =	ssyncadd.s32 $0xFFFFD8F0  }
0x32: {  	s12 =	rddreg [dreg:$0x1]  }
0x33: {  	[tilespmem:s20], [sflag:$0x3] =	stream.linear.gather [hbm4b:s12+s4], $0x13880, $0x38;
	[tilespmem:$0x1C638] =	vst v63  }
0x34: {  	_ =	swait.ge [sflag:s18], $0x13880  }
0x35: {  	[sflag:s18] =	ssyncset.done $0x0  }
0x36: {  	s26 =	rddreg [dreg:$0x4];
	[sflag:s18] =	ssyncadd.s32 $0xFFFEC780  }
0x37: {  	[tilespmem:s21], [sflag:$0x3] =	stream.linear.gather [hbm4b:s26+s4], $0x2710, $0x38;
	[tilespmem:$0x1C638] =	vst v63  }
0x38: {  	_ =	swait.ge [sflag:s18], $0x2710  }
0x39: {  	[sflag:s18] =	ssyncset.done $0x0  }
0x3a: {  	s1 =	simm.s32 $0x2760;
	s2 =	simm.s32 $0x50;
	[sflag:s18] =	ssyncadd.s32 $0xFFFFD8F0  }
0x3b: {  	s5 =	simm.s32 $0x0;
	s10 =	simm.s32 $0x0;
	[bflag:$0x0] =	sbarrier.arrive $0xFFFF  }
.LBB2_2:
0x3c: {  	p1 =	seq.s32 s5, $0x0  }
0x3d: {  	s0 =	simm.s32 @!p1 $0x1  }
0x3e: {  	_ =	swait.ge @!p1 [sflag:s0], $0x280  }
0x3f: {  	[sflag:s0] =	ssyncset.done @!p1 $0x0  }
0x40: {  	[sflag:s0] =	ssyncadd.s32 @!p1 $0xFFFFFD80  }
0x41: {  	v1 =	vld [tilespmem:s10+$0x0];
	_ =	sdelay $0x1  }
0x42: {  	v2 =	vld [tilespmem:s11+$0x0];
	_ =	sdelay $0x2  }
0x43: {  	v3 =	vshll.u32 v1, $0x3  }
0x44: {  	v1 =	vor.u32 $0x7, v3;
	_ =	sdelay $0x3  }
0x45: {  	v2 =	vld.idx.msk [tilespmem:v2+s21+$0x0], $0xffff  }
0x46: {  	v1 =	vld.idx.msk [tilespmem:v1+s20+$0x0], $0xffff;
	_ =	sdelay $0x4  }
0x47: {  	v1 =	vadd.f32 v2, v1;
	_ =	sdelay $0x1  }
0x48: {  	v2 =	vmul.f32 $2.000000030e-01, v1;
	_ =	sdelay $0x1  }
0x49: {  	v1 =	vmax.f32 v1, v2  }
0x4a: {  	v1 =	vmul.f32 $1.442695020e+00, v1;
	_ =	sdelay $0x1  }
0x4b: {  	(erf) = vpow2.f32 v1;
	_ =	sdelay $0x3  }
0x4c: {  	s26 =	simm.s32 $0x0  }
0x4d: {  	v2 =	vld.idx.msk [tilespmem:v3+s20+$0x0], $0xffff;
	v1 =	vmov s26  }
0x4e: {  	v1 =	vshll.u32 v1, $0x3  }
0x4f: {  	v4 =	vor.u32 v0, v1  }
0x50: {  	v5 =	vor.u32 $0x1, v3  }
0x51: {  	v1 =	vpop (erf)  }
0x52: {  	v2 =	vmul.f32 v1, v2;
	_ =	sdelay $0x1  }
0x53: {  	[tilespmem:v4+s22+$0x0] =	vst.idx.msk $0xffff, v2  }
0x54: {  	v2 =	vld.idx.msk [tilespmem:v5+s20+$0x0], $0xffff;
	_ =	sdelay $0x1  }
0x55: {  	v5 =	vor.u32 $0x1, v4  }
0x56: {  	v6 =	vor.u32 $0x2, v3;
	_ =	sdelay $0x1  }
0x57: {  	v2 =	vmul.f32 v1, v2;
	_ =	sdelay $0x1  }
0x58: {  	[tilespmem:v5+s22+$0x0] =	vst.idx.msk $0xffff, v2  }
0x59: {  	v2 =	vld.idx.msk [tilespmem:v6+s20+$0x0], $0xffff;
	_ =	sdelay $0x1  }
0x5a: {  	v5 =	vor.u32 $0x2, v4  }
0x5b: {  	v6 =	vor.u32 $0x3, v3;
	_ =	sdelay $0x1  }
0x5c: {  	v2 =	vmul.f32 v1, v2;
	_ =	sdelay $0x1  }
0x5d: {  	[tilespmem:v5+s22+$0x0] =	vst.idx.msk $0xffff, v2  }
0x5e: {  	v2 =	vld.idx.msk [tilespmem:v6+s20+$0x0], $0xffff;
	_ =	sdelay $0x1  }
0x5f: {  	v5 =	vor.u32 $0x3, v4  }
0x60: {  	v6 =	vor.u32 $0x4, v3;
	_ =	sdelay $0x1  }
0x61: {  	v2 =	vmul.f32 v2, v1;
	_ =	sdelay $0x1  }
0x62: {  	[tilespmem:v5+s22+$0x0] =	vst.idx.msk $0xffff, v2  }
0x63: {  	v2 =	vld.idx.msk [tilespmem:v6+s20+$0x0], $0xffff;
	_ =	sdelay $0x1  }
0x64: {  	v5 =	vor.u32 $0x4, v4  }
0x65: {  	v6 =	vor.u32 $0x5, v3;
	_ =	sdelay $0x1  }
0x66: {  	v2 =	vmul.f32 v2, v1;
	_ =	sdelay $0x1  }
0x67: {  	[tilespmem:v5+s22+$0x0] =	vst.idx.msk $0xffff, v2  }
0x68: {  	v2 =	vld.idx.msk [tilespmem:v6+s20+$0x0], $0xffff;
	_ =	sdelay $0x1  }
0x69: {  	v5 =	vor.u32 $0x5, v4  }
0x6a: {  	v3 =	vor.u32 $0x6, v3;
	_ =	sdelay $0x1  }
0x6b: {  	v2 =	vmul.f32 v2, v1;
	_ =	sdelay $0x1  }
0x6c: {  	[tilespmem:v5+s22+$0x0] =	vst.idx.msk $0xffff, v2  }
0x6d: {  	v5 =	vld.idx.msk [tilespmem:v3+s20+$0x0], $0xffff;
	_ =	sdelay $0x1  }
0x6e: {  	v3 =	vor.u32 $0x6, v4  }
0x6f: {  	v2 =	vor.u32 $0x7, v4  }
0x70: {  	s8 =	sshllo.u32 s5, $0x1  }
0x71: {  	s9 =	simm.s32 $0x10;
	s0 =	smov.u32 s11;
	s26 =	smov.u32 s10;
	v4 =	vmul.f32 v5, v1  }
.LBB2_3:
0x72: {  	_ = 	snop  }
0x73: {  	p2 =	sne.s32 s9, $0x40;
	s26 =	sadd.s32 $0x10, s26;
	s0 =	sadd.s32 $0x10, s0;
	[tilespmem:v3+s22+$0x0] =	vst.idx.msk $0xffff, v4  }
0x74: {  	s12 =	smov.u32 s9;
	s9 =	sadd.s32 $0x10, s9;
	[tilespmem:v2+s22+$0x0] =	vst.idx.msk $0xffff, v1  }
0x75: {  	v1 =	vld [tilespmem:s26+$0x0];
	_ =	sdelay $0x1  }
0x76: {  	v2 =	vld [tilespmem:s0+$0x0];
	_ =	sdelay $0x2  }
0x77: {  	v3 =	vshll.u32 v1, $0x3  }
0x78: {  	v1 =	vor.u32 $0x7, v3;
	_ =	sdelay $0x3  }
0x79: {  	v2 =	vld.idx.msk [tilespmem:v2+s21+$0x0], $0xffff  }
0x7a: {  	v1 =	vld.idx.msk [tilespmem:v1+s20+$0x0], $0xffff;
	_ =	sdelay $0x5  }
0x7b: {  	v1 =	vadd.f32 v2, v1;
	_ =	sdelay $0x1  }
0x7c: {  	v2 =	vmul.f32 $2.000000030e-01, v1;
	_ =	sdelay $0x1  }
0x7d: {  	v1 =	vmax.f32 v1, v2  }
0x7e: {  	v1 =	vmul.f32 $1.442695020e+00, v1;
	_ =	sdelay $0x1  }
0x7f: {  	(erf) = vpow2.f32 v1;
	_ =	sdelay $0x2  }
0x80: {  	v2 =	vld.idx.msk [tilespmem:v3+s20+$0x0], $0xffff  }
0x81: {  	v1 =	vmov s12  }
0x82: {  	v1 =	vshll.u32 v1, $0x3  }
0x83: {  	v4 =	vor.u32 v0, v1  }
0x84: {  	v5 =	vor.u32 $0x1, v3;
	_ =	sdelay $0x1  }
0x85: {  	v1 =	vpop (erf)  }
0x86: {  	v2 =	vmul.f32 v1, v2;
	_ =	sdelay $0x1  }
0x87: {  	[tilespmem:v4+s22+$0x0] =	vst.idx.msk $0xffff, v2  }
0x88: {  	v2 =	vld.idx.msk [tilespmem:v5+s20+$0x0], $0xffff;
	_ =	sdelay $0x1  }
0x89: {  	v5 =	vor.u32 $0x1, v4  }
0x8a: {  	v6 =	vor.u32 $0x2, v3;
	_ =	sdelay $0x2  }
0x8b: {  	v2 =	vmul.f32 v1, v2;
	_ =	sdelay $0x1  }
0x8c: {  	[tilespmem:v5+s22+$0x0] =	vst.idx.msk $0xffff, v2  }
0x8d: {  	v2 =	vld.idx.msk [tilespmem:v6+s20+$0x0], $0xffff;
	_ =	sdelay $0x1  }
0x8e: {  	v5 =	vor.u32 $0x2, v4  }
0x8f: {  	v6 =	vor.u32 $0x3, v3;
	_ =	sdelay $0x2  }
0x90: {  	v2 =	vmul.f32 v1, v2;
	_ =	sdelay $0x1  }
0x91: {  	[tilespmem:v5+s22+$0x0] =	vst.idx.msk $0xffff, v2  }
0x92: {  	v2 =	vld.idx.msk [tilespmem:v6+s20+$0x0], $0xffff;
	_ =	sdelay $0x1  }
0x93: {  	v5 =	vor.u32 $0x3, v4  }
0x94: {  	v6 =	vor.u32 $0x4, v3;
	_ =	sdelay $0x2  }
0x95: {  	v2 =	vmul.f32 v2, v1;
	_ =	sdelay $0x1  }
0x96: {  	[tilespmem:v5+s22+$0x0] =	vst.idx.msk $0xffff, v2  }
0x97: {  	v2 =	vld.idx.msk [tilespmem:v6+s20+$0x0], $0xffff;
	_ =	sdelay $0x1  }
0x98: {  	v5 =	vor.u32 $0x4, v4  }
0x99: {  	v6 =	vor.u32 $0x5, v3;
	_ =	sdelay $0x2  }
0x9a: {  	v2 =	vmul.f32 v2, v1;
	_ =	sdelay $0x1  }
0x9b: {  	[tilespmem:v5+s22+$0x0] =	vst.idx.msk $0xffff, v2  }
0x9c: {  	v2 =	vld.idx.msk [tilespmem:v6+s20+$0x0], $0xffff;
	_ =	sdelay $0x1  }
0x9d: {  	v5 =	vor.u32 $0x5, v4  }
0x9e: {  	v3 =	vor.u32 $0x6, v3;
	_ =	sdelay $0x2  }
0x9f: {  	v2 =	vmul.f32 v2, v1;
	_ =	sdelay $0x1  }
0xa0: {  	[tilespmem:v5+s22+$0x0] =	vst.idx.msk $0xffff, v2  }
0xa1: {  	v5 =	vld.idx.msk [tilespmem:v3+s20+$0x0], $0xffff;
	_ =	sdelay $0x1  }
.Ltmp0:
0xa2: {  	v3 =	vor.u32 $0x6, v4;
	(pc) =	sbr.rel @p2 .LBB2_3-.Ltmp0, $2  }
0xa3: {  	v2 =	vor.u32 $0x7, v4;
	_ =	sdelay $0x2  }
0xa4: {  	v4 =	vmul.f32 v5, v1  }
0xa5: {  	_ =	sdelay $0x1  }
0xa6: {  	s0 =	smul.u32 $0x280, s5;
	_ =	sdelay $0x1  }
0xa7: {  	[tilespmem:v3+s22+$0x0] =	vst.idx.msk $0xffff, v4;
	s0 =	sshra.s32 s0, $0x2  }
0xa8: {  	[tilespmem:v2+s22+$0x0] =	vst.idx.msk $0xffff, v1;
	s0 =	sadd.s32 $0x2710, s0  }
0xa9: {  	[spmem:s3] =	stream.indirect.scatter.add.f32 [tilespmem:s22], [sflag:$0x1], $0x8, s0, s23, $0xb8;
	[tilespmem:$0x1C638] =	vst v63  }
0xaa: {  	s0 =	simm.s32 @!p1 $0x2  }
0xab: {  	_ =	swait.ge @!p1 [sflag:s0], $0x280  }
0xac: {  	[sflag:s0] =	ssyncset.done @!p1 $0x0  }
0xad: {  	[sflag:s0] =	ssyncadd.s32 @!p1 $0xFFFFFD80  }
0xae: {  	v1 =	vld [tilespmem:s2+$0x0];
	_ =	sdelay $0x1  }
0xaf: {  	v2 =	vld [tilespmem:s1+$0x0];
	_ =	sdelay $0x2  }
0xb0: {  	v3 =	vshll.u32 v1, $0x3  }
0xb1: {  	v1 =	vor.u32 $0x7, v3;
	_ =	sdelay $0x3  }
0xb2: {  	v2 =	vld.idx.msk [tilespmem:v2+s21+$0x0], $0xffff  }
0xb3: {  	v1 =	vld.idx.msk [tilespmem:v1+s20+$0x0], $0xffff;
	_ =	sdelay $0x4  }
0xb4: {  	v1 =	vadd.f32 v2, v1;
	_ =	sdelay $0x1  }
0xb5: {  	v2 =	vmul.f32 $2.000000030e-01, v1;
	_ =	sdelay $0x1  }
0xb6: {  	v1 =	vmax.f32 v1, v2  }
0xb7: {  	v1 =	vmul.f32 $1.442695020e+00, v1;
	_ =	sdelay $0x1  }
0xb8: {  	(erf) = vpow2.f32 v1;
	_ =	sdelay $0x3  }
0xb9: {  	s26 =	simm.s32 $0x0  }
0xba: {  	v2 =	vld.idx.msk [tilespmem:v3+s20+$0x0], $0xffff;
	v1 =	vmov s26  }
0xbb: {  	v1 =	vshll.u32 v1, $0x3  }
0xbc: {  	v4 =	vor.u32 v0, v1  }
0xbd: {  	v5 =	vor.u32 $0x1, v3  }
0xbe: {  	v1 =	vpop (erf)  }
0xbf: {  	v2 =	vmul.f32 v1, v2;
	_ =	sdelay $0x1  }
0xc0: {  	[tilespmem:v4+s24+$0x0] =	vst.idx.msk $0xffff, v2  }
0xc1: {  	v2 =	vld.idx.msk [tilespmem:v5+s20+$0x0], $0xffff;
	_ =	sdelay $0x1  }
0xc2: {  	v5 =	vor.u32 $0x1, v4  }
0xc3: {  	v6 =	vor.u32 $0x2, v3;
	_ =	sdelay $0x1  }
0xc4: {  	v2 =	vmul.f32 v1, v2;
	_ =	sdelay $0x1  }
0xc5: {  	[tilespmem:v5+s24+$0x0] =	vst.idx.msk $0xffff, v2  }
0xc6: {  	v2 =	vld.idx.msk [tilespmem:v6+s20+$0x0], $0xffff;
	_ =	sdelay $0x1  }
0xc7: {  	v5 =	vor.u32 $0x2, v4  }
0xc8: {  	v6 =	vor.u32 $0x3, v3;
	_ =	sdelay $0x1  }
0xc9: {  	v2 =	vmul.f32 v1, v2;
	_ =	sdelay $0x1  }
0xca: {  	[tilespmem:v5+s24+$0x0] =	vst.idx.msk $0xffff, v2  }
0xcb: {  	v2 =	vld.idx.msk [tilespmem:v6+s20+$0x0], $0xffff;
	_ =	sdelay $0x1  }
0xcc: {  	v5 =	vor.u32 $0x3, v4  }
0xcd: {  	v6 =	vor.u32 $0x4, v3;
	_ =	sdelay $0x1  }
0xce: {  	v2 =	vmul.f32 v2, v1;
	_ =	sdelay $0x1  }
0xcf: {  	[tilespmem:v5+s24+$0x0] =	vst.idx.msk $0xffff, v2  }
0xd0: {  	v2 =	vld.idx.msk [tilespmem:v6+s20+$0x0], $0xffff;
	_ =	sdelay $0x1  }
0xd1: {  	v5 =	vor.u32 $0x4, v4  }
0xd2: {  	v6 =	vor.u32 $0x5, v3;
	_ =	sdelay $0x1  }
0xd3: {  	v2 =	vmul.f32 v2, v1;
	_ =	sdelay $0x1  }
0xd4: {  	[tilespmem:v5+s24+$0x0] =	vst.idx.msk $0xffff, v2  }
0xd5: {  	v2 =	vld.idx.msk [tilespmem:v6+s20+$0x0], $0xffff;
	_ =	sdelay $0x1  }
0xd6: {  	v5 =	vor.u32 $0x5, v4  }
0xd7: {  	v3 =	vor.u32 $0x6, v3;
	_ =	sdelay $0x1  }
0xd8: {  	v2 =	vmul.f32 v2, v1;
	_ =	sdelay $0x1  }
0xd9: {  	[tilespmem:v5+s24+$0x0] =	vst.idx.msk $0xffff, v2  }
0xda: {  	v5 =	vld.idx.msk [tilespmem:v3+s20+$0x0], $0xffff;
	_ =	sdelay $0x1  }
0xdb: {  	v3 =	vor.u32 $0x6, v4  }
0xdc: {  	v2 =	vor.u32 $0x7, v4;
	_ =	sdelay $0x1  }
0xdd: {  	s9 =	simm.s32 $0x10;
	s0 =	smov.u32 s1;
	s26 =	smov.u32 s2;
	v4 =	vmul.f32 v5, v1  }
.LBB2_5:
0xde: {  	_ = 	snop  }
0xdf: {  	p1 =	sne.s32 s9, $0x40;
	s26 =	sadd.s32 $0x10, s26;
	s0 =	sadd.s32 $0x10, s0;
	[tilespmem:v3+s24+$0x0] =	vst.idx.msk $0xffff, v4  }
0xe0: {  	s12 =	smov.u32 s9;
	s9 =	sadd.s32 $0x10, s9;
	[tilespmem:v2+s24+$0x0] =	vst.idx.msk $0xffff, v1  }
0xe1: {  	v1 =	vld [tilespmem:s26+$0x0];
	_ =	sdelay $0x1  }
0xe2: {  	v2 =	vld [tilespmem:s0+$0x0];
	_ =	sdelay $0x2  }
0xe3: {  	v3 =	vshll.u32 v1, $0x3  }
0xe4: {  	v1 =	vor.u32 $0x7, v3;
	_ =	sdelay $0x3  }
0xe5: {  	v2 =	vld.idx.msk [tilespmem:v2+s21+$0x0], $0xffff  }
0xe6: {  	v1 =	vld.idx.msk [tilespmem:v1+s20+$0x0], $0xffff;
	_ =	sdelay $0x5  }
0xe7: {  	v1 =	vadd.f32 v2, v1;
	_ =	sdelay $0x1  }
0xe8: {  	v2 =	vmul.f32 $2.000000030e-01, v1;
	_ =	sdelay $0x1  }
0xe9: {  	v1 =	vmax.f32 v1, v2  }
0xea: {  	v1 =	vmul.f32 $1.442695020e+00, v1;
	_ =	sdelay $0x1  }
0xeb: {  	(erf) = vpow2.f32 v1;
	_ =	sdelay $0x2  }
0xec: {  	v2 =	vld.idx.msk [tilespmem:v3+s20+$0x0], $0xffff  }
0xed: {  	v1 =	vmov s12  }
0xee: {  	v1 =	vshll.u32 v1, $0x3  }
0xef: {  	v4 =	vor.u32 v0, v1  }
0xf0: {  	v5 =	vor.u32 $0x1, v3;
	_ =	sdelay $0x1  }
0xf1: {  	v1 =	vpop (erf)  }
0xf2: {  	v2 =	vmul.f32 v1, v2;
	_ =	sdelay $0x1  }
0xf3: {  	[tilespmem:v4+s24+$0x0] =	vst.idx.msk $0xffff, v2  }
0xf4: {  	v2 =	vld.idx.msk [tilespmem:v5+s20+$0x0], $0xffff;
	_ =	sdelay $0x1  }
0xf5: {  	v5 =	vor.u32 $0x1, v4  }
0xf6: {  	v6 =	vor.u32 $0x2, v3;
	_ =	sdelay $0x2  }
0xf7: {  	v2 =	vmul.f32 v1, v2;
	_ =	sdelay $0x1  }
0xf8: {  	[tilespmem:v5+s24+$0x0] =	vst.idx.msk $0xffff, v2  }
0xf9: {  	v2 =	vld.idx.msk [tilespmem:v6+s20+$0x0], $0xffff;
	_ =	sdelay $0x1  }
0xfa: {  	v5 =	vor.u32 $0x2, v4  }
0xfb: {  	v6 =	vor.u32 $0x3, v3;
	_ =	sdelay $0x2  }
0xfc: {  	v2 =	vmul.f32 v1, v2;
	_ =	sdelay $0x1  }
0xfd: {  	[tilespmem:v5+s24+$0x0] =	vst.idx.msk $0xffff, v2  }
0xfe: {  	v2 =	vld.idx.msk [tilespmem:v6+s20+$0x0], $0xffff;
	_ =	sdelay $0x1  }
0xff: {  	v5 =	vor.u32 $0x3, v4  }
0x100: {  	v6 =	vor.u32 $0x4, v3;
	_ =	sdelay $0x2  }
0x101: {  	v2 =	vmul.f32 v2, v1;
	_ =	sdelay $0x1  }
0x102: {  	[tilespmem:v5+s24+$0x0] =	vst.idx.msk $0xffff, v2  }
0x103: {  	v2 =	vld.idx.msk [tilespmem:v6+s20+$0x0], $0xffff;
	_ =	sdelay $0x1  }
0x104: {  	v5 =	vor.u32 $0x4, v4  }
0x105: {  	v6 =	vor.u32 $0x5, v3;
	_ =	sdelay $0x2  }
0x106: {  	v2 =	vmul.f32 v2, v1;
	_ =	sdelay $0x1  }
0x107: {  	[tilespmem:v5+s24+$0x0] =	vst.idx.msk $0xffff, v2  }
0x108: {  	v2 =	vld.idx.msk [tilespmem:v6+s20+$0x0], $0xffff;
	_ =	sdelay $0x1  }
0x109: {  	v5 =	vor.u32 $0x5, v4  }
0x10a: {  	v3 =	vor.u32 $0x6, v3;
	_ =	sdelay $0x2  }
0x10b: {  	v2 =	vmul.f32 v2, v1;
	_ =	sdelay $0x1  }
0x10c: {  	[tilespmem:v5+s24+$0x0] =	vst.idx.msk $0xffff, v2  }
0x10d: {  	v5 =	vld.idx.msk [tilespmem:v3+s20+$0x0], $0xffff;
	_ =	sdelay $0x1  }
.Ltmp1:
0x10e: {  	v3 =	vor.u32 $0x6, v4;
	(pc) =	sbr.rel @p1 .LBB2_5-.Ltmp1, $2  }
0x10f: {  	v2 =	vor.u32 $0x7, v4;
	_ =	sdelay $0x2  }
0x110: {  	v4 =	vmul.f32 v5, v1  }
0x111: {  	s5 =	sadd.s32 $0x1, s5  }
0x112: {  	s0 =	smul.u32 $0x140, s8;
	p1 =	sne.s32 s5, $0x3E  }
.Ltmp2:
0x113: {  	_ = 	snop;
	(pc) =	sbr.rel @p1 .LBB2_2-.Ltmp2, $4  }
0x114: {  	_ = 	snop  }
0x115: {  	s10 =	sadd.s32 $0xA0, s10;
	s11 =	sadd.s32 $0xA0, s11;
	[tilespmem:v3+s24+$0x0] =	vst.idx.msk $0xffff, v4;
	s0 =	sshra.s32 s0, $0x2  }
0x116: {  	s2 =	sadd.s32 $0xA0, s2;
	s1 =	sadd.s32 $0xA0, s1;
	[tilespmem:v2+s24+$0x0] =	vst.idx.msk $0xffff, v1;
	s0 =	sadd.s32 $0x2710, s0  }
0x117: {  	[spmem:s3] =	stream.indirect.scatter.add.f32 [tilespmem:s24], [sflag:$0x2], $0x8, s0, s23, $0xb8;
	[tilespmem:$0x1C638] =	vst v63  }
0x118: {  	_ =	swait.ge [sflag:s25], $0x280  }
0x119: {  	[sflag:s25] =	ssyncset.done $0x0  }
0x11a: {  	s0 =	simm.s32 $0x26C0;
	[sflag:s25] =	ssyncadd.s32 $0xFFFFFD80  }
0x11b: {  	v1 =	vld [tilespmem:s0+$0x0]  }
0x11c: {  	s1 =	simm.s32 $0x4DD0  }
0x11d: {  	v2 =	vld [tilespmem:s1+$0x0];
	_ =	sdelay $0x2  }
0x11e: {  	v3 =	vshll.u32 v1, $0x3  }
0x11f: {  	v1 =	vor.u32 $0x7, v3;
	_ =	sdelay $0x3  }
0x120: {  	v2 =	vld.idx.msk [tilespmem:v2+s21+$0x0], $0xffff  }
0x121: {  	v1 =	vld.idx.msk [tilespmem:v1+s20+$0x0], $0xffff;
	_ =	sdelay $0x4  }
0x122: {  	v1 =	vadd.f32 v2, v1;
	_ =	sdelay $0x1  }
0x123: {  	v2 =	vmul.f32 $2.000000030e-01, v1;
	_ =	sdelay $0x1  }
0x124: {  	v1 =	vmax.f32 v1, v2  }
0x125: {  	v1 =	vmul.f32 $1.442695020e+00, v1;
	_ =	sdelay $0x1  }
0x126: {  	(erf) = vpow2.f32 v1;
	_ =	sdelay $0x3  }
0x127: {  	s2 =	simm.s32 $0x0  }
0x128: {  	v2 =	vld.idx.msk [tilespmem:v3+s20+$0x0], $0xffff;
	v1 =	vmov s2  }
0x129: {  	v1 =	vshll.u32 v1, $0x3  }
0x12a: {  	v4 =	vor.u32 v0, v1  }
0x12b: {  	v5 =	vor.u32 $0x1, v3  }
0x12c: {  	v1 =	vpop (erf)  }
0x12d: {  	v2 =	vmul.f32 v1, v2;
	_ =	sdelay $0x1  }
0x12e: {  	[tilespmem:v4+s22+$0x0] =	vst.idx.msk $0xffff, v2  }
0x12f: {  	v2 =	vld.idx.msk [tilespmem:v5+s20+$0x0], $0xffff;
	_ =	sdelay $0x1  }
0x130: {  	v5 =	vor.u32 $0x1, v4  }
0x131: {  	v6 =	vor.u32 $0x2, v3;
	_ =	sdelay $0x1  }
0x132: {  	v2 =	vmul.f32 v1, v2;
	_ =	sdelay $0x1  }
0x133: {  	[tilespmem:v5+s22+$0x0] =	vst.idx.msk $0xffff, v2  }
0x134: {  	v2 =	vld.idx.msk [tilespmem:v6+s20+$0x0], $0xffff;
	_ =	sdelay $0x1  }
0x135: {  	v5 =	vor.u32 $0x2, v4  }
0x136: {  	v6 =	vor.u32 $0x3, v3;
	_ =	sdelay $0x1  }
0x137: {  	v2 =	vmul.f32 v1, v2;
	_ =	sdelay $0x1  }
0x138: {  	[tilespmem:v5+s22+$0x0] =	vst.idx.msk $0xffff, v2  }
0x139: {  	v2 =	vld.idx.msk [tilespmem:v6+s20+$0x0], $0xffff;
	_ =	sdelay $0x1  }
0x13a: {  	v5 =	vor.u32 $0x3, v4  }
0x13b: {  	v6 =	vor.u32 $0x4, v3;
	_ =	sdelay $0x1  }
0x13c: {  	v2 =	vmul.f32 v2, v1;
	_ =	sdelay $0x1  }
0x13d: {  	[tilespmem:v5+s22+$0x0] =	vst.idx.msk $0xffff, v2  }
0x13e: {  	v2 =	vld.idx.msk [tilespmem:v6+s20+$0x0], $0xffff;
	_ =	sdelay $0x1  }
0x13f: {  	v5 =	vor.u32 $0x4, v4  }
0x140: {  	v6 =	vor.u32 $0x5, v3;
	_ =	sdelay $0x1  }
0x141: {  	v2 =	vmul.f32 v2, v1;
	_ =	sdelay $0x1  }
0x142: {  	[tilespmem:v5+s22+$0x0] =	vst.idx.msk $0xffff, v2  }
0x143: {  	v2 =	vld.idx.msk [tilespmem:v6+s20+$0x0], $0xffff;
	_ =	sdelay $0x1  }
0x144: {  	v5 =	vor.u32 $0x5, v4  }
0x145: {  	v3 =	vor.u32 $0x6, v3;
	_ =	sdelay $0x1  }
0x146: {  	v2 =	vmul.f32 v2, v1;
	_ =	sdelay $0x1  }
0x147: {  	[tilespmem:v5+s22+$0x0] =	vst.idx.msk $0xffff, v2  }
0x148: {  	v5 =	vld.idx.msk [tilespmem:v3+s20+$0x0], $0xffff;
	_ =	sdelay $0x1  }
0x149: {  	v3 =	vor.u32 $0x6, v4  }
0x14a: {  	v2 =	vor.u32 $0x7, v4;
	_ =	sdelay $0x1  }
0x14b: {  	s2 =	simm.s32 $0x10;
	v4 =	vmul.f32 v5, v1  }
.LBB2_8:
0x14c: {  	_ = 	snop  }
0x14d: {  	p1 =	sne.s32 s2, $0x40;
	s0 =	sadd.s32 $0x10, s0;
	s1 =	sadd.s32 $0x10, s1;
	[tilespmem:v3+s22+$0x0] =	vst.idx.msk $0xffff, v4  }
0x14e: {  	s5 =	smov.u32 s2;
	s2 =	sadd.s32 $0x10, s2;
	[tilespmem:v2+s22+$0x0] =	vst.idx.msk $0xffff, v1  }
0x14f: {  	v1 =	vld [tilespmem:s0+$0x0];
	_ =	sdelay $0x1  }
0x150: {  	v2 =	vld [tilespmem:s1+$0x0];
	_ =	sdelay $0x2  }
0x151: {  	v3 =	vshll.u32 v1, $0x3  }
0x152: {  	v1 =	vor.u32 $0x7, v3;
	_ =	sdelay $0x3  }
0x153: {  	v2 =	vld.idx.msk [tilespmem:v2+s21+$0x0], $0xffff  }
0x154: {  	v1 =	vld.idx.msk [tilespmem:v1+s20+$0x0], $0xffff;
	_ =	sdelay $0x5  }
0x155: {  	v1 =	vadd.f32 v2, v1;
	_ =	sdelay $0x1  }
0x156: {  	v2 =	vmul.f32 $2.000000030e-01, v1;
	_ =	sdelay $0x1  }
0x157: {  	v1 =	vmax.f32 v1, v2  }
0x158: {  	v1 =	vmul.f32 $1.442695020e+00, v1;
	_ =	sdelay $0x1  }
0x159: {  	(erf) = vpow2.f32 v1;
	_ =	sdelay $0x2  }
0x15a: {  	v2 =	vld.idx.msk [tilespmem:v3+s20+$0x0], $0xffff  }
0x15b: {  	v1 =	vmov s5  }
0x15c: {  	v1 =	vshll.u32 v1, $0x3  }
0x15d: {  	v4 =	vor.u32 v0, v1  }
0x15e: {  	v5 =	vor.u32 $0x1, v3;
	_ =	sdelay $0x1  }
0x15f: {  	v1 =	vpop (erf)  }
0x160: {  	v2 =	vmul.f32 v1, v2;
	_ =	sdelay $0x1  }
0x161: {  	[tilespmem:v4+s22+$0x0] =	vst.idx.msk $0xffff, v2  }
0x162: {  	v2 =	vld.idx.msk [tilespmem:v5+s20+$0x0], $0xffff;
	_ =	sdelay $0x1  }
0x163: {  	v5 =	vor.u32 $0x1, v4  }
0x164: {  	v6 =	vor.u32 $0x2, v3;
	_ =	sdelay $0x2  }
0x165: {  	v2 =	vmul.f32 v1, v2;
	_ =	sdelay $0x1  }
0x166: {  	[tilespmem:v5+s22+$0x0] =	vst.idx.msk $0xffff, v2  }
0x167: {  	v2 =	vld.idx.msk [tilespmem:v6+s20+$0x0], $0xffff;
	_ =	sdelay $0x1  }
0x168: {  	v5 =	vor.u32 $0x2, v4  }
0x169: {  	v6 =	vor.u32 $0x3, v3;
	_ =	sdelay $0x2  }
0x16a: {  	v2 =	vmul.f32 v1, v2;
	_ =	sdelay $0x1  }
0x16b: {  	[tilespmem:v5+s22+$0x0] =	vst.idx.msk $0xffff, v2  }
0x16c: {  	v2 =	vld.idx.msk [tilespmem:v6+s20+$0x0], $0xffff;
	_ =	sdelay $0x1  }
0x16d: {  	v5 =	vor.u32 $0x3, v4  }
0x16e: {  	v6 =	vor.u32 $0x4, v3;
	_ =	sdelay $0x2  }
0x16f: {  	v2 =	vmul.f32 v2, v1;
	_ =	sdelay $0x1  }
0x170: {  	[tilespmem:v5+s22+$0x0] =	vst.idx.msk $0xffff, v2  }
0x171: {  	v2 =	vld.idx.msk [tilespmem:v6+s20+$0x0], $0xffff;
	_ =	sdelay $0x1  }
0x172: {  	v5 =	vor.u32 $0x4, v4  }
0x173: {  	v6 =	vor.u32 $0x5, v3;
	_ =	sdelay $0x2  }
0x174: {  	v2 =	vmul.f32 v2, v1;
	_ =	sdelay $0x1  }
0x175: {  	[tilespmem:v5+s22+$0x0] =	vst.idx.msk $0xffff, v2  }
0x176: {  	v2 =	vld.idx.msk [tilespmem:v6+s20+$0x0], $0xffff;
	_ =	sdelay $0x1  }
0x177: {  	v5 =	vor.u32 $0x5, v4  }
0x178: {  	v3 =	vor.u32 $0x6, v3;
	_ =	sdelay $0x2  }
0x179: {  	v2 =	vmul.f32 v2, v1;
	_ =	sdelay $0x1  }
0x17a: {  	[tilespmem:v5+s22+$0x0] =	vst.idx.msk $0xffff, v2  }
0x17b: {  	v5 =	vld.idx.msk [tilespmem:v3+s20+$0x0], $0xffff;
	_ =	sdelay $0x1  }
.Ltmp3:
0x17c: {  	v3 =	vor.u32 $0x6, v4;
	(pc) =	sbr.rel @p1 .LBB2_8-.Ltmp3, $2  }
0x17d: {  	v2 =	vor.u32 $0x7, v4;
	_ =	sdelay $0x2  }
0x17e: {  	v4 =	vmul.f32 v5, v1  }
0x17f: {  	_ =	sdelay $0x3  }
0x180: {  	[tilespmem:v3+s22+$0x0] =	vst.idx.msk $0xffff, v4  }
0x181: {  	s0 =	simm.s32 $0x4DD0;
	[tilespmem:v2+s22+$0x0] =	vst.idx.msk $0xffff, v1  }
0x182: {  	[spmem:s3] =	stream.indirect.scatter.add.f32 [tilespmem:s22], [sflag:$0x1], $0x8, s0, s23, $0xb8;
	[tilespmem:$0x1C638] =	vst v63  }
0x183: {  	_ =	swait.ge [sflag:s25], $0x280  }
0x184: {  	[sflag:s25] =	ssyncset.done $0x0  }
0x185: {  	[sflag:s25] =	ssyncadd.s32 $0xFFFFFD80  }
0x186: {  	_ =	swait.ge [sflag:s28], $0x280  }
0x187: {  	[sflag:s28] =	ssyncset.done $0x0  }
0x188: {  	[sflag:s28] =	ssyncadd.s32 $0xFFFFFD80  }
0x189: {  	[bflag:$0x0] =	sbarrier.arrive $0xFFFF  }
0x18a: {  	s26 =	rddreg [dreg:$0x9]  }
0x18b: {  	[hbm:s26], [sflag:s7] =	dma.local [spmem:s17], $0xC8  }
0x18c: {  	_ =	swait.ge [sflag:s18], $0xC8  }
0x18d: {  	[sflag:s18] =	ssyncset.done $0x0  }
0x18e: {  	[sflag:s18] =	ssyncadd.s32 $0xFFFFFF38  }
0x18f: {  	[hbm:s13], [sflag:s7] =	dma.local [spmem:s19], $0xC8  }
0x190: {  	_ =	swait.ge [sflag:s18], $0xC8  }
0x191: {  	[sflag:s18] =	ssyncset.done $0x0  }
0x192: {  	[sflag:s18] =	ssyncadd.s32 $0xFFFFFF38  }
0x193: {  	[hbm:s14], [sflag:s7] =	dma.local [spmem:s30], $0xC8  }
0x194: {  	s29 =	sadd.s32 $0x1, s29;
	_ =	swait.ge [sflag:s18], $0xC8  }
0x195: {  	p1 =	sne.s32 s29, s16;
	[sflag:s18] =	ssyncset.done $0x0  }
.Ltmp4:
0x196: {  	s0 =	simm.s32 @!p0 $0x3;
	[sflag:s18] =	ssyncadd.s32 $0xFFFFFF38;
	(pc) =	sbr.rel @p1 .LBB2_1-.Ltmp4, $4  }
0x197: {  	[hbm:s15], [sflag:s7] =	dma.local @!p0 [spmem:s31], $0xC8  }
0x198: {  	_ =	swait.ge @!p0 [sflag:s0], $0xC8  }
0x199: {  	[sflag:s0] =	ssyncset.done @!p0 $0x0  }
0x19a: {  	[sflag:s0] =	ssyncadd.s32 @!p0 $0xFFFFFF38  }
0x19b: {  	_ =	sfence.sel $0x180000  }
0x19c: {  	[bflag:$0x0] =	sbarrier.arrive $0xFFFF  }
0x19d: {  	_ =	strace $0x9000004A  }
0x19e: {  	s0 =	stileid.u32;
	[bflag:$0x2] =	sbarrier.arrive $0xFFFF  }
0x19f: {  	p0 =	sne.s32 s0, $0x0;
	s0 =	rddreg [dreg:$0x3]  }
0x1a0: {  	s0 =	sadd.s32 @!p0 $0x100000, s0  }
0x1a1: {  	[sflag:s0] =	ssyncadd.tile.s32 @!p0 $0x1;
	_ =	shalt  }
.Lfunc_end2:
_tile_overlayer_lowered:
.L_overlay_start_2:
0x1a2: {  	(tag) =	ssettag $0x2  }
0x1a3: {  	s0 =	rddreg [dreg:$0x0];
	s2 =	stileid.u32  }
0x1a4: {  	s1 =	rddreg [dreg:$0x1];
	p0 =	sne.s32 s2, $0x0  }
0x1a5: {  	s3 =	rddreg [dreg:$0x2];
	[bflag:$0x3] =	sbarrier.arrive $0xFFFF;
	s2 =	simm.s32 @!p0 $0x1C03  }
0x1a6: {  	[timem:s3], [sflag:s2] =	dma.local @!p0 [hbm:s0], s1  }
0x1a7: {  	s0 =	simm.s32 @!p0 $0x3  }
0x1a8: {  	_ =	swait.ge @!p0 [sflag:s0], s1  }
0x1a9: {  	s1 =	ssub.s32 @!p0 $0x0, s1;
	[sflag:s0] =	ssyncset.done @!p0 $0x0  }
0x1aa: {  	[sflag:s0] =	ssyncadd.s32 @!p0 s1  }
0x1ab: {  	[bflag:$0x3] =	sbarrier.arrive $0xFFFF  }
0x1ac: {  	_ =	shalt  }

// kernel: kernel.7.cloned.1.call-start
scs
__scs_entry_jumppad:
0x0: {  	(pc) =	sbr.rel $0x88, $3  }
0x1: {  	(tag) =	ssettag $0x0;
	lr =	simm.s32 $0x1  }
0x2: {  	[smem:$0x3F97] =	sst lr;
	_ =	strace $0xD0000000  }
0x3: {  	_ = 	snop  }
0x4: {  	_ = 	snop  }
0x5: {  	_ = 	snop  }
0x6: {  	_ = 	snop  }
0x7: {  	_ = 	snop  }
__scs_overlays_trampoline_lowered:
0x8: {  	[smem:$0x3FA6] =	sst s0  }
0x9: {  	[smem:$0x3FA7] =	sst s1  }
0xa: {  	[smem:$0x3FA8] =	sst s2  }
0xb: {  	[smem:$0x3FA9] =	sst s3  }
0xc: {  	[smem:$0x3FAA] =	sst s4  }
0xd: {  	[smem:$0x3FAB] =	sst s5  }
0xe: {  	[smem:$0x3FAC] =	sst s6  }
0xf: {  	[smem:$0x3FAD] =	sst s7  }
0x10: {  	[smem:$0x3FAE] =	sst s8  }
0x11: {  	[smem:$0x3FAF] =	sst s9;
	s0 =	simm.s32 @!p0 $0x0  }
0x12: {  	s1 =	sld [smem:$0x3F95];
	s0 =	simm.s32 @p0 $0x1  }
0x13: {  	[smem:$0x3FB0] =	sst s0;
	s0 =	simm.s32 @!p1 $0x0  }
0x14: {  	s2 =	sld [smem:$0x3F94];
	s0 =	simm.s32 @p1 $0x1  }
0x15: {  	[smem:$0x3FB1] =	sst s0;
	s0 =	simm.s32 @!p2 $0x0  }
0x16: {  	s3 =	sld [smem:$0x3FDB];
	s0 =	simm.s32 @p2 $0x1  }
0x17: {  	s4 =	simm.s32 $0x1BF5;
	[smem:$0x3FB3] =	sst s0  }
0x18: {  	s0 =	sld [smem:$0x3F96];
	_ =	swait.ge [sflag:s4], $0x0  }
0x19: {  	s7 =	sld [smem:$0x3F97]  }
0x1a: {  	s8 =	sadd.s32 $0xFFFFE003, lr  }
0x1b: {  	s9 =	sadd.s32 $0xFFFFFEF7, lr;
	s5 =	simm.s32 $0xFFFFFFFF;
	p2 =	slt.u32 s8, $0xFFFFF086  }
0x1c: {  	p1 =	slt.u32 s9, $0xF7A;
	s5 =	simm.s32 @!p2 $0x0  }
0x1d: {  	s5 =	simm.s32 @p1 $0x1;
	p0 =	seq.s32 s7, s2  }
0x1e: {  	s7 =	smul.u32 @!p0 $0xF7A, s2;
	p2 =	seq.s32 @!p0 s5, $0x0  }
0x1f: {  	s9 =	smul.u32 $0xF7A, s1;
	s8 =	simm.s32 @!p0 $0x1BF5;
	p2 =	por !p2, p0  }
0x20: {  	[sflag:s8] =	ssyncset.s32 @!p0 $0xFFFFF086;
	s6 =	sadd.s32 @!p0 s3, s7;
	s7 =	simm.s32 @!p0 $0x108  }
0x21: {  	s3 =	sadd.s32 s3, s9;
	s6 =	sadd.s32 @!p0 $0x88, s6;
	s7 =	simm.s32 @p2 $0x1082  }
0x22: {  	[simem:s7], [sflag:s8] =	dma.local @!p0 [hbm:s6], $0xF7A  }
0x23: {  	s9 =	sor.u32 $0xD0000000, s2;
	s6 =	simm.s32 $0x108;
	_ =	swait.ge @!p0 [sflag:s8], $0x0  }
0x24: {  	s3 =	sadd.s32 $0x88, s3;
	s6 =	simm.s32 @!p1 $0x1082;
	[sflag:s4] =	ssyncset.s32 $0xFFFFF086  }
0x25: {  	[simem:s6], [sflag:s4] =	dma.local [hbm:s3], $0xF7A  }
0x26: {  	[smem:$0x3F97] =	sst s1;
	(tag) =	ssettag s2;
	_ =	strace s9  }
0x27: {  	s1 =	sld [smem:$0x3FA7]  }
0x28: {  	s2 =	sld [smem:$0x3FA8]  }
0x29: {  	s4 =	sld [smem:$0x3FAA]  }
0x2a: {  	p0 =	seq.s32 s5, $0x0;
	s5 =	sld [smem:$0x3FAB]  }
0x2b: {  	s6 =	sld [smem:$0x3FAC]  }
0x2c: {  	s7 =	sld [smem:$0x3FAD]  }
0x2d: {  	s3 =	simm.s32 $0x108;
	s8 =	sld [smem:$0x3FAE]  }
0x2e: {  	s3 =	simm.s32 @!p0 $0x1082;
	s9 =	sld [smem:$0x3FAF]  }
0x2f: {  	lr =	sadd.s32 s0, s3;
	s0 =	sld [smem:$0x3FA6]  }
0x30: {  	s3 =	sld [smem:$0x3FA9]  }
0x31: {  	[smem:$0x3FB2] =	sst s10  }
0x32: {  	s10 =	sld [smem:$0x3FB0];
	_ =	sdelay $0x3  }
0x33: {  	p0 =	seq.s32 s10, $0x1;
	s10 =	sld [smem:$0x3FB2];
	_ =	sdelay $0x3  }
0x34: {  	[smem:$0x3FB2] =	sst s10  }
0x35: {  	s10 =	sld [smem:$0x3FB1];
	_ =	sdelay $0x3  }
0x36: {  	p1 =	seq.s32 s10, $0x1;
	s10 =	sld [smem:$0x3FB2];
	_ =	sdelay $0x3  }
0x37: {  	[smem:$0x3FB2] =	sst s10  }
0x38: {  	s10 =	sld [smem:$0x3FB3]  }
0x39: {  	_ = 	snop;
	(pc) =	sbr.ind lr, $3  }
0x3a: {  	_ = 	snop  }
0x3b: {  	_ = 	snop  }
0x3c: {  	p2 =	seq.s32 s10, $0x1;
	s10 =	sld [smem:$0x3FB2]  }
0x3d: {  	_ =	shalt  }
0x3e: {  	_ =	shalt  }
0x3f: {  	_ =	shalt  }
0x40: {  	_ =	shalt  }
0x41: {  	_ =	shalt  }
0x42: {  	_ =	shalt  }
0x43: {  	_ =	shalt  }
0x44: {  	_ =	shalt  }
0x45: {  	_ =	shalt  }
0x46: {  	_ =	shalt  }
0x47: {  	_ =	shalt  }
0x48: {  	_ =	shalt  }
0x49: {  	_ =	shalt  }
0x4a: {  	_ =	shalt  }
0x4b: {  	_ =	shalt  }
0x4c: {  	_ =	shalt  }
0x4d: {  	_ =	shalt  }
0x4e: {  	_ =	shalt  }
0x4f: {  	_ =	shalt  }
0x50: {  	_ =	shalt  }
0x51: {  	_ =	shalt  }
0x52: {  	_ =	shalt  }
0x53: {  	_ =	shalt  }
0x54: {  	_ =	shalt  }
0x55: {  	_ =	shalt  }
0x56: {  	_ =	shalt  }
0x57: {  	_ =	shalt  }
0x58: {  	_ =	shalt  }
0x59: {  	_ =	shalt  }
0x5a: {  	_ =	shalt  }
0x5b: {  	_ =	shalt  }
0x5c: {  	_ =	shalt  }
0x5d: {  	_ =	shalt  }
0x5e: {  	_ =	shalt  }
0x5f: {  	_ =	shalt  }
0x60: {  	_ =	shalt  }
0x61: {  	_ =	shalt  }
0x62: {  	_ =	shalt  }
0x63: {  	_ =	shalt  }
0x64: {  	_ =	shalt  }
0x65: {  	_ =	shalt  }
0x66: {  	_ =	shalt  }
0x67: {  	_ =	shalt  }
0x68: {  	_ =	shalt  }
0x69: {  	_ =	shalt  }
0x6a: {  	_ =	shalt  }
0x6b: {  	_ =	shalt  }
0x6c: {  	_ =	shalt  }
0x6d: {  	_ =	shalt  }
0x6e: {  	_ =	shalt  }
0x6f: {  	_ =	shalt  }
0x70: {  	_ =	shalt  }
0x71: {  	_ =	shalt  }
0x72: {  	_ =	shalt  }
0x73: {  	_ =	shalt  }
0x74: {  	_ =	shalt  }
0x75: {  	_ =	shalt  }
0x76: {  	_ =	shalt  }
0x77: {  	_ =	shalt  }
0x78: {  	_ =	shalt  }
0x79: {  	_ =	shalt  }
0x7a: {  	_ =	shalt  }
0x7b: {  	_ =	shalt  }
0x7c: {  	_ =	shalt  }
0x7d: {  	_ =	shalt  }
0x7e: {  	_ =	shalt  }
0x7f: {  	_ =	shalt  }
0x80: {  	_ =	shalt  }
0x81: {  	_ =	shalt  }
0x82: {  	_ =	shalt  }
0x83: {  	_ =	shalt  }
0x84: {  	_ =	shalt  }
0x85: {  	_ =	shalt  }
0x86: {  	_ =	shalt  }
0x87: {  	_ =	shalt  }
.Lfunc_end0:
.L_simem_size_0:
called_computation_lowered:
.L_overlay_start_0:
0x88: {  	s2 =	sld [smem:$0x3FD9]  }
0x89: {  	s3 =	sld [smem:$0x3FFE];
	_ =	sdelay $0x1  }
0x8a: {  	s1 =	srdreg.scid  }
0x8b: {  	s0 =	sand.u32 $0x1, s1  }
0x8c: {  	s16 =	sshll.u32 s0, $0xA;
	s2 =	sadd.s32 s3, s2  }
0x8d: {  	s2 =	sadd.s32 s2, s16  }
0x8e: {  	[smem:$0x3FBE] =	sst s2  }
0x8f: {  	_ = 	snop  }
0x90: {  	(tm) =	ssettm $0x1  }
0x91: {  	s17 =	sld [smem:$0x3FFB];
	_ =	sdelay $0x3  }
0x92: {  	_ =	strace s17  }
0x93: {  	s2 =	sld [smem:$0x3FFC];
	_ =	sdelay $0x3  }
0x94: {  	_ =	strace s2  }
0x95: {  	s2 =	sld [smem:$0x3FFD];
	_ =	sdelay $0x3  }
0x96: {  	_ =	strace s2  }
0x97: {  	_ =	strace $0x8FFFFFFF  }
0x98: {  	s18 =	sld [smem:$0x3FDB];
	_ =	sdelay $0x1  }
0x99: {  	s19 =	simm.s32 $_scs_section_size  }
0x9a: {  	s4 =	simm.s32 $_size__tile_overlayer_lowered;
	s5 =	simm.s32 $_tile_overlayer_lowered  }
0x9b: {  	s22 =	simm.s32 $0x1BFF;
	s21 =	sshll.u32 s5, $0x1;
	s2 =	sadd.s32 s19, s18  }
0x9c: {  	s6 =	simm.s32 $0x0;
	s20 =	sshll.u32 s4, $0x1;
	s4 =	sadd.s32 s21, s2  }
0x9d: {  	[timem:s6], [sflag:s22] =	dma.local [hbm:s4], s20  }
0x9e: {  	_ =	swait.ge [sflag:s22], s20  }
0x9f: {  	s3 =	ssub.s32 $0x0, s20;
	[sflag:s22] =	ssyncset.done $0x0  }
0xa0: {  	[sflag:s22] =	ssyncadd.s32 s3;
	_ =	sdelay $0x1  }
0xa1: {  	s23 =	simm.s32 $0x1B8B  }
0xa2: {  	_ =	swait.ge [sflag:s23], $0x1  }
0xa3: {  	[sflag:s23] =	ssyncset.done $0x0  }
0xa4: {  	s25 =	simm.s32 $0x1B8E;
	s24 =	sld [smem:$0x3FFE];
	[sflag:s23] =	ssyncadd.s32 $0xFFFFFFFF  }
0xa5: {  	s26 =	simm.s32 $execute0_lowered;
	[smem:$0x3FD2] =	sst s25  }
0xa6: {  	s4 =	sshll.u32 s26, $0x1;
	_ =	strace $0x80000046;
	[dreg:$0x1] =	wrdreg $0xFFFFFFFF  }
0xa7: {  	s28 =	simm.s32 $_size_execute0_lowered;
	s2 =	sadd.s32 s2, s4;
	[dreg:$0x0] =	wrdreg $0x0  }
0xa8: {  	s4 =	sshll.u32 s28, $0x1;
	[dreg:$0x2] =	wrdreg s2  }
0xa9: {  	[dreg:$0x3] =	wrdreg s4  }
0xaa: {  	[dreg:$0x4] =	wrdreg $0xC0  }
0xab: {  	_ =	task [dreg:s6], $0x5FFFF  }
0xac: {  	[dreg:$0x1] =	wrdreg $0xFFFFFFFF  }
0xad: {  	[dreg:$0x0] =	wrdreg $0x60  }
0xae: {  	[dreg:$0x2] =	wrdreg s24  }
0xaf: {  	[dreg:$0x3] =	wrdreg $0x119900  }
0xb0: {  	[dreg:$0x4] =	wrdreg $0x9  }
0xb1: {  	_ =	task.clear_ibuf [dreg:s6], $0x5FFFF;
	_ =	strace $0x90000046  }
0xb2: {  	s29 =	simm.s32 $0x9;
	_ =	strace $0x80000048  }
0xb3: {  	_ =	swait.ge [sflag:s29], $0x1  }
0xb4: {  	[sflag:s29] =	ssyncadd.s32 $0xFFFFFFFF  }
0xb5: {  	_ =	strace $0x90000048  }
0xb6: {  	_ =	sfence  }
0xb7: {  	s30 =	sld [smem:$0x0];
	_ =	sdelay $0x2  }
0xb8: {  	s31 =	sshll.u32 s1, $0xD;
	s1 =	sshrl.u32 s1, $0x2  }
0xb9: {  	s3 =	sand.u32 $0x4000, s31;
	s1 =	sadd.s32 s1, s30  }
0xba: {  	s0 =	sor.u32 s3, s0;
	s1 =	sshll.u32 s1, $0x11  }
0xbb: {  	s0 =	sor.u32 s1, s0  }
0xbc: {  	s0 =	sadd.s32 $0x8F2B, s0  }
0xbd: {  	[sflag:s0] =	ssyncadd.remote.s32 $0x1  }
0xbe: {  	_ =	sfence.sel $0xFFFF  }
0xbf: {  	[dreg:$0x0] =	wrdreg $0xFFFFFFFF;
	(pc) =	sbr.abs _section_cstart, $3  }
0xc0: {  	[dreg:$0x1] =	wrdreg $0xFFFFFFFF  }
0xc1: {  	_ =	task.clear_ibuf [dreg:s6], $0x2FFFF;
	_ =	strace $0x9FFFFFFF  }
0xc2: {  	(tm) =	ssettm $0x7FFFFFFF  }
0xc3: {  	_ =	shalt  }
tec
execute0_lowered:
.L_overlay_start_1:
0x0: {  	(tag) =	ssettag $0x1  }
0x1: {  	s0 =	srdreg.scid;
	s16 =	stileid.u32  }
0x2: {  	s1 =	rddreg [dreg:$0x0];
	s7 =	smul.u32 $0xFA00, s16;
	s11 =	sor.u32 $0x10, s16  }
0x3: {  	s2 =	rddreg [dreg:$0x1];
	s12 =	sor.u32 $0x20, s16;
	s9 =	smul.u32 $0xFA00, s11  }
0x4: {  	s28 =	simm.s32 $0x11940;
	s14 =	sor.u32 $0x30, s16;
	s23 =	smul.u32 $0xFA00, s12  }
0x5: {  	s29 =	simm.s32 $0x11950;
	s0 =	sand.u32 $0x1, s0;
	s26 =	smul.u32 $0xFA00, s14  }
0x6: {  	s3 =	sshll.u32 s0, $0x4;
	s6 =	ssub.s32 $0x2, s0;
	s0 =	smul.u32 $0xC3500, s0  }
0x7: {  	s30 =	simm.s32 $0x11960;
	s31 =	simm.s32 $0x11970;
	s11 =	smul.u32 $0x3E80, s11  }
0x8: {  	s5 =	sadd.s32 $0x68A00, s1;
	p0 =	sgt.u32 s16, $0x1;
	s12 =	smul.u32 $0x3E80, s12  }
0x9: {  	s14 =	smul.u32 $0x3E80, s14;
	s4 =	sor.u32 s16, s3;
	s3 =	simm.s32 $0x0  }
0xa: {  	s8 =	sshrl.u32 s6, $0x1;
	s24 =	sshrl.u32 s7, $0x2;
	s4 =	smul.u32 $0x514, s4  }
0xb: {  	[smem:$0x7FF] =	sst s3;
	s13 =	ssub.s32 s6, s8;
	s25 =	sshrl.u32 s9, $0x2  }
0xc: {  	s17 =	sadd.s32 s24, s2;
	s8 =	sshrl.u32 s23, $0x2;
	s9 =	sshrl.u32 s26, $0x2  }
0xd: {  	s22 =	sadd.s32 s0, s11;
	s23 =	sadd.s32 s0, s12;
	_ =	strace $0x80000047  }
0xe: {  	s15 =	sadd.s32 s25, s2;
	s8 =	sadd.s32 s8, s2;
	s9 =	sadd.s32 s9, s2  }
0xf: {  	s11 =	sshrl.u32 s23, $0x3;
	s26 =	smax.u32 s13, $0x1;
	s23 =	simm.s32 $0x7080  }
0x10: {  	s10 =	sadd.s32 s4, s1;
	s4 =	sadd.s32 $0x50200, s1;
	[dreg:$0x3] =	wrdreg s15  }
0x11: {  	s1 =	sadd.s32 $0x95E00, s1;
	s15 =	smul.u32 $0x3E80, s16;
	[dreg:$0xa] =	wrdreg s26  }
0x12: {  	s26 =	simm.s32 $0x3;
	s18 =	sadd.s32 $0x81600, s10;
	s19 =	sadd.s32 $0x8BA00, s10  }
0x13: {  	s10 =	sshrl.u32 s22, $0x3;
	s25 =	sadd.s32 s1, s11;
	[dreg:$0x4] =	wrdreg s18  }
0x14: {  	s22 =	simm.s32 $0x2;
	s15 =	sadd.s32 s15, s0;
	[dreg:$0x5] =	wrdreg s19  }
0x15: {  	s0 =	sadd.s32 s0, s14;
	s24 =	sadd.s32 s1, s10;
	[dreg:$0x8] =	wrdreg s25  }
0x16: {  	s18 =	simm.s32 $0x7;
	s25 =	simm.s32 $0x1;
	s19 =	simm.s32 $0xBB80  }
0x17: {  	s20 =	sshrl.u32 s15, $0x3;
	[dreg:$0x7] =	wrdreg s24;
	s0 =	sshrl.u32 s0, $0x3  }
0x18: {  	v1 =	vlaneseq.u32;
	s24 =	simm.s32 $0x9600;
	s21 =	sadd.s32 s1, s20;
	s0 =	sadd.s32 s1, s0  }
0x19: {  	v0 =	vimm.f32 $0.0e+00;
	v1 =	vshrl.u32 v1, $0x3;
	s20 =	simm.s32 $0x64;
	s1 =	simm.s32 $0x11980;
	[dreg:$0x6] =	wrdreg s21  }
0x1a: {  	v2 =	vor.u32 $0x2, v1;
	v3 =	vor.u32 $0x4, v1;
	v4 =	vor.u32 $0x6, v1;
	[dreg:$0x9] =	wrdreg s0;
	s21 =	simm.s32 $0x9C40;
	s0 =	simm.s32 $0x4  }
.LBB2_1:
0x1b: {  	s12 =	simm.s32 $0x140;
	s10 =	simm.s32 $0x0  }
.LBB2_2:
0x1c: {  	p1 =	sne.s32 s12, $0xF8C0;
	[tilespmem:s10+$0xDB00] =	vst v0;
	s11 =	smov.u32 s12;
	s12 =	sadd.s32 $0x140, s12  }
.Ltmp0:
0x1d: {  	[tilespmem:s10+$0xDAF0] =	vst v0;
	(pc) =	sbr.rel @p1 .LBB2_2-.Ltmp0, $4  }
0x1e: {  	[tilespmem:s10+$0xDAE0] =	vst v0  }
0x1f: {  	[tilespmem:s10+$0xDAC0] =	vst v0  }
0x20: {  	[tilespmem:s10+$0xDAD0] =	vst v0  }
0x21: {  	s10 =	sshra.s32 s11, $0x2  }
0x22: {  	[tilespmem:s10+$0xDB00] =	vst v0  }
0x23: {  	[tilespmem:s10+$0xDAF0] =	vst v0  }
0x24: {  	[tilespmem:s10+$0xDAE0] =	vst v0  }
0x25: {  	[tilespmem:s10+$0xDAC0] =	vst v0  }
0x26: {  	[tilespmem:s10+$0xDAD0] =	vst v0;
	s12 =	simm.s32 $0xDAC0  }
0x27: {  	[spmem:s17] =	stream.linear.scatter [tilespmem:s12], [sflag:$0x7], $0x3E80, $0x38;
	[tilespmem:$0x1DCE0] =	vst v63  }
0x28: {  	_ =	swait.ge [sflag:s18], $0x3E80  }
0x29: {  	[sflag:s18] =	ssyncset.done $0x0  }
0x2a: {  	s6 =	rddreg [dreg:$0x3];
	[sflag:s18] =	ssyncadd.s32 $0xFFFFC180  }
0x2b: {  	[spmem:s6] =	stream.linear.scatter [tilespmem:s12], [sflag:$0x7], $0x3E80, $0x38;
	[tilespmem:$0x1DCE0] =	vst v63  }
0x2c: {  	_ =	swait.ge [sflag:s18], $0x3E80  }
0x2d: {  	[sflag:s18] =	ssyncset.done $0x0  }
0x2e: {  	[sflag:s18] =	ssyncadd.s32 $0xFFFFC180  }
0x2f: {  	[spmem:s8] =	stream.linear.scatter [tilespmem:s12], [sflag:$0x7], $0x3E80, $0x38;
	[tilespmem:$0x1DCE0] =	vst v63  }
0x30: {  	_ =	swait.ge [sflag:s18], $0x3E80  }
0x31: {  	[sflag:s18] =	ssyncset.done $0x0  }
0x32: {  	s10 =	simm.s32 @!p0 $0xDAC0;
	[sflag:s18] =	ssyncadd.s32 $0xFFFFC180  }
0x33: {  	[spmem:s9] =	stream.linear.scatter @!p0 [tilespmem:s10], [sflag:$0x7], $0x3E80, $0x38;
	[tilespmem:$0x1DCE0] =	vst v63  }
0x34: {  	s10 =	simm.s32 @!p0 $0x7  }
0x35: {  	_ =	swait.ge @!p0 [sflag:s10], $0x3E80  }
0x36: {  	[sflag:s10] =	ssyncset.done @!p0 $0x0  }
0x37: {  	s12 =	simm.s32 $0x0;
	s13 =	rddreg [dreg:$0x4];
	[sflag:s10] =	ssyncadd.s32 @!p0 $0xFFFFC180  }
0x38: {  	[tilespmem:s12], [sflag:$0x7] =	stream.linear.gather [hbm4b:s13+s12], $0x28A0, $0x38;
	[tilespmem:$0x1DCE0] =	vst v63  }
0x39: {  	_ =	swait.ge [sflag:s18], $0x28A0  }
0x3a: {  	[sflag:s18] =	ssyncset.done $0x0  }
0x3b: {  	s15 =	simm.s32 $0x28A0;
	s14 =	rddreg [dreg:$0x5];
	[sflag:s18] =	ssyncadd.s32 $0xFFFFD760  }
0x3c: {  	[tilespmem:s15], [sflag:$0x7] =	stream.linear.gather [hbm4b:s14+s12], $0x28A0, $0x38;
	[tilespmem:$0x1DCE0] =	vst v63  }
0x3d: {  	_ =	swait.ge [sflag:s18], $0x28A0  }
0x3e: {  	[sflag:s18] =	ssyncset.done $0x0  }
0x3f: {  	[sflag:s18] =	ssyncadd.s32 $0xFFFFD760  }
0x40: {  	s16 =	simm.s32 $0x5140;
	[bflag:$0x0] =	sbarrier.arrive $0xFFFF  }
0x41: {  	[tilespmem:s16], [sflag:$0x1] =	stream.indirect.gather [hbm4b:s4+s20], $0x50, s12, s20, $0xb8;
	[tilespmem:$0x1DCE0] =	vst v63  }
0x42: {  	s7 =	smov.u32 s17;
	s17 =	simm.s32 $0x8FC0  }
0x43: {  	[tilespmem:s17], [sflag:$0x3] =	stream.indirect.gather [hbm4b:s5+s20], $0x10, s15, s20, $0xb8;
	[tilespmem:$0x1DCE0] =	vst v63  }
.LBB2_4:
0x44: {  	s14 =	smul.u32 $0xD0, s12;
	_ =	sdelay $0x1  }
0x45: {  	s10 =	sadd.s32 $0x68, s14  }
0x46: {  	[tilespmem:s23], [sflag:$0x2] =	stream.indirect.gather [hbm4b:s4+s20], $0x50, s10, s20, $0xb8;
	[tilespmem:$0x1DCE0] =	vst v63  }
0x47: {  	s13 =	sadd.s32 $0x2908, s14  }
0x48: {  	[tilespmem:s24], [sflag:$0x4] =	stream.indirect.gather [hbm4b:s5+s20], $0x10, s13, s20, $0xb8;
	[tilespmem:$0x1DCE0] =	vst v63  }
0x49: {  	_ =	swait.ge [sflag:s25], $0x1F40  }
0x4a: {  	[sflag:s25] =	ssyncset.done $0x0  }
0x4b: {  	[sflag:s25] =	ssyncadd.s32 $0xFFFFE0C0  }
0x4c: {  	_ =	swait.ge [sflag:s26], $0x640  }
0x4d: {  	p1 =	seq.s32 s12, $0x0;
	[sflag:s26] =	ssyncset.done $0x0  }
0x4e: {  	s10 =	simm.s32 @!p1 $0x5;
	[sflag:s26] =	ssyncadd.s32 $0xFFFFF9C0  }
0x4f: {  	_ =	swait.ge @!p1 [sflag:s10], $0x1F40  }
0x50: {  	[sflag:s10] =	ssyncset.done @!p1 $0x0  }
0x51: {  	s15 =	simm.s32 $0x0;
	[sflag:s10] =	ssyncadd.s32 @!p1 $0xFFFFE0C0  }
0x52: {  	s16 =	simm.s32 $0x8FE0;
	v5 =	vld [tilespmem:s15+$0x5180]  }
0x53: {  	v6 =	vld [tilespmem:s16+$0xFFFFFFE0];
	_ =	sdelay $0x4  }
0x54: {  	v5 =	vadd.f32 v6, v5;
	_ =	sdelay $0x1  }
0x55: {  	v6 =	vmul.f32 $2.000000030e-01, v5;
	_ =	sdelay $0x1  }
0x56: {  	v5 =	vmax.f32 v5, v6  }
0x57: {  	v5 =	vmul.f32 $1.442695020e+00, v5;
	_ =	sdelay $0x1  }
0x58: {  	(erf) = vpow2.f32 v5;
	_ =	sdelay $0x8  }
0x59: {  	v5 =	vpop (erf)  }
0x5a: {  	[tilespmem:$0x11940] =	vst v5  }
0x5b: {  	v6 =	vld.idx.msk [tilespmem:v1+s28+$0x0], $0xffff  }
0x5c: {  	v7 =	vld [tilespmem:s15+$0x5140];
	_ =	sdelay $0x4  }
0x5d: {  	v6 =	vmul.f32 v7, v6;
	_ =	sdelay $0x1  }
0x5e: {  	[tilespmem:s15+$0x9C40] =	vst v6;
	v6 =	vld [tilespmem:s15+$0x5150]  }
0x5f: {  	v7 =	vld.idx.msk [tilespmem:v2+s28+$0x0], $0xffff;
	_ =	sdelay $0x4  }
0x60: {  	v6 =	vmul.f32 v6, v7;
	_ =	sdelay $0x1  }
0x61: {  	[tilespmem:s15+$0x9C50] =	vst v6;
	v6 =	vld [tilespmem:s15+$0x5160]  }
0x62: {  	v7 =	vld.idx.msk [tilespmem:v3+s28+$0x0], $0xffff;
	_ =	sdelay $0x4  }
0x63: {  	v6 =	vmul.f32 v6, v7;
	_ =	sdelay $0x1  }
0x64: {  	[tilespmem:s15+$0x9C60] =	vst v6;
	v6 =	vld [tilespmem:s15+$0x5170]  }
0x65: {  	v7 =	vld.idx.msk [tilespmem:v4+s28+$0x0], $0xffff;
	_ =	sdelay $0x4  }
0x66: {  	v6 =	vmul.f32 v6, v7  }
0x67: {  	[tilespmem:s15+$0x9C80] =	vst v5  }
0x68: {  	v5 =	vld [tilespmem:s15+$0x51D0];
	[tilespmem:s15+$0x9C70] =	vst v6  }
0x69: {  	v6 =	vld [tilespmem:s16+$0xFFFFFFF0];
	_ =	sdelay $0x4  }
0x6a: {  	v5 =	vadd.f32 v6, v5;
	_ =	sdelay $0x1  }
0x6b: {  	v6 =	vmul.f32 $2.000000030e-01, v5;
	_ =	sdelay $0x1  }
0x6c: {  	v5 =	vmax.f32 v5, v6  }
0x6d: {  	v5 =	vmul.f32 $1.442695020e+00, v5;
	_ =	sdelay $0x1  }
0x6e: {  	(erf) = vpow2.f32 v5;
	_ =	sdelay $0x8  }
0x6f: {  	v5 =	vpop (erf)  }
0x70: {  	[tilespmem:$0x11950] =	vst v5  }
0x71: {  	v6 =	vld.idx.msk [tilespmem:v1+s29+$0x0], $0xffff  }
0x72: {  	v7 =	vld [tilespmem:s15+$0x5190];
	_ =	sdelay $0x4  }
0x73: {  	v6 =	vmul.f32 v7, v6;
	_ =	sdelay $0x1  }
0x74: {  	[tilespmem:s15+$0x9C90] =	vst v6;
	v6 =	vld [tilespmem:s15+$0x51A0]  }
0x75: {  	v7 =	vld.idx.msk [tilespmem:v2+s29+$0x0], $0xffff;
	_ =	sdelay $0x4  }
0x76: {  	v6 =	vmul.f32 v6, v7;
	_ =	sdelay $0x1  }
0x77: {  	[tilespmem:s15+$0x9CA0] =	vst v6;
	v6 =	vld [tilespmem:s15+$0x51B0]  }
0x78: {  	v7 =	vld.idx.msk [tilespmem:v3+s29+$0x0], $0xffff;
	_ =	sdelay $0x4  }
0x79: {  	v6 =	vmul.f32 v6, v7;
	_ =	sdelay $0x1  }
0x7a: {  	[tilespmem:s15+$0x9CB0] =	vst v6;
	v6 =	vld [tilespmem:s15+$0x51C0]  }
0x7b: {  	v7 =	vld.idx.msk [tilespmem:v4+s29+$0x0], $0xffff;
	_ =	sdelay $0x4  }
0x7c: {  	v6 =	vmul.f32 v6, v7  }
0x7d: {  	[tilespmem:s15+$0x9CD0] =	vst v5  }
0x7e: {  	v5 =	vld [tilespmem:s15+$0x5220];
	[tilespmem:s15+$0x9CC0] =	vst v6  }
0x7f: {  	v6 =	vld [tilespmem:s16+$0x0];
	_ =	sdelay $0x4  }
0x80: {  	v5 =	vadd.f32 v6, v5;
	_ =	sdelay $0x1  }
0x81: {  	v6 =	vmul.f32 $2.000000030e-01, v5;
	_ =	sdelay $0x1  }
0x82: {  	v5 =	vmax.f32 v5, v6  }
0x83: {  	v5 =	vmul.f32 $1.442695020e+00, v5;
	_ =	sdelay $0x1  }
0x84: {  	(erf) = vpow2.f32 v5;
	_ =	sdelay $0x8  }
0x85: {  	v5 =	vpop (erf)  }
0x86: {  	[tilespmem:$0x11960] =	vst v5  }
0x87: {  	v6 =	vld.idx.msk [tilespmem:v1+s30+$0x0], $0xffff  }
0x88: {  	v7 =	vld [tilespmem:s15+$0x51E0];
	_ =	sdelay $0x4  }
0x89: {  	v6 =	vmul.f32 v7, v6;
	_ =	sdelay $0x1  }
0x8a: {  	v8 =	vld [tilespmem:s15+$0x51F0];
	[tilespmem:s15+$0x9CE0] =	vst v6  }
0x8b: {  	v6 =	vld.idx.msk [tilespmem:v2+s30+$0x0], $0xffff;
	_ =	sdelay $0x4  }
0x8c: {  	v6 =	vmul.f32 v8, v6;
	_ =	sdelay $0x1  }
0x8d: {  	v9 =	vld [tilespmem:s15+$0x5200];
	[tilespmem:s15+$0x9CF0] =	vst v6  }
0x8e: {  	v6 =	vld.idx.msk [tilespmem:v3+s30+$0x0], $0xffff;
	_ =	sdelay $0x4  }
0x8f: {  	v6 =	vmul.f32 v9, v6;
	_ =	sdelay $0x1  }
0x90: {  	v10 =	vld [tilespmem:s15+$0x5210];
	[tilespmem:s15+$0x9D00] =	vst v6  }
0x91: {  	v6 =	vld.idx.msk [tilespmem:v4+s30+$0x0], $0xffff;
	_ =	sdelay $0x4  }
0x92: {  	v6 =	vmul.f32 v10, v6  }
0x93: {  	[tilespmem:s15+$0x9D20] =	vst v5  }
0x94: {  	v7 =	vld [tilespmem:s15+$0x5270];
	[tilespmem:s15+$0x9D10] =	vst v6  }
0x95: {  	v5 =	vld [tilespmem:s16+$0x10];
	_ =	sdelay $0x4  }
0x96: {  	v5 =	vadd.f32 v5, v7;
	_ =	sdelay $0x1  }
0x97: {  	v6 =	vmul.f32 $2.000000030e-01, v5;
	_ =	sdelay $0x1  }
0x98: {  	v5 =	vmax.f32 v5, v6  }
0x99: {  	v5 =	vmul.f32 $1.442695020e+00, v5;
	_ =	sdelay $0x1  }
0x9a: {  	(erf) = vpow2.f32 v5;
	_ =	sdelay $0x8  }
0x9b: {  	v5 =	vpop (erf)  }
0x9c: {  	[tilespmem:$0x11970] =	vst v5  }
0x9d: {  	v6 =	vld.idx.msk [tilespmem:v1+s31+$0x0], $0xffff  }
0x9e: {  	v7 =	vld [tilespmem:s15+$0x5230];
	_ =	sdelay $0x4  }
0x9f: {  	v6 =	vmul.f32 v7, v6;
	_ =	sdelay $0x1  }
0xa0: {  	v59 =	vld [tilespmem:s15+$0x5240];
	[tilespmem:s15+$0x9D30] =	vst v6  }
0xa1: {  	v6 =	vld.idx.msk [tilespmem:v2+s31+$0x0], $0xffff;
	_ =	sdelay $0x4  }
0xa2: {  	v6 =	vmul.f32 v59, v6;
	_ =	sdelay $0x1  }
0xa3: {  	v60 =	vld [tilespmem:s15+$0x5250];
	[tilespmem:s15+$0x9D40] =	vst v6  }
0xa4: {  	v6 =	vld.idx.msk [tilespmem:v3+s31+$0x0], $0xffff;
	_ =	sdelay $0x4  }
0xa5: {  	v6 =	vmul.f32 v60, v6;
	_ =	sdelay $0x1  }
0xa6: {  	v61 =	vld [tilespmem:s15+$0x5260];
	[tilespmem:s15+$0x9D50] =	vst v6  }
0xa7: {  	v6 =	vld.idx.msk [tilespmem:v4+s31+$0x0], $0xffff;
	_ =	sdelay $0x4  }
0xa8: {  	v6 =	vmul.f32 v61, v6  }
0xa9: {  	[tilespmem:s15+$0x9D70] =	vst v5  }
0xaa: {  	v7 =	vld [tilespmem:s15+$0x52C0];
	[tilespmem:s15+$0x9D60] =	vst v6  }
0xab: {  	v5 =	vld [tilespmem:s16+$0x20];
	_ =	sdelay $0x4  }
0xac: {  	v5 =	vadd.f32 v5, v7;
	_ =	sdelay $0x1  }
0xad: {  	v6 =	vmul.f32 $2.000000030e-01, v5;
	_ =	sdelay $0x1  }
0xae: {  	v5 =	vmax.f32 v5, v6  }
0xaf: {  	v5 =	vmul.f32 $1.442695020e+00, v5;
	_ =	sdelay $0x1  }
0xb0: {  	(erf) = vpow2.f32 v5;
	_ =	sdelay $0x8  }
0xb1: {  	v5 =	vpop (erf)  }
0xb2: {  	[tilespmem:$0x11980] =	vst v5  }
0xb3: {  	v6 =	vld.idx.msk [tilespmem:v1+s1+$0x0], $0xffff  }
0xb4: {  	v7 =	vld [tilespmem:s15+$0x5280];
	_ =	sdelay $0x4  }
0xb5: {  	v6 =	vmul.f32 v7, v6;
	_ =	sdelay $0x1  }
0xb6: {  	v62 =	vld [tilespmem:s15+$0x5290];
	[tilespmem:s15+$0x9D80] =	vst v6  }
0xb7: {  	v6 =	vld.idx.msk [tilespmem:v2+s1+$0x0], $0xffff;
	_ =	sdelay $0x4  }
0xb8: {  	v6 =	vmul.f32 v62, v6;
	_ =	sdelay $0x1  }
0xb9: {  	v63 =	vld [tilespmem:s15+$0x52A0];
	[tilespmem:s15+$0x9D90] =	vst v6  }
0xba: {  	v6 =	vld.idx.msk [tilespmem:v3+s1+$0x0], $0xffff;
	_ =	sdelay $0x4  }
0xbb: {  	v6 =	vmul.f32 v63, v6;
	_ =	sdelay $0x1  }
0xbc: {  	v7 =	vld [tilespmem:s15+$0x52B0];
	[tilespmem:s15+$0x9DA0] =	vst v6  }
0xbd: {  	v6 =	vld.idx.msk [tilespmem:v4+s1+$0x0], $0xffff;
	_ =	sdelay $0x4  }
0xbe: {  	s17 =	simm.s32 $0x640;
	s10 =	simm.s32 $0xC80;
	[tilespmem:s15+$0x9DC0] =	vst v5;
	v5 =	vmul.f32 v7, v6  }
.LBB2_5:
0xbf: {  	s6 =	sshra.s32 s17, $0x2  }
0xc0: {  	s16 =	sadd.s32 $0x50, s16;
	s17 =	smov.u32 s10;
	s11 =	sadd.s32 $0x640, s10  }
0xc1: {  	p2 =	sne.s32 s10, $0x76C0;
	v6 =	vld [tilespmem:s6+$0x5180];
	[tilespmem:s15+$0x9DB0] =	vst v5;
	s15 =	smov.u32 s6  }
0xc2: {  	v5 =	vld [tilespmem:s16+$0xFFFFFFE0];
	_ =	sdelay $0x4  }
0xc3: {  	v5 =	vadd.f32 v5, v6;
	_ =	sdelay $0x1  }
0xc4: {  	v6 =	vmul.f32 $2.000000030e-01, v5;
	_ =	sdelay $0x1  }
0xc5: {  	v5 =	vmax.f32 v5, v6  }
0xc6: {  	v5 =	vmul.f32 $1.442695020e+00, v5;
	_ =	sdelay $0x1  }
0xc7: {  	(erf) = vpow2.f32 v5;
	_ =	sdelay $0x8  }
0xc8: {  	v5 =	vpop (erf)  }
0xc9: {  	[tilespmem:$0x11940] =	vst v5  }
0xca: {  	v6 =	vld.idx.msk [tilespmem:v1+s28+$0x0], $0xffff  }
0xcb: {  	v7 =	vld [tilespmem:s15+$0x5140];
	_ =	sdelay $0x4  }
0xcc: {  	v6 =	vmul.f32 v7, v6;
	_ =	sdelay $0x1  }
0xcd: {  	[tilespmem:s15+$0x9C40] =	vst v6;
	v6 =	vld [tilespmem:s15+$0x5150]  }
0xce: {  	v7 =	vld.idx.msk [tilespmem:v2+s28+$0x0], $0xffff;
	_ =	sdelay $0x5  }
0xcf: {  	v6 =	vmul.f32 v6, v7;
	_ =	sdelay $0x1  }
0xd0: {  	[tilespmem:s15+$0x9C50] =	vst v6;
	v6 =	vld [tilespmem:s15+$0x5160]  }
0xd1: {  	v7 =	vld.idx.msk [tilespmem:v3+s28+$0x0], $0xffff;
	_ =	sdelay $0x5  }
0xd2: {  	v6 =	vmul.f32 v6, v7;
	_ =	sdelay $0x1  }
0xd3: {  	[tilespmem:s15+$0x9C60] =	vst v6;
	v6 =	vld [tilespmem:s15+$0x5170]  }
0xd4: {  	v7 =	vld.idx.msk [tilespmem:v4+s28+$0x0], $0xffff;
	_ =	sdelay $0x5  }
0xd5: {  	v6 =	vmul.f32 v6, v7  }
0xd6: {  	[tilespmem:s15+$0x9C80] =	vst v5  }
0xd7: {  	[tilespmem:s15+$0x9C70] =	vst v6;
	v5 =	vld [tilespmem:s15+$0x51D0]  }
0xd8: {  	v6 =	vld [tilespmem:s16+$0xFFFFFFF0];
	_ =	sdelay $0x4  }
0xd9: {  	v5 =	vadd.f32 v6, v5;
	_ =	sdelay $0x1  }
0xda: {  	v6 =	vmul.f32 $2.000000030e-01, v5;
	_ =	sdelay $0x1  }
0xdb: {  	v5 =	vmax.f32 v5, v6  }
0xdc: {  	v5 =	vmul.f32 $1.442695020e+00, v5;
	_ =	sdelay $0x1  }
0xdd: {  	(erf) = vpow2.f32 v5;
	_ =	sdelay $0x8  }
0xde: {  	v5 =	vpop (erf)  }
0xdf: {  	[tilespmem:$0x11950] =	vst v5  }
0xe0: {  	v6 =	vld.idx.msk [tilespmem:v1+s29+$0x0], $0xffff  }
0xe1: {  	v7 =	vld [tilespmem:s15+$0x5190];
	_ =	sdelay $0x4  }
0xe2: {  	v6 =	vmul.f32 v7, v6;
	_ =	sdelay $0x1  }
0xe3: {  	[tilespmem:s15+$0x9C90] =	vst v6;
	v6 =	vld [tilespmem:s15+$0x51A0]  }
0xe4: {  	v7 =	vld.idx.msk [tilespmem:v2+s29+$0x0], $0xffff;
	_ =	sdelay $0x5  }
0xe5: {  	v6 =	vmul.f32 v6, v7;
	_ =	sdelay $0x1  }
0xe6: {  	[tilespmem:s15+$0x9CA0] =	vst v6;
	v6 =	vld [tilespmem:s15+$0x51B0]  }
0xe7: {  	v7 =	vld.idx.msk [tilespmem:v3+s29+$0x0], $0xffff;
	_ =	sdelay $0x5  }
0xe8: {  	v6 =	vmul.f32 v6, v7;
	_ =	sdelay $0x1  }
0xe9: {  	[tilespmem:s15+$0x9CB0] =	vst v6;
	v6 =	vld [tilespmem:s15+$0x51C0]  }
0xea: {  	v7 =	vld.idx.msk [tilespmem:v4+s29+$0x0], $0xffff;
	_ =	sdelay $0x5  }
0xeb: {  	v6 =	vmul.f32 v6, v7  }
0xec: {  	[tilespmem:s15+$0x9CD0] =	vst v5  }
0xed: {  	[tilespmem:s15+$0x9CC0] =	vst v6;
	v5 =	vld [tilespmem:s15+$0x5220]  }
0xee: {  	v6 =	vld [tilespmem:s16+$0x0];
	_ =	sdelay $0x4  }
0xef: {  	v5 =	vadd.f32 v6, v5;
	_ =	sdelay $0x1  }
0xf0: {  	v6 =	vmul.f32 $2.000000030e-01, v5;
	_ =	sdelay $0x1  }
0xf1: {  	v5 =	vmax.f32 v5, v6  }
0xf2: {  	v5 =	vmul.f32 $1.442695020e+00, v5;
	_ =	sdelay $0x1  }
0xf3: {  	(erf) = vpow2.f32 v5;
	_ =	sdelay $0x8  }
0xf4: {  	v5 =	vpop (erf)  }
0xf5: {  	[tilespmem:$0x11960] =	vst v5  }
0xf6: {  	v6 =	vld.idx.msk [tilespmem:v1+s30+$0x0], $0xffff  }
0xf7: {  	v7 =	vld [tilespmem:s15+$0x51E0]  }
0xf8: {  	v8 =	vld [tilespmem:s15+$0x51F0]  }
0xf9: {  	v9 =	vld [tilespmem:s15+$0x5200]  }
0xfa: {  	v10 =	vld [tilespmem:s15+$0x5210]  }
0xfb: {  	v11 =	vld [tilespmem:s15+$0x5270]  }
0xfc: {  	v6 =	vmul.f32 v7, v6;
	_ =	sdelay $0x1  }
0xfd: {  	[tilespmem:s15+$0x9CE0] =	vst v6  }
0xfe: {  	v6 =	vld.idx.msk [tilespmem:v2+s30+$0x0], $0xffff;
	_ =	sdelay $0x5  }
0xff: {  	v6 =	vmul.f32 v8, v6;
	_ =	sdelay $0x1  }
0x100: {  	[tilespmem:s15+$0x9CF0] =	vst v6  }
0x101: {  	v6 =	vld.idx.msk [tilespmem:v3+s30+$0x0], $0xffff;
	_ =	sdelay $0x5  }
0x102: {  	v6 =	vmul.f32 v9, v6;
	_ =	sdelay $0x1  }
0x103: {  	[tilespmem:s15+$0x9D00] =	vst v6  }
0x104: {  	v6 =	vld.idx.msk [tilespmem:v4+s30+$0x0], $0xffff  }
0x105: {  	[tilespmem:s15+$0x9D20] =	vst v5;
	_ =	sdelay $0x4  }
0x106: {  	v5 =	vmul.f32 v10, v6;
	_ =	sdelay $0x1  }
0x107: {  	[tilespmem:s15+$0x9D10] =	vst v5  }
0x108: {  	v5 =	vld [tilespmem:s16+$0x10];
	_ =	sdelay $0x4  }
0x109: {  	v5 =	vadd.f32 v5, v11;
	_ =	sdelay $0x1  }
0x10a: {  	v6 =	vmul.f32 $2.000000030e-01, v5;
	_ =	sdelay $0x1  }
0x10b: {  	v5 =	vmax.f32 v5, v6  }
0x10c: {  	v5 =	vmul.f32 $1.442695020e+00, v5;
	_ =	sdelay $0x1  }
0x10d: {  	(erf) = vpow2.f32 v5;
	_ =	sdelay $0x8  }
0x10e: {  	v5 =	vpop (erf)  }
0x10f: {  	[tilespmem:$0x11970] =	vst v5  }
0x110: {  	v6 =	vld.idx.msk [tilespmem:v1+s31+$0x0], $0xffff  }
0x111: {  	v7 =	vld [tilespmem:s15+$0x5230]  }
0x112: {  	v8 =	vld [tilespmem:s15+$0x5240]  }
0x113: {  	v9 =	vld [tilespmem:s15+$0x5250]  }
0x114: {  	v10 =	vld [tilespmem:s15+$0x5260]  }
0x115: {  	v11 =	vld [tilespmem:s15+$0x52C0]  }
0x116: {  	v6 =	vmul.f32 v7, v6;
	_ =	sdelay $0x1  }
0x117: {  	[tilespmem:s15+$0x9D30] =	vst v6  }
0x118: {  	v6 =	vld.idx.msk [tilespmem:v2+s31+$0x0], $0xffff;
	_ =	sdelay $0x5  }
0x119: {  	v6 =	vmul.f32 v8, v6;
	_ =	sdelay $0x1  }
0x11a: {  	[tilespmem:s15+$0x9D40] =	vst v6  }
0x11b: {  	v6 =	vld.idx.msk [tilespmem:v3+s31+$0x0], $0xffff;
	_ =	sdelay $0x5  }
0x11c: {  	v6 =	vmul.f32 v9, v6;
	_ =	sdelay $0x1  }
0x11d: {  	[tilespmem:s15+$0x9D50] =	vst v6  }
0x11e: {  	v6 =	vld.idx.msk [tilespmem:v4+s31+$0x0], $0xffff  }
0x11f: {  	[tilespmem:s15+$0x9D70] =	vst v5;
	_ =	sdelay $0x4  }
0x120: {  	v5 =	vmul.f32 v10, v6;
	_ =	sdelay $0x1  }
0x121: {  	[tilespmem:s15+$0x9D60] =	vst v5  }
0x122: {  	v5 =	vld [tilespmem:s16+$0x20];
	_ =	sdelay $0x4  }
0x123: {  	v5 =	vadd.f32 v5, v11;
	_ =	sdelay $0x1  }
0x124: {  	v6 =	vmul.f32 $2.000000030e-01, v5;
	_ =	sdelay $0x1  }
0x125: {  	v5 =	vmax.f32 v5, v6  }
0x126: {  	v5 =	vmul.f32 $1.442695020e+00, v5;
	_ =	sdelay $0x1  }
0x127: {  	(erf) = vpow2.f32 v5;
	_ =	sdelay $0x8  }
0x128: {  	v5 =	vpop (erf)  }
0x129: {  	[tilespmem:$0x11980] =	vst v5  }
0x12a: {  	v6 =	vld.idx.msk [tilespmem:v1+s1+$0x0], $0xffff  }
0x12b: {  	v7 =	vld [tilespmem:s15+$0x5280]  }
0x12c: {  	v8 =	vld [tilespmem:s15+$0x5290]  }
0x12d: {  	v9 =	vld [tilespmem:s15+$0x52A0]  }
0x12e: {  	v10 =	vld [tilespmem:s15+$0x52B0];
	_ =	sdelay $0x1  }
0x12f: {  	v6 =	vmul.f32 v7, v6;
	_ =	sdelay $0x1  }
0x130: {  	[tilespmem:s15+$0x9D80] =	vst v6  }
0x131: {  	v6 =	vld.idx.msk [tilespmem:v2+s1+$0x0], $0xffff;
	_ =	sdelay $0x5  }
0x132: {  	v6 =	vmul.f32 v8, v6;
	_ =	sdelay $0x1  }
0x133: {  	[tilespmem:s15+$0x9D90] =	vst v6  }
0x134: {  	v6 =	vld.idx.msk [tilespmem:v3+s1+$0x0], $0xffff;
	_ =	sdelay $0x5  }
0x135: {  	v6 =	vmul.f32 v9, v6;
	_ =	sdelay $0x1  }
0x136: {  	[tilespmem:s15+$0x9DA0] =	vst v6  }
0x137: {  	v6 =	vld.idx.msk [tilespmem:v4+s1+$0x0], $0xffff  }
0x138: {  	[tilespmem:s15+$0x9DC0] =	vst v5  }
.Ltmp1:
0x139: {  	(pc) =	sbr.rel @p2 .LBB2_5-.Ltmp1, $2  }
0x13a: {  	_ =	sdelay $0x2  }
0x13b: {  	s10 =	smov.u32 s11;
	v5 =	vmul.f32 v10, v6  }
0x13c: {  	s10 =	sshra.s32 s17, $0x2  }
0x13d: {  	s16 =	sadd.s32 $0x50, s16;
	v6 =	vld [tilespmem:s10+$0x5180];
	[tilespmem:s15+$0x9DB0] =	vst v5  }
0x13e: {  	v5 =	vld [tilespmem:s16+$0xFFFFFFE0];
	_ =	sdelay $0x4  }
0x13f: {  	v5 =	vadd.f32 v5, v6;
	_ =	sdelay $0x1  }
0x140: {  	v6 =	vmul.f32 $2.000000030e-01, v5;
	_ =	sdelay $0x1  }
0x141: {  	v5 =	vmax.f32 v5, v6  }
0x142: {  	v5 =	vmul.f32 $1.442695020e+00, v5;
	_ =	sdelay $0x1  }
0x143: {  	(erf) = vpow2.f32 v5;
	_ =	sdelay $0x8  }
0x144: {  	v5 =	vpop (erf)  }
0x145: {  	[tilespmem:$0x11940] =	vst v5  }
0x146: {  	v6 =	vld.idx.msk [tilespmem:v1+s28+$0x0], $0xffff  }
0x147: {  	v7 =	vld [tilespmem:s10+$0x5140];
	_ =	sdelay $0x4  }
0x148: {  	v6 =	vmul.f32 v7, v6;
	_ =	sdelay $0x1  }
0x149: {  	[tilespmem:s10+$0x9C40] =	vst v6;
	v6 =	vld [tilespmem:s10+$0x5150]  }
0x14a: {  	v7 =	vld.idx.msk [tilespmem:v2+s28+$0x0], $0xffff;
	_ =	sdelay $0x4  }
0x14b: {  	v6 =	vmul.f32 v6, v7;
	_ =	sdelay $0x1  }
0x14c: {  	[tilespmem:s10+$0x9C50] =	vst v6;
	v6 =	vld [tilespmem:s10+$0x5160]  }
0x14d: {  	v7 =	vld.idx.msk [tilespmem:v3+s28+$0x0], $0xffff;
	_ =	sdelay $0x4  }
0x14e: {  	v6 =	vmul.f32 v6, v7;
	_ =	sdelay $0x1  }
0x14f: {  	[tilespmem:s10+$0x9C60] =	vst v6;
	v6 =	vld [tilespmem:s10+$0x5170]  }
0x150: {  	v7 =	vld.idx.msk [tilespmem:v4+s28+$0x0], $0xffff;
	_ =	sdelay $0x4  }
0x151: {  	v6 =	vmul.f32 v6, v7  }
0x152: {  	[tilespmem:s10+$0x9C80] =	vst v5  }
0x153: {  	v5 =	vld [tilespmem:s10+$0x51D0];
	[tilespmem:s10+$0x9C70] =	vst v6  }
0x154: {  	v6 =	vld [tilespmem:s16+$0xFFFFFFF0];
	_ =	sdelay $0x4  }
0x155: {  	v5 =	vadd.f32 v6, v5;
	_ =	sdelay $0x1  }
0x156: {  	v6 =	vmul.f32 $2.000000030e-01, v5;
	_ =	sdelay $0x1  }
0x157: {  	v5 =	vmax.f32 v5, v6  }
0x158: {  	v5 =	vmul.f32 $1.442695020e+00, v5;
	_ =	sdelay $0x1  }
0x159: {  	(erf) = vpow2.f32 v5;
	_ =	sdelay $0x8  }
0x15a: {  	v5 =	vpop (erf)  }
0x15b: {  	[tilespmem:$0x11950] =	vst v5  }
0x15c: {  	v6 =	vld.idx.msk [tilespmem:v1+s29+$0x0], $0xffff  }
0x15d: {  	v7 =	vld [tilespmem:s10+$0x5190];
	_ =	sdelay $0x4  }
0x15e: {  	v6 =	vmul.f32 v7, v6;
	_ =	sdelay $0x1  }
0x15f: {  	[tilespmem:s10+$0x9C90] =	vst v6;
	v6 =	vld [tilespmem:s10+$0x51A0]  }
0x160: {  	v7 =	vld.idx.msk [tilespmem:v2+s29+$0x0], $0xffff;
	_ =	sdelay $0x4  }
0x161: {  	v6 =	vmul.f32 v6, v7;
	_ =	sdelay $0x1  }
0x162: {  	[tilespmem:s10+$0x9CA0] =	vst v6;
	v6 =	vld [tilespmem:s10+$0x51B0]  }
0x163: {  	v7 =	vld.idx.msk [tilespmem:v3+s29+$0x0], $0xffff;
	_ =	sdelay $0x4  }
0x164: {  	v6 =	vmul.f32 v6, v7;
	_ =	sdelay $0x1  }
0x165: {  	[tilespmem:s10+$0x9CB0] =	vst v6;
	v6 =	vld [tilespmem:s10+$0x51C0]  }
0x166: {  	v7 =	vld.idx.msk [tilespmem:v4+s29+$0x0], $0xffff;
	_ =	sdelay $0x4  }
0x167: {  	v6 =	vmul.f32 v6, v7  }
0x168: {  	[tilespmem:s10+$0x9CD0] =	vst v5  }
0x169: {  	v5 =	vld [tilespmem:s10+$0x5220];
	[tilespmem:s10+$0x9CC0] =	vst v6  }
0x16a: {  	v6 =	vld [tilespmem:s16+$0x0];
	_ =	sdelay $0x4  }
0x16b: {  	v5 =	vadd.f32 v6, v5;
	_ =	sdelay $0x1  }
0x16c: {  	v6 =	vmul.f32 $2.000000030e-01, v5;
	_ =	sdelay $0x1  }
0x16d: {  	v5 =	vmax.f32 v5, v6  }
0x16e: {  	v5 =	vmul.f32 $1.442695020e+00, v5;
	_ =	sdelay $0x1  }
0x16f: {  	(erf) = vpow2.f32 v5;
	_ =	sdelay $0x8  }
0x170: {  	v5 =	vpop (erf)  }
0x171: {  	[tilespmem:$0x11960] =	vst v5  }
0x172: {  	v6 =	vld.idx.msk [tilespmem:v1+s30+$0x0], $0xffff  }
0x173: {  	v7 =	vld [tilespmem:s10+$0x51E0];
	_ =	sdelay $0x4  }
0x174: {  	v6 =	vmul.f32 v7, v6;
	_ =	sdelay $0x1  }
0x175: {  	v7 =	vld [tilespmem:s10+$0x51F0];
	[tilespmem:s10+$0x9CE0] =	vst v6  }
0x176: {  	v6 =	vld.idx.msk [tilespmem:v2+s30+$0x0], $0xffff;
	_ =	sdelay $0x4  }
0x177: {  	v6 =	vmul.f32 v7, v6;
	_ =	sdelay $0x1  }
0x178: {  	v7 =	vld [tilespmem:s10+$0x5200];
	[tilespmem:s10+$0x9CF0] =	vst v6  }
0x179: {  	v6 =	vld.idx.msk [tilespmem:v3+s30+$0x0], $0xffff;
	_ =	sdelay $0x4  }
0x17a: {  	v6 =	vmul.f32 v7, v6;
	_ =	sdelay $0x1  }
0x17b: {  	v7 =	vld [tilespmem:s10+$0x5210];
	[tilespmem:s10+$0x9D00] =	vst v6  }
0x17c: {  	v6 =	vld.idx.msk [tilespmem:v4+s30+$0x0], $0xffff;
	_ =	sdelay $0x4  }
0x17d: {  	v6 =	vmul.f32 v7, v6  }
0x17e: {  	[tilespmem:s10+$0x9D20] =	vst v5  }
0x17f: {  	v5 =	vld [tilespmem:s10+$0x5270];
	[tilespmem:s10+$0x9D10] =	vst v6  }
0x180: {  	v6 =	vld [tilespmem:s16+$0x10];
	_ =	sdelay $0x4  }
0x181: {  	v5 =	vadd.f32 v6, v5;
	_ =	sdelay $0x1  }
0x182: {  	v6 =	vmul.f32 $2.000000030e-01, v5;
	_ =	sdelay $0x1  }
0x183: {  	v5 =	vmax.f32 v5, v6  }
0x184: {  	v5 =	vmul.f32 $1.442695020e+00, v5;
	_ =	sdelay $0x1  }
0x185: {  	(erf) = vpow2.f32 v5;
	_ =	sdelay $0x8  }
0x186: {  	v5 =	vpop (erf)  }
0x187: {  	[tilespmem:$0x11970] =	vst v5  }
0x188: {  	v6 =	vld.idx.msk [tilespmem:v1+s31+$0x0], $0xffff  }
0x189: {  	v7 =	vld [tilespmem:s10+$0x5230];
	_ =	sdelay $0x4  }
0x18a: {  	v6 =	vmul.f32 v7, v6;
	_ =	sdelay $0x1  }
0x18b: {  	v7 =	vld [tilespmem:s10+$0x5240];
	[tilespmem:s10+$0x9D30] =	vst v6  }
0x18c: {  	v6 =	vld.idx.msk [tilespmem:v2+s31+$0x0], $0xffff;
	_ =	sdelay $0x4  }
0x18d: {  	v6 =	vmul.f32 v7, v6;
	_ =	sdelay $0x1  }
0x18e: {  	v7 =	vld [tilespmem:s10+$0x5250];
	[tilespmem:s10+$0x9D40] =	vst v6  }
0x18f: {  	v6 =	vld.idx.msk [tilespmem:v3+s31+$0x0], $0xffff;
	_ =	sdelay $0x4  }
0x190: {  	v6 =	vmul.f32 v7, v6;
	_ =	sdelay $0x1  }
0x191: {  	v7 =	vld [tilespmem:s10+$0x5260];
	[tilespmem:s10+$0x9D50] =	vst v6  }
0x192: {  	v6 =	vld.idx.msk [tilespmem:v4+s31+$0x0], $0xffff;
	_ =	sdelay $0x4  }
0x193: {  	v6 =	vmul.f32 v7, v6  }
0x194: {  	[tilespmem:s10+$0x9D70] =	vst v5  }
0x195: {  	v5 =	vld [tilespmem:s10+$0x52C0];
	[tilespmem:s10+$0x9D60] =	vst v6  }
0x196: {  	v6 =	vld [tilespmem:s16+$0x20];
	_ =	sdelay $0x4  }
0x197: {  	v5 =	vadd.f32 v6, v5;
	_ =	sdelay $0x1  }
0x198: {  	v6 =	vmul.f32 $2.000000030e-01, v5;
	_ =	sdelay $0x1  }
0x199: {  	v5 =	vmax.f32 v5, v6  }
0x19a: {  	v5 =	vmul.f32 $1.442695020e+00, v5;
	_ =	sdelay $0x1  }
0x19b: {  	(erf) = vpow2.f32 v5;
	_ =	sdelay $0x8  }
0x19c: {  	v5 =	vpop (erf)  }
0x19d: {  	[tilespmem:$0x11980] =	vst v5  }
0x19e: {  	v6 =	vld.idx.msk [tilespmem:v1+s1+$0x0], $0xffff  }
0x19f: {  	v7 =	vld [tilespmem:s10+$0x5280];
	_ =	sdelay $0x4  }
0x1a0: {  	v6 =	vmul.f32 v7, v6;
	_ =	sdelay $0x1  }
0x1a1: {  	v7 =	vld [tilespmem:s10+$0x5290];
	[tilespmem:s10+$0x9D80] =	vst v6  }
0x1a2: {  	v6 =	vld.idx.msk [tilespmem:v2+s1+$0x0], $0xffff;
	_ =	sdelay $0x4  }
0x1a3: {  	v6 =	vmul.f32 v7, v6;
	_ =	sdelay $0x1  }
0x1a4: {  	v7 =	vld [tilespmem:s10+$0x52A0];
	[tilespmem:s10+$0x9D90] =	vst v6  }
0x1a5: {  	v6 =	vld.idx.msk [tilespmem:v3+s1+$0x0], $0xffff;
	_ =	sdelay $0x4  }
0x1a6: {  	v6 =	vmul.f32 v7, v6;
	_ =	sdelay $0x1  }
0x1a7: {  	v7 =	vld [tilespmem:s10+$0x52B0];
	[tilespmem:s10+$0x9DA0] =	vst v6  }
0x1a8: {  	v6 =	vld.idx.msk [tilespmem:v4+s1+$0x0], $0xffff;
	_ =	sdelay $0x3  }
0x1a9: {  	s6 =	smul.u32 $0x340, s12  }
0x1aa: {  	v6 =	vmul.f32 v7, v6  }
0x1ab: {  	s6 =	sshra.s32 s6, $0x2;
	[tilespmem:s10+$0x9DC0] =	vst v5  }
0x1ac: {  	p2 =	seq.s32 s12, $0x31;
	s6 =	sadd.s32 $0x28A0, s6;
	[tilespmem:s10+$0x9DB0] =	vst v6  }
0x1ad: {  	[spmem:s2] =	stream.indirect.scatter.add.f32 [tilespmem:s21], [sflag:$0x5], $0x50, s6, s20, $0xb8;
	[tilespmem:$0x1DCE0] =	vst v63  }
0x1ae: {  	s11 =	simm.s32 @!p2 $0x5140;
	s10 =	simm.s32 @!p2 $0x64;
	s6 =	sadd.s32 @!p2 $0xD0, s14  }
0x1af: {  	[tilespmem:s11], [sflag:$0x1] =	stream.indirect.gather @!p2 [hbm4b:s4+s10], $0x50, s6, s10, $0xb8;
	[tilespmem:$0x1DCE0] =	vst v63  }
0x1b0: {  	s6 =	sadd.s32 @!p2 $0x2970, s14;
	s11 =	simm.s32 @!p2 $0x8FC0  }
0x1b1: {  	[tilespmem:s11], [sflag:$0x3] =	stream.indirect.gather @!p2 [hbm4b:s5+s10], $0x10, s6, s10, $0xb8;
	[tilespmem:$0x1DCE0] =	vst v63  }
0x1b2: {  	_ =	swait.ge [sflag:s22], $0x1F40  }
0x1b3: {  	[sflag:s22] =	ssyncset.done $0x0  }
0x1b4: {  	[sflag:s22] =	ssyncadd.s32 $0xFFFFE0C0  }
0x1b5: {  	_ =	swait.ge [sflag:s0], $0x640  }
0x1b6: {  	[sflag:s0] =	ssyncset.done $0x0  }
0x1b7: {  	s6 =	simm.s32 @!p1 $0x6;
	[sflag:s0] =	ssyncadd.s32 $0xFFFFF9C0  }
0x1b8: {  	_ =	swait.ge @!p1 [sflag:s6], $0x1F40  }
0x1b9: {  	[sflag:s6] =	ssyncset.done @!p1 $0x0  }
0x1ba: {  	s14 =	simm.s32 $0x0;
	[sflag:s6] =	ssyncadd.s32 @!p1 $0xFFFFE0C0  }
0x1bb: {  	s15 =	simm.s32 $0x9620;
	v5 =	vld [tilespmem:s14+$0x70C0]  }
0x1bc: {  	v6 =	vld [tilespmem:s15+$0xFFFFFFE0];
	_ =	sdelay $0x4  }
0x1bd: {  	v5 =	vadd.f32 v6, v5;
	_ =	sdelay $0x1  }
0x1be: {  	v6 =	vmul.f32 $2.000000030e-01, v5;
	_ =	sdelay $0x1  }
0x1bf: {  	v5 =	vmax.f32 v5, v6  }
0x1c0: {  	v5 =	vmul.f32 $1.442695020e+00, v5;
	_ =	sdelay $0x1  }
0x1c1: {  	(erf) = vpow2.f32 v5;
	_ =	sdelay $0x8  }
0x1c2: {  	v5 =	vpop (erf)  }
0x1c3: {  	[tilespmem:$0x11940] =	vst v5  }
0x1c4: {  	v6 =	vld.idx.msk [tilespmem:v1+s28+$0x0], $0xffff  }
0x1c5: {  	v7 =	vld [tilespmem:s14+$0x7080];
	_ =	sdelay $0x4  }
0x1c6: {  	v6 =	vmul.f32 v7, v6;
	_ =	sdelay $0x1  }
0x1c7: {  	[tilespmem:s14+$0xBB80] =	vst v6;
	v6 =	vld [tilespmem:s14+$0x7090]  }
0x1c8: {  	v7 =	vld.idx.msk [tilespmem:v2+s28+$0x0], $0xffff;
	_ =	sdelay $0x4  }
0x1c9: {  	v6 =	vmul.f32 v6, v7;
	_ =	sdelay $0x1  }
0x1ca: {  	[tilespmem:s14+$0xBB90] =	vst v6;
	v6 =	vld [tilespmem:s14+$0x70A0]  }
0x1cb: {  	v7 =	vld.idx.msk [tilespmem:v3+s28+$0x0], $0xffff;
	_ =	sdelay $0x4  }
0x1cc: {  	v6 =	vmul.f32 v6, v7;
	_ =	sdelay $0x1  }
0x1cd: {  	[tilespmem:s14+$0xBBA0] =	vst v6;
	v6 =	vld [tilespmem:s14+$0x70B0]  }
0x1ce: {  	v7 =	vld.idx.msk [tilespmem:v4+s28+$0x0], $0xffff;
	_ =	sdelay $0x4  }
0x1cf: {  	v6 =	vmul.f32 v6, v7  }
0x1d0: {  	[tilespmem:s14+$0xBBC0] =	vst v5  }
0x1d1: {  	v5 =	vld [tilespmem:s14+$0x7110];
	[tilespmem:s14+$0xBBB0] =	vst v6  }
0x1d2: {  	v6 =	vld [tilespmem:s15+$0xFFFFFFF0];
	_ =	sdelay $0x4  }
0x1d3: {  	v5 =	vadd.f32 v6, v5;
	_ =	sdelay $0x1  }
0x1d4: {  	v6 =	vmul.f32 $2.000000030e-01, v5;
	_ =	sdelay $0x1  }
0x1d5: {  	v5 =	vmax.f32 v5, v6  }
0x1d6: {  	v5 =	vmul.f32 $1.442695020e+00, v5;
	_ =	sdelay $0x1  }
0x1d7: {  	(erf) = vpow2.f32 v5;
	_ =	sdelay $0x8  }
0x1d8: {  	v5 =	vpop (erf)  }
0x1d9: {  	[tilespmem:$0x11950] =	vst v5  }
0x1da: {  	v6 =	vld.idx.msk [tilespmem:v1+s29+$0x0], $0xffff  }
0x1db: {  	v7 =	vld [tilespmem:s14+$0x70D0];
	_ =	sdelay $0x4  }
0x1dc: {  	v6 =	vmul.f32 v7, v6;
	_ =	sdelay $0x1  }
0x1dd: {  	[tilespmem:s14+$0xBBD0] =	vst v6;
	v6 =	vld [tilespmem:s14+$0x70E0]  }
0x1de: {  	v7 =	vld.idx.msk [tilespmem:v2+s29+$0x0], $0xffff;
	_ =	sdelay $0x4  }
0x1df: {  	v6 =	vmul.f32 v6, v7;
	_ =	sdelay $0x1  }
0x1e0: {  	[tilespmem:s14+$0xBBE0] =	vst v6;
	v6 =	vld [tilespmem:s14+$0x70F0]  }
0x1e1: {  	v7 =	vld.idx.msk [tilespmem:v3+s29+$0x0], $0xffff;
	_ =	sdelay $0x4  }
0x1e2: {  	v6 =	vmul.f32 v6, v7;
	_ =	sdelay $0x1  }
0x1e3: {  	[tilespmem:s14+$0xBBF0] =	vst v6;
	v6 =	vld [tilespmem:s14+$0x7100]  }
0x1e4: {  	v7 =	vld.idx.msk [tilespmem:v4+s29+$0x0], $0xffff;
	_ =	sdelay $0x4  }
0x1e5: {  	v6 =	vmul.f32 v6, v7  }
0x1e6: {  	[tilespmem:s14+$0xBC10] =	vst v5  }
0x1e7: {  	v5 =	vld [tilespmem:s14+$0x7160];
	[tilespmem:s14+$0xBC00] =	vst v6  }
0x1e8: {  	v6 =	vld [tilespmem:s15+$0x0];
	_ =	sdelay $0x4  }
0x1e9: {  	v5 =	vadd.f32 v6, v5;
	_ =	sdelay $0x1  }
0x1ea: {  	v6 =	vmul.f32 $2.000000030e-01, v5;
	_ =	sdelay $0x1  }
0x1eb: {  	v5 =	vmax.f32 v5, v6  }
0x1ec: {  	v5 =	vmul.f32 $1.442695020e+00, v5;
	_ =	sdelay $0x1  }
0x1ed: {  	(erf) = vpow2.f32 v5;
	_ =	sdelay $0x8  }
0x1ee: {  	v5 =	vpop (erf)  }
0x1ef: {  	[tilespmem:$0x11960] =	vst v5  }
0x1f0: {  	v6 =	vld.idx.msk [tilespmem:v1+s30+$0x0], $0xffff  }
0x1f1: {  	v7 =	vld [tilespmem:s14+$0x7120];
	_ =	sdelay $0x4  }
0x1f2: {  	v6 =	vmul.f32 v7, v6;
	_ =	sdelay $0x1  }
0x1f3: {  	v8 =	vld [tilespmem:s14+$0x7130];
	[tilespmem:s14+$0xBC20] =	vst v6  }
0x1f4: {  	v6 =	vld.idx.msk [tilespmem:v2+s30+$0x0], $0xffff;
	_ =	sdelay $0x4  }
0x1f5: {  	v6 =	vmul.f32 v8, v6;
	_ =	sdelay $0x1  }
0x1f6: {  	v9 =	vld [tilespmem:s14+$0x7140];
	[tilespmem:s14+$0xBC30] =	vst v6  }
0x1f7: {  	v6 =	vld.idx.msk [tilespmem:v3+s30+$0x0], $0xffff;
	_ =	sdelay $0x4  }
0x1f8: {  	v6 =	vmul.f32 v9, v6;
	_ =	sdelay $0x1  }
0x1f9: {  	v10 =	vld [tilespmem:s14+$0x7150];
	[tilespmem:s14+$0xBC40] =	vst v6  }
0x1fa: {  	v6 =	vld.idx.msk [tilespmem:v4+s30+$0x0], $0xffff;
	_ =	sdelay $0x4  }
0x1fb: {  	v6 =	vmul.f32 v10, v6  }
0x1fc: {  	[tilespmem:s14+$0xBC60] =	vst v5  }
0x1fd: {  	v7 =	vld [tilespmem:s14+$0x71B0];
	[tilespmem:s14+$0xBC50] =	vst v6  }
0x1fe: {  	v5 =	vld [tilespmem:s15+$0x10];
	_ =	sdelay $0x4  }
0x1ff: {  	v5 =	vadd.f32 v5, v7;
	_ =	sdelay $0x1  }
0x200: {  	v6 =	vmul.f32 $2.000000030e-01, v5;
	_ =	sdelay $0x1  }
0x201: {  	v5 =	vmax.f32 v5, v6  }
0x202: {  	v5 =	vmul.f32 $1.442695020e+00, v5;
	_ =	sdelay $0x1  }
0x203: {  	(erf) = vpow2.f32 v5;
	_ =	sdelay $0x8  }
0x204: {  	v5 =	vpop (erf)  }
0x205: {  	[tilespmem:$0x11970] =	vst v5  }
0x206: {  	v6 =	vld.idx.msk [tilespmem:v1+s31+$0x0], $0xffff  }
0x207: {  	v7 =	vld [tilespmem:s14+$0x7170];
	_ =	sdelay $0x4  }
0x208: {  	v6 =	vmul.f32 v7, v6;
	_ =	sdelay $0x1  }
0x209: {  	v59 =	vld [tilespmem:s14+$0x7180];
	[tilespmem:s14+$0xBC70] =	vst v6  }
0x20a: {  	v6 =	vld.idx.msk [tilespmem:v2+s31+$0x0], $0xffff;
	_ =	sdelay $0x4  }
0x20b: {  	v6 =	vmul.f32 v59, v6;
	_ =	sdelay $0x1  }
0x20c: {  	v60 =	vld [tilespmem:s14+$0x7190];
	[tilespmem:s14+$0xBC80] =	vst v6  }
0x20d: {  	v6 =	vld.idx.msk [tilespmem:v3+s31+$0x0], $0xffff;
	_ =	sdelay $0x4  }
0x20e: {  	v6 =	vmul.f32 v60, v6;
	_ =	sdelay $0x1  }
0x20f: {  	v61 =	vld [tilespmem:s14+$0x71A0];
	[tilespmem:s14+$0xBC90] =	vst v6  }
0x210: {  	v6 =	vld.idx.msk [tilespmem:v4+s31+$0x0], $0xffff;
	_ =	sdelay $0x4  }
0x211: {  	v6 =	vmul.f32 v61, v6  }
0x212: {  	[tilespmem:s14+$0xBCB0] =	vst v5  }
0x213: {  	v7 =	vld [tilespmem:s14+$0x7200];
	[tilespmem:s14+$0xBCA0] =	vst v6  }
0x214: {  	v5 =	vld [tilespmem:s15+$0x20];
	_ =	sdelay $0x4  }
0x215: {  	v5 =	vadd.f32 v5, v7;
	_ =	sdelay $0x1  }
0x216: {  	v6 =	vmul.f32 $2.000000030e-01, v5;
	_ =	sdelay $0x1  }
0x217: {  	v5 =	vmax.f32 v5, v6  }
0x218: {  	v5 =	vmul.f32 $1.442695020e+00, v5;
	_ =	sdelay $0x1  }
0x219: {  	(erf) = vpow2.f32 v5;
	_ =	sdelay $0x8  }
0x21a: {  	v5 =	vpop (erf)  }
0x21b: {  	[tilespmem:$0x11980] =	vst v5  }
0x21c: {  	v6 =	vld.idx.msk [tilespmem:v1+s1+$0x0], $0xffff  }
0x21d: {  	v7 =	vld [tilespmem:s14+$0x71C0];
	_ =	sdelay $0x4  }
0x21e: {  	v6 =	vmul.f32 v7, v6;
	_ =	sdelay $0x1  }
0x21f: {  	v62 =	vld [tilespmem:s14+$0x71D0];
	[tilespmem:s14+$0xBCC0] =	vst v6  }
0x220: {  	v6 =	vld.idx.msk [tilespmem:v2+s1+$0x0], $0xffff;
	_ =	sdelay $0x4  }
0x221: {  	v6 =	vmul.f32 v62, v6;
	_ =	sdelay $0x1  }
0x222: {  	v63 =	vld [tilespmem:s14+$0x71E0];
	[tilespmem:s14+$0xBCD0] =	vst v6  }
0x223: {  	v6 =	vld.idx.msk [tilespmem:v3+s1+$0x0], $0xffff;
	_ =	sdelay $0x4  }
0x224: {  	v6 =	vmul.f32 v63, v6;
	_ =	sdelay $0x1  }
0x225: {  	v7 =	vld [tilespmem:s14+$0x71F0];
	[tilespmem:s14+$0xBCE0] =	vst v6  }
0x226: {  	v6 =	vld.idx.msk [tilespmem:v4+s1+$0x0], $0xffff;
	_ =	sdelay $0x4  }
0x227: {  	s16 =	simm.s32 $0x640;
	s11 =	simm.s32 $0xC80;
	[tilespmem:s14+$0xBD00] =	vst v5;
	v5 =	vmul.f32 v7, v6  }
.LBB2_7:
0x228: {  	s6 =	sshra.s32 s16, $0x2  }
0x229: {  	s15 =	sadd.s32 $0x50, s15;
	s16 =	smov.u32 s11;
	s10 =	sadd.s32 $0x640, s11  }
0x22a: {  	p1 =	sne.s32 s11, $0x76C0;
	v6 =	vld [tilespmem:s6+$0x70C0];
	[tilespmem:s14+$0xBCF0] =	vst v5;
	s14 =	smov.u32 s6  }
0x22b: {  	v5 =	vld [tilespmem:s15+$0xFFFFFFE0];
	_ =	sdelay $0x4  }
0x22c: {  	v5 =	vadd.f32 v5, v6;
	_ =	sdelay $0x1  }
0x22d: {  	v6 =	vmul.f32 $2.000000030e-01, v5;
	_ =	sdelay $0x1  }
0x22e: {  	v5 =	vmax.f32 v5, v6  }
0x22f: {  	v5 =	vmul.f32 $1.442695020e+00, v5;
	_ =	sdelay $0x1  }
0x230: {  	(erf) = vpow2.f32 v5;
	_ =	sdelay $0x8  }
0x231: {  	v5 =	vpop (erf)  }
0x232: {  	[tilespmem:$0x11940] =	vst v5  }
0x233: {  	v6 =	vld.idx.msk [tilespmem:v1+s28+$0x0], $0xffff  }
0x234: {  	v7 =	vld [tilespmem:s14+$0x7080];
	_ =	sdelay $0x4  }
0x235: {  	v6 =	vmul.f32 v7, v6;
	_ =	sdelay $0x1  }
0x236: {  	[tilespmem:s14+$0xBB80] =	vst v6;
	v6 =	vld [tilespmem:s14+$0x7090]  }
0x237: {  	v7 =	vld.idx.msk [tilespmem:v2+s28+$0x0], $0xffff;
	_ =	sdelay $0x5  }
0x238: {  	v6 =	vmul.f32 v6, v7;
	_ =	sdelay $0x1  }
0x239: {  	[tilespmem:s14+$0xBB90] =	vst v6;
	v6 =	vld [tilespmem:s14+$0x70A0]  }
0x23a: {  	v7 =	vld.idx.msk [tilespmem:v3+s28+$0x0], $0xffff;
	_ =	sdelay $0x5  }
0x23b: {  	v6 =	vmul.f32 v6, v7;
	_ =	sdelay $0x1  }
0x23c: {  	[tilespmem:s14+$0xBBA0] =	vst v6;
	v6 =	vld [tilespmem:s14+$0x70B0]  }
0x23d: {  	v7 =	vld.idx.msk [tilespmem:v4+s28+$0x0], $0xffff;
	_ =	sdelay $0x5  }
0x23e: {  	v6 =	vmul.f32 v6, v7  }
0x23f: {  	[tilespmem:s14+$0xBBC0] =	vst v5  }
0x240: {  	[tilespmem:s14+$0xBBB0] =	vst v6;
	v5 =	vld [tilespmem:s14+$0x7110]  }
0x241: {  	v6 =	vld [tilespmem:s15+$0xFFFFFFF0];
	_ =	sdelay $0x4  }
0x242: {  	v5 =	vadd.f32 v6, v5;
	_ =	sdelay $0x1  }
0x243: {  	v6 =	vmul.f32 $2.000000030e-01, v5;
	_ =	sdelay $0x1  }
0x244: {  	v5 =	vmax.f32 v5, v6  }
0x245: {  	v5 =	vmul.f32 $1.442695020e+00, v5;
	_ =	sdelay $0x1  }
0x246: {  	(erf) = vpow2.f32 v5;
	_ =	sdelay $0x8  }
0x247: {  	v5 =	vpop (erf)  }
0x248: {  	[tilespmem:$0x11950] =	vst v5  }
0x249: {  	v6 =	vld.idx.msk [tilespmem:v1+s29+$0x0], $0xffff  }
0x24a: {  	v7 =	vld [tilespmem:s14+$0x70D0];
	_ =	sdelay $0x4  }
0x24b: {  	v6 =	vmul.f32 v7, v6;
	_ =	sdelay $0x1  }
0x24c: {  	[tilespmem:s14+$0xBBD0] =	vst v6;
	v6 =	vld [tilespmem:s14+$0x70E0]  }
0x24d: {  	v7 =	vld.idx.msk [tilespmem:v2+s29+$0x0], $0xffff;
	_ =	sdelay $0x5  }
0x24e: {  	v6 =	vmul.f32 v6, v7;
	_ =	sdelay $0x1  }
0x24f: {  	[tilespmem:s14+$0xBBE0] =	vst v6;
	v6 =	vld [tilespmem:s14+$0x70F0]  }
0x250: {  	v7 =	vld.idx.msk [tilespmem:v3+s29+$0x0], $0xffff;
	_ =	sdelay $0x5  }
0x251: {  	v6 =	vmul.f32 v6, v7;
	_ =	sdelay $0x1  }
0x252: {  	[tilespmem:s14+$0xBBF0] =	vst v6;
	v6 =	vld [tilespmem:s14+$0x7100]  }
0x253: {  	v7 =	vld.idx.msk [tilespmem:v4+s29+$0x0], $0xffff;
	_ =	sdelay $0x5  }
0x254: {  	v6 =	vmul.f32 v6, v7  }
0x255: {  	[tilespmem:s14+$0xBC10] =	vst v5  }
0x256: {  	[tilespmem:s14+$0xBC00] =	vst v6;
	v5 =	vld [tilespmem:s14+$0x7160]  }
0x257: {  	v6 =	vld [tilespmem:s15+$0x0];
	_ =	sdelay $0x4  }
0x258: {  	v5 =	vadd.f32 v6, v5;
	_ =	sdelay $0x1  }
0x259: {  	v6 =	vmul.f32 $2.000000030e-01, v5;
	_ =	sdelay $0x1  }
0x25a: {  	v5 =	vmax.f32 v5, v6  }
0x25b: {  	v5 =	vmul.f32 $1.442695020e+00, v5;
	_ =	sdelay $0x1  }
0x25c: {  	(erf) = vpow2.f32 v5;
	_ =	sdelay $0x8  }
0x25d: {  	v5 =	vpop (erf)  }
0x25e: {  	[tilespmem:$0x11960] =	vst v5  }
0x25f: {  	v6 =	vld.idx.msk [tilespmem:v1+s30+$0x0], $0xffff  }
0x260: {  	v7 =	vld [tilespmem:s14+$0x7120]  }
0x261: {  	v8 =	vld [tilespmem:s14+$0x7130]  }
0x262: {  	v9 =	vld [tilespmem:s14+$0x7140]  }
0x263: {  	v10 =	vld [tilespmem:s14+$0x7150]  }
0x264: {  	v11 =	vld [tilespmem:s14+$0x71B0]  }
0x265: {  	v6 =	vmul.f32 v7, v6;
	_ =	sdelay $0x1  }
0x266: {  	[tilespmem:s14+$0xBC20] =	vst v6  }
0x267: {  	v6 =	vld.idx.msk [tilespmem:v2+s30+$0x0], $0xffff;
	_ =	sdelay $0x5  }
0x268: {  	v6 =	vmul.f32 v8, v6;
	_ =	sdelay $0x1  }
0x269: {  	[tilespmem:s14+$0xBC30] =	vst v6  }
0x26a: {  	v6 =	vld.idx.msk [tilespmem:v3+s30+$0x0], $0xffff;
	_ =	sdelay $0x5  }
0x26b: {  	v6 =	vmul.f32 v9, v6;
	_ =	sdelay $0x1  }
0x26c: {  	[tilespmem:s14+$0xBC40] =	vst v6  }
0x26d: {  	v6 =	vld.idx.msk [tilespmem:v4+s30+$0x0], $0xffff  }
0x26e: {  	[tilespmem:s14+$0xBC60] =	vst v5;
	_ =	sdelay $0x4  }
0x26f: {  	v5 =	vmul.f32 v10, v6;
	_ =	sdelay $0x1  }
0x270: {  	[tilespmem:s14+$0xBC50] =	vst v5  }
0x271: {  	v5 =	vld [tilespmem:s15+$0x10];
	_ =	sdelay $0x4  }
0x272: {  	v5 =	vadd.f32 v5, v11;
	_ =	sdelay $0x1  }
0x273: {  	v6 =	vmul.f32 $2.000000030e-01, v5;
	_ =	sdelay $0x1  }
0x274: {  	v5 =	vmax.f32 v5, v6  }
0x275: {  	v5 =	vmul.f32 $1.442695020e+00, v5;
	_ =	sdelay $0x1  }
0x276: {  	(erf) = vpow2.f32 v5;
	_ =	sdelay $0x8  }
0x277: {  	v5 =	vpop (erf)  }
0x278: {  	[tilespmem:$0x11970] =	vst v5  }
0x279: {  	v6 =	vld.idx.msk [tilespmem:v1+s31+$0x0], $0xffff  }
0x27a: {  	v7 =	vld [tilespmem:s14+$0x7170]  }
0x27b: {  	v8 =	vld [tilespmem:s14+$0x7180]  }
0x27c: {  	v9 =	vld [tilespmem:s14+$0x7190]  }
0x27d: {  	v10 =	vld [tilespmem:s14+$0x71A0]  }
0x27e: {  	v11 =	vld [tilespmem:s14+$0x7200]  }
0x27f: {  	v6 =	vmul.f32 v7, v6;
	_ =	sdelay $0x1  }
0x280: {  	[tilespmem:s14+$0xBC70] =	vst v6  }
0x281: {  	v6 =	vld.idx.msk [tilespmem:v2+s31+$0x0], $0xffff;
	_ =	sdelay $0x5  }
0x282: {  	v6 =	vmul.f32 v8, v6;
	_ =	sdelay $0x1  }
0x283: {  	[tilespmem:s14+$0xBC80] =	vst v6  }
0x284: {  	v6 =	vld.idx.msk [tilespmem:v3+s31+$0x0], $0xffff;
	_ =	sdelay $0x5  }
0x285: {  	v6 =	vmul.f32 v9, v6;
	_ =	sdelay $0x1  }
0x286: {  	[tilespmem:s14+$0xBC90] =	vst v6  }
0x287: {  	v6 =	vld.idx.msk [tilespmem:v4+s31+$0x0], $0xffff  }
0x288: {  	[tilespmem:s14+$0xBCB0] =	vst v5;
	_ =	sdelay $0x4  }
0x289: {  	v5 =	vmul.f32 v10, v6;
	_ =	sdelay $0x1  }
0x28a: {  	[tilespmem:s14+$0xBCA0] =	vst v5  }
0x28b: {  	v5 =	vld [tilespmem:s15+$0x20];
	_ =	sdelay $0x4  }
0x28c: {  	v5 =	vadd.f32 v5, v11;
	_ =	sdelay $0x1  }
0x28d: {  	v6 =	vmul.f32 $2.000000030e-01, v5;
	_ =	sdelay $0x1  }
0x28e: {  	v5 =	vmax.f32 v5, v6  }
0x28f: {  	v5 =	vmul.f32 $1.442695020e+00, v5;
	_ =	sdelay $0x1  }
0x290: {  	(erf) = vpow2.f32 v5;
	_ =	sdelay $0x8  }
0x291: {  	v5 =	vpop (erf)  }
0x292: {  	[tilespmem:$0x11980] =	vst v5  }
0x293: {  	v6 =	vld.idx.msk [tilespmem:v1+s1+$0x0], $0xffff  }
0x294: {  	v7 =	vld [tilespmem:s14+$0x71C0]  }
0x295: {  	v8 =	vld [tilespmem:s14+$0x71D0]  }
0x296: {  	v9 =	vld [tilespmem:s14+$0x71E0]  }
0x297: {  	v10 =	vld [tilespmem:s14+$0x71F0];
	_ =	sdelay $0x1  }
0x298: {  	v6 =	vmul.f32 v7, v6;
	_ =	sdelay $0x1  }
0x299: {  	[tilespmem:s14+$0xBCC0] =	vst v6  }
0x29a: {  	v6 =	vld.idx.msk [tilespmem:v2+s1+$0x0], $0xffff;
	_ =	sdelay $0x5  }
0x29b: {  	v6 =	vmul.f32 v8, v6;
	_ =	sdelay $0x1  }
0x29c: {  	[tilespmem:s14+$0xBCD0] =	vst v6  }
0x29d: {  	v6 =	vld.idx.msk [tilespmem:v3+s1+$0x0], $0xffff;
	_ =	sdelay $0x5  }
0x29e: {  	v6 =	vmul.f32 v9, v6;
	_ =	sdelay $0x1  }
0x29f: {  	[tilespmem:s14+$0xBCE0] =	vst v6  }
0x2a0: {  	v6 =	vld.idx.msk [tilespmem:v4+s1+$0x0], $0xffff  }
0x2a1: {  	[tilespmem:s14+$0xBD00] =	vst v5  }
.Ltmp2:
0x2a2: {  	(pc) =	sbr.rel @p1 .LBB2_7-.Ltmp2, $2  }
0x2a3: {  	_ =	sdelay $0x2  }
0x2a4: {  	s11 =	smov.u32 s10;
	v5 =	vmul.f32 v10, v6  }
0x2a5: {  	s10 =	sshra.s32 s16, $0x2  }
0x2a6: {  	s15 =	sadd.s32 $0x50, s15;
	v6 =	vld [tilespmem:s10+$0x70C0];
	[tilespmem:s14+$0xBCF0] =	vst v5  }
0x2a7: {  	v5 =	vld [tilespmem:s15+$0xFFFFFFE0];
	_ =	sdelay $0x4  }
0x2a8: {  	v5 =	vadd.f32 v5, v6;
	_ =	sdelay $0x1  }
0x2a9: {  	v6 =	vmul.f32 $2.000000030e-01, v5;
	_ =	sdelay $0x1  }
0x2aa: {  	v5 =	vmax.f32 v5, v6  }
0x2ab: {  	v5 =	vmul.f32 $1.442695020e+00, v5;
	_ =	sdelay $0x1  }
0x2ac: {  	(erf) = vpow2.f32 v5;
	_ =	sdelay $0x8  }
0x2ad: {  	v5 =	vpop (erf)  }
0x2ae: {  	[tilespmem:$0x11940] =	vst v5  }
0x2af: {  	v6 =	vld.idx.msk [tilespmem:v1+s28+$0x0], $0xffff  }
0x2b0: {  	v7 =	vld [tilespmem:s10+$0x7080];
	_ =	sdelay $0x4  }
0x2b1: {  	v6 =	vmul.f32 v7, v6;
	_ =	sdelay $0x1  }
0x2b2: {  	[tilespmem:s10+$0xBB80] =	vst v6;
	v6 =	vld [tilespmem:s10+$0x7090]  }
0x2b3: {  	v7 =	vld.idx.msk [tilespmem:v2+s28+$0x0], $0xffff;
	_ =	sdelay $0x4  }
0x2b4: {  	v6 =	vmul.f32 v6, v7;
	_ =	sdelay $0x1  }
0x2b5: {  	[tilespmem:s10+$0xBB90] =	vst v6;
	v6 =	vld [tilespmem:s10+$0x70A0]  }
0x2b6: {  	v7 =	vld.idx.msk [tilespmem:v3+s28+$0x0], $0xffff;
	_ =	sdelay $0x4  }
0x2b7: {  	v6 =	vmul.f32 v6, v7;
	_ =	sdelay $0x1  }
0x2b8: {  	[tilespmem:s10+$0xBBA0] =	vst v6;
	v6 =	vld [tilespmem:s10+$0x70B0]  }
0x2b9: {  	v7 =	vld.idx.msk [tilespmem:v4+s28+$0x0], $0xffff;
	_ =	sdelay $0x4  }
0x2ba: {  	v6 =	vmul.f32 v6, v7  }
0x2bb: {  	[tilespmem:s10+$0xBBC0] =	vst v5  }
0x2bc: {  	v5 =	vld [tilespmem:s10+$0x7110];
	[tilespmem:s10+$0xBBB0] =	vst v6  }
0x2bd: {  	v6 =	vld [tilespmem:s15+$0xFFFFFFF0];
	_ =	sdelay $0x4  }
0x2be: {  	v5 =	vadd.f32 v6, v5;
	_ =	sdelay $0x1  }
0x2bf: {  	v6 =	vmul.f32 $2.000000030e-01, v5;
	_ =	sdelay $0x1  }
0x2c0: {  	v5 =	vmax.f32 v5, v6  }
0x2c1: {  	v5 =	vmul.f32 $1.442695020e+00, v5;
	_ =	sdelay $0x1  }
0x2c2: {  	(erf) = vpow2.f32 v5;
	_ =	sdelay $0x8  }
0x2c3: {  	v5 =	vpop (erf)  }
0x2c4: {  	[tilespmem:$0x11950] =	vst v5  }
0x2c5: {  	v6 =	vld.idx.msk [tilespmem:v1+s29+$0x0], $0xffff  }
0x2c6: {  	v7 =	vld [tilespmem:s10+$0x70D0];
	_ =	sdelay $0x4  }
0x2c7: {  	v6 =	vmul.f32 v7, v6;
	_ =	sdelay $0x1  }
0x2c8: {  	[tilespmem:s10+$0xBBD0] =	vst v6;
	v6 =	vld [tilespmem:s10+$0x70E0]  }
0x2c9: {  	v7 =	vld.idx.msk [tilespmem:v2+s29+$0x0], $0xffff;
	_ =	sdelay $0x4  }
0x2ca: {  	v6 =	vmul.f32 v6, v7;
	_ =	sdelay $0x1  }
0x2cb: {  	[tilespmem:s10+$0xBBE0] =	vst v6;
	v6 =	vld [tilespmem:s10+$0x70F0]  }
0x2cc: {  	v7 =	vld.idx.msk [tilespmem:v3+s29+$0x0], $0xffff;
	_ =	sdelay $0x4  }
0x2cd: {  	v6 =	vmul.f32 v6, v7;
	_ =	sdelay $0x1  }
0x2ce: {  	[tilespmem:s10+$0xBBF0] =	vst v6;
	v6 =	vld [tilespmem:s10+$0x7100]  }
0x2cf: {  	v7 =	vld.idx.msk [tilespmem:v4+s29+$0x0], $0xffff;
	_ =	sdelay $0x4  }
0x2d0: {  	v6 =	vmul.f32 v6, v7  }
0x2d1: {  	[tilespmem:s10+$0xBC10] =	vst v5  }
0x2d2: {  	v5 =	vld [tilespmem:s10+$0x7160];
	[tilespmem:s10+$0xBC00] =	vst v6  }
0x2d3: {  	v6 =	vld [tilespmem:s15+$0x0];
	_ =	sdelay $0x4  }
0x2d4: {  	v5 =	vadd.f32 v6, v5;
	_ =	sdelay $0x1  }
0x2d5: {  	v6 =	vmul.f32 $2.000000030e-01, v5;
	_ =	sdelay $0x1  }
0x2d6: {  	v5 =	vmax.f32 v5, v6  }
0x2d7: {  	v5 =	vmul.f32 $1.442695020e+00, v5;
	_ =	sdelay $0x1  }
0x2d8: {  	(erf) = vpow2.f32 v5;
	_ =	sdelay $0x8  }
0x2d9: {  	v5 =	vpop (erf)  }
0x2da: {  	[tilespmem:$0x11960] =	vst v5  }
0x2db: {  	v6 =	vld.idx.msk [tilespmem:v1+s30+$0x0], $0xffff  }
0x2dc: {  	v7 =	vld [tilespmem:s10+$0x7120];
	_ =	sdelay $0x4  }
0x2dd: {  	v6 =	vmul.f32 v7, v6;
	_ =	sdelay $0x1  }
0x2de: {  	v7 =	vld [tilespmem:s10+$0x7130];
	[tilespmem:s10+$0xBC20] =	vst v6  }
0x2df: {  	v6 =	vld.idx.msk [tilespmem:v2+s30+$0x0], $0xffff;
	_ =	sdelay $0x4  }
0x2e0: {  	v6 =	vmul.f32 v7, v6;
	_ =	sdelay $0x1  }
0x2e1: {  	v7 =	vld [tilespmem:s10+$0x7140];
	[tilespmem:s10+$0xBC30] =	vst v6  }
0x2e2: {  	v6 =	vld.idx.msk [tilespmem:v3+s30+$0x0], $0xffff;
	_ =	sdelay $0x4  }
0x2e3: {  	v6 =	vmul.f32 v7, v6;
	_ =	sdelay $0x1  }
0x2e4: {  	v7 =	vld [tilespmem:s10+$0x7150];
	[tilespmem:s10+$0xBC40] =	vst v6  }
0x2e5: {  	v6 =	vld.idx.msk [tilespmem:v4+s30+$0x0], $0xffff;
	_ =	sdelay $0x4  }
0x2e6: {  	v6 =	vmul.f32 v7, v6  }
0x2e7: {  	[tilespmem:s10+$0xBC60] =	vst v5  }
0x2e8: {  	v5 =	vld [tilespmem:s10+$0x71B0];
	[tilespmem:s10+$0xBC50] =	vst v6  }
0x2e9: {  	v6 =	vld [tilespmem:s15+$0x10];
	_ =	sdelay $0x4  }
0x2ea: {  	v5 =	vadd.f32 v6, v5;
	_ =	sdelay $0x1  }
0x2eb: {  	v6 =	vmul.f32 $2.000000030e-01, v5;
	_ =	sdelay $0x1  }
0x2ec: {  	v5 =	vmax.f32 v5, v6  }
0x2ed: {  	v5 =	vmul.f32 $1.442695020e+00, v5;
	_ =	sdelay $0x1  }
0x2ee: {  	(erf) = vpow2.f32 v5;
	_ =	sdelay $0x8  }
0x2ef: {  	v5 =	vpop (erf)  }
0x2f0: {  	[tilespmem:$0x11970] =	vst v5  }
0x2f1: {  	v6 =	vld.idx.msk [tilespmem:v1+s31+$0x0], $0xffff  }
0x2f2: {  	v7 =	vld [tilespmem:s10+$0x7170];
	_ =	sdelay $0x4  }
0x2f3: {  	v6 =	vmul.f32 v7, v6;
	_ =	sdelay $0x1  }
0x2f4: {  	v7 =	vld [tilespmem:s10+$0x7180];
	[tilespmem:s10+$0xBC70] =	vst v6  }
0x2f5: {  	v6 =	vld.idx.msk [tilespmem:v2+s31+$0x0], $0xffff;
	_ =	sdelay $0x4  }
0x2f6: {  	v6 =	vmul.f32 v7, v6;
	_ =	sdelay $0x1  }
0x2f7: {  	v7 =	vld [tilespmem:s10+$0x7190];
	[tilespmem:s10+$0xBC80] =	vst v6  }
0x2f8: {  	v6 =	vld.idx.msk [tilespmem:v3+s31+$0x0], $0xffff;
	_ =	sdelay $0x4  }
0x2f9: {  	v6 =	vmul.f32 v7, v6;
	_ =	sdelay $0x1  }
0x2fa: {  	v7 =	vld [tilespmem:s10+$0x71A0];
	[tilespmem:s10+$0xBC90] =	vst v6  }
0x2fb: {  	v6 =	vld.idx.msk [tilespmem:v4+s31+$0x0], $0xffff;
	_ =	sdelay $0x4  }
0x2fc: {  	v6 =	vmul.f32 v7, v6  }
0x2fd: {  	[tilespmem:s10+$0xBCB0] =	vst v5  }
0x2fe: {  	v5 =	vld [tilespmem:s10+$0x7200];
	[tilespmem:s10+$0xBCA0] =	vst v6  }
0x2ff: {  	v6 =	vld [tilespmem:s15+$0x20];
	_ =	sdelay $0x4  }
0x300: {  	v5 =	vadd.f32 v6, v5;
	_ =	sdelay $0x1  }
0x301: {  	v6 =	vmul.f32 $2.000000030e-01, v5;
	_ =	sdelay $0x1  }
0x302: {  	v5 =	vmax.f32 v5, v6  }
0x303: {  	v5 =	vmul.f32 $1.442695020e+00, v5;
	_ =	sdelay $0x1  }
0x304: {  	(erf) = vpow2.f32 v5;
	_ =	sdelay $0x8  }
0x305: {  	v5 =	vpop (erf)  }
0x306: {  	[tilespmem:$0x11980] =	vst v5  }
0x307: {  	v6 =	vld.idx.msk [tilespmem:v1+s1+$0x0], $0xffff  }
0x308: {  	v7 =	vld [tilespmem:s10+$0x71C0];
	_ =	sdelay $0x4  }
0x309: {  	v6 =	vmul.f32 v7, v6;
	_ =	sdelay $0x1  }
0x30a: {  	v7 =	vld [tilespmem:s10+$0x71D0];
	[tilespmem:s10+$0xBCC0] =	vst v6  }
0x30b: {  	v6 =	vld.idx.msk [tilespmem:v2+s1+$0x0], $0xffff;
	_ =	sdelay $0x4  }
0x30c: {  	v6 =	vmul.f32 v7, v6;
	_ =	sdelay $0x1  }
0x30d: {  	v7 =	vld [tilespmem:s10+$0x71E0];
	[tilespmem:s10+$0xBCD0] =	vst v6  }
0x30e: {  	v6 =	vld.idx.msk [tilespmem:v3+s1+$0x0], $0xffff;
	_ =	sdelay $0x4  }
0x30f: {  	v6 =	vmul.f32 v7, v6;
	_ =	sdelay $0x1  }
0x310: {  	v7 =	vld [tilespmem:s10+$0x71F0];
	[tilespmem:s10+$0xBCE0] =	vst v6  }
0x311: {  	v6 =	vld.idx.msk [tilespmem:v4+s1+$0x0], $0xffff;
	_ =	sdelay $0x1  }
0x312: {  	s12 =	sadd.s32 $0x1, s12  }
0x313: {  	p1 =	sne.s32 s12, $0x32  }
.Ltmp3:
0x314: {  	_ = 	snop;
	(pc) =	sbr.rel @p1 .LBB2_4-.Ltmp3, $4  }
0x315: {  	v6 =	vmul.f32 v7, v6  }
0x316: {  	[tilespmem:s10+$0xBD00] =	vst v5  }
0x317: {  	[tilespmem:s10+$0xBCF0] =	vst v6  }
0x318: {  	[spmem:s2] =	stream.indirect.scatter.add.f32 [tilespmem:s19], [sflag:$0x6], $0x50, s13, s20, $0xb8;
	[tilespmem:$0x1DCE0] =	vst v63  }
0x319: {  	s6 =	simm.s32 $0x5  }
0x31a: {  	_ =	swait.ge [sflag:s6], $0x1F40  }
0x31b: {  	[sflag:s6] =	ssyncset.done $0x0  }
0x31c: {  	s14 =	simm.s32 $0x6;
	[sflag:s6] =	ssyncadd.s32 $0xFFFFE0C0  }
0x31d: {  	_ =	swait.ge [sflag:s14], $0x1F40  }
0x31e: {  	[sflag:s14] =	ssyncset.done $0x0  }
0x31f: {  	s15 =	stileid.u32;
	[sflag:s14] =	ssyncadd.s32 $0xFFFFE0C0  }
0x320: {  	s6 =	sshll.u32 s15, $0x6;
	[bflag:$0x0] =	sbarrier.arrive $0xFFFF  }
0x321: {  	s10 =	sshrl.u32 s7, $0x3;
	s6 =	sor.u32 $0x1C07, s6;
	s16 =	rddreg [dreg:$0x6]  }
0x322: {  	[hbm:s16], [sflag:s6] =	dma.local [spmem:s10], $0x7D0  }
0x323: {  	_ =	swait.ge [sflag:s18], $0x7D0  }
0x324: {  	[sflag:s18] =	ssyncset.done $0x0;
	s11 =	rddreg [dreg:$0x3]  }
0x325: {  	s13 =	rddreg [dreg:$0x7];
	[sflag:s18] =	ssyncadd.s32 $0xFFFFF830;
	s12 =	sshrl.u32 s11, $0x3  }
0x326: {  	[hbm:s13], [sflag:s6] =	dma.local [spmem:s12], $0x7D0  }
0x327: {  	_ =	swait.ge [sflag:s18], $0x7D0  }
0x328: {  	[sflag:s18] =	ssyncset.done $0x0  }
0x329: {  	s14 =	sshrl.u32 s8, $0x3;
	s15 =	rddreg [dreg:$0x8];
	[sflag:s18] =	ssyncadd.s32 $0xFFFFF830  }
0x32a: {  	[hbm:s15], [sflag:s6] =	dma.local [spmem:s14], $0x7D0  }
0x32b: {  	_ =	swait.ge [sflag:s18], $0x7D0  }
0x32c: {  	s17 =	smov.u32 s7;
	[sflag:s18] =	ssyncset.done $0x0  }
0x32d: {  	s10 =	sshrl.u32 @!p0 s9, $0x3;
	s7 =	rddreg [dreg:$0x9];
	[sflag:s18] =	ssyncadd.s32 $0xFFFFF830  }
0x32e: {  	[hbm:s7], [sflag:s6] =	dma.local @!p0 [spmem:s10], $0x7D0  }
0x32f: {  	s6 =	simm.s32 @!p0 $0x7  }
0x330: {  	_ =	swait.ge @!p0 [sflag:s6], $0x7D0  }
0x331: {  	s3 =	sadd.s32 $0x1, s3;
	s16 =	rddreg [dreg:$0xa]  }
0x332: {  	p1 =	sne.s32 s3, s16  }
.Ltmp4:
0x333: {  	_ = 	snop;
	(pc) =	sbr.rel @p1 .LBB2_1-.Ltmp4, $3  }
0x334: {  	_ =	sdelay $0x1  }
0x335: {  	[sflag:s6] =	ssyncset.done @!p0 $0x0  }
0x336: {  	[sflag:s6] =	ssyncadd.s32 @!p0 $0xFFFFF830  }
0x337: {  	_ =	sfence.sel $0x180000  }
0x338: {  	[bflag:$0x0] =	sbarrier.arrive $0xFFFF  }
0x339: {  	_ =	strace $0x90000047  }
0x33a: {  	s0 =	stileid.u32;
	[bflag:$0x2] =	sbarrier.arrive $0xFFFF  }
0x33b: {  	p0 =	sne.s32 s0, $0x0;
	s0 =	rddreg [dreg:$0x2]  }
0x33c: {  	s0 =	sadd.s32 @!p0 $0x100000, s0  }
0x33d: {  	[sflag:s0] =	ssyncadd.tile.s32 @!p0 $0x1;
	_ =	shalt  }
.Lfunc_end2:
_tile_overlayer_lowered:
.L_overlay_start_2:
0x33e: {  	(tag) =	ssettag $0x2  }
0x33f: {  	s0 =	rddreg [dreg:$0x0];
	s2 =	stileid.u32  }
0x340: {  	s1 =	rddreg [dreg:$0x1];
	p0 =	sne.s32 s2, $0x0  }
0x341: {  	s3 =	rddreg [dreg:$0x2];
	[bflag:$0x3] =	sbarrier.arrive $0xFFFF;
	s2 =	simm.s32 @!p0 $0x1C07  }
0x342: {  	[timem:s3], [sflag:s2] =	dma.local @!p0 [hbm:s0], s1  }
0x343: {  	s0 =	simm.s32 @!p0 $0x7  }
0x344: {  	_ =	swait.ge @!p0 [sflag:s0], s1  }
0x345: {  	s1 =	ssub.s32 @!p0 $0x0, s1;
	[sflag:s0] =	ssyncset.done @!p0 $0x0  }
0x346: {  	[sflag:s0] =	ssyncadd.s32 @!p0 s1  }
0x347: {  	[bflag:$0x3] =	sbarrier.arrive $0xFFFF  }
0x348: {  	_ =	shalt  }

</sc_bundles>
